<compile_context>
chip_gen: v7x
topology: tpu7x:2x2x1
jax: 0.10.2.dev20260603
libtpu: 0.0.44.dev20260713+nightly
codegen_flags: <defaults>
</compile_context>

<pallas_src>
import math

import jax
import jax.numpy as jnp
from jax import lax
from jax.experimental import pallas as pl
from jax.experimental.pallas import tpu as pltpu
from jax.experimental.pallas import tpu_sc as plsc

N_NODES = 10000
N_EVENTS = 320000
D = 128

NC = 2
NS = 16
L = 16
NW = NC * NS
PER_TILE = N_EVENTS // NW
CH = 96
NB = 2
N_FULL = PER_TILE // CH
CH_T = PER_TILE - N_FULL * CH

_COS_COEF = [0.9999999909693997, -19.739111734976838, 64.93226208899004,
             -85.30666410430229, 58.93072762676036, -21.268695769782525]
_NCOEF = len(_COS_COEF)
_BIG = 1.5 * 2.0 ** 23


def _body(mem_hbm, lu_hbm, src_hbm, dst_hbm, ts_hbm, feat_hbm, idx_hbm,
          tw_hbm, tb_hbm, out_hbm,
          lu_v, tw_v, tb_v, sid_c, did_c, eid_c, ts_c, dt_c, big,
          gsem, ixsem0, ixsem1, stsem0, stsem1):
    sub = lax.axis_index("s")
    wid = sub * NC + lax.axis_index("c")
    t0 = wid * PER_TILE

    ixsem = (ixsem0, ixsem1)
    stsem = (stsem0, stsem1)

    pltpu.sync_copy(lu_hbm, lu_v)
    pltpu.sync_copy(tw_hbm, tw_v)
    pltpu.sync_copy(tb_hbm, tb_v)

    ws = tuple(tw_v[pl.ds(16 * j, 16)] for j in range(8))
    bs = tuple(tb_v[pl.ds(16 * j, 16)] for j in range(8))

    def stage(c, b, n):
        lo = t0 + c * CH
        pltpu.async_copy(src_hbm.at[pl.ds(lo, n)],
                         sid_c.at[b, pl.ds(0, n)], ixsem[b])
        pltpu.async_copy(dst_hbm.at[pl.ds(lo, n)],
                         did_c.at[b, pl.ds(0, n)], ixsem[b])
        pltpu.async_copy(idx_hbm.at[pl.ds(lo, n)],
                         eid_c.at[b, pl.ds(0, n)], ixsem[b])
        pltpu.async_copy(ts_hbm.at[pl.ds(lo, n)],
                         ts_c.at[b, pl.ds(0, n)], ixsem[b])

    def wait_stage(b, n):
        for ref in (sid_c, did_c, eid_c):
            pltpu.make_async_copy(src_hbm.at[pl.ds(0, n)],
                                  ref.at[b, pl.ds(0, n)], ixsem[b]).wait()
        pltpu.make_async_copy(ts_hbm.at[pl.ds(0, n)],
                              ts_c.at[b, pl.ds(0, n)], ixsem[b]).wait()

    def drain_store(b, n):
        pltpu.make_async_copy(big.at[b, pl.ds(0, n)],
                              out_hbm.at[pl.ds(0, n)], stsem[b]).wait()

    def process(c, b, n, stage_next):
        base = t0 + c * CH
        nb = (b + 1) % NB

        wait_stage(b, n)
        d1 = pltpu.async_copy(mem_hbm.at[sid_c.at[b, pl.ds(0, n)]],
                              big.at[b, pl.ds(0, n), pl.ds(0, D)], gsem)
        d2 = pltpu.async_copy(mem_hbm.at[did_c.at[b, pl.ds(0, n)]],
                              big.at[b, pl.ds(0, n), pl.ds(D, D)], gsem)
        d3 = pltpu.async_copy(feat_hbm.at[eid_c.at[b, pl.ds(0, n)]],
                              big.at[b, pl.ds(0, n), pl.ds(3 * D, D)], gsem)
        if stage_next:
            @pl.when(c + 1 < N_FULL)
            def _():
                stage(c + 1, nb, CH)

            @pl.when(c + 1 == N_FULL)
            def _():
                stage(N_FULL, nb, CH_T)

        for i in range(n // L):
            idx16 = sid_c[b, pl.ds(i * L, L)]
            lu16 = plsc.load_gather(lu_v, [idx16])
            dt_c[b, pl.ds(i * L, L)] = ts_c[b, pl.ds(i * L, L)] - lu16

        def ev(e, carry):
            eidx = jnp.zeros((L,), jnp.int32) + e
            d = plsc.load_gather(dt_c.at[b], [eidx])
            for j in range(8):
                t = d * ws[j] + bs[j]
                nn = (t + _BIG) - _BIG
                r = t - nn
                s = r * r
                p = jnp.float32(_COS_COEF[_NCOEF - 1])
                for k in range(_NCOEF - 2, -1, -1):
                    p = p * s + jnp.float32(_COS_COEF[k])
                big[b, e, pl.ds(2 * D + 16 * j, 16)] = p
            return carry
        lax.fori_loop(0, n, ev, 0)

        d1.wait()
        d2.wait()
        d3.wait()

        pltpu.async_copy(big.at[b, pl.ds(0, n)],
                         out_hbm.at[pl.ds(base, n)], stsem[b])

    stage(0, 0, CH)

    def pair(i, carry):
        for b in range(NB):
            @pl.when(i >= 1)
            def _(b=b):
                drain_store(b, CH)
            process(NB * i + b, b, CH, stage_next=True)
        return carry

    lax.fori_loop(0, N_FULL // NB, pair, 0)
    drain_store(0, CH)
    process(jnp.int32(N_FULL), 0, CH_T, stage_next=False)

    drain_store(1, CH)
    drain_store(0, CH_T)


_sc_call = pl.kernel(
    _body,
    out_type=jax.ShapeDtypeStruct((N_EVENTS, 4 * D), jnp.float32),
    mesh=plsc.VectorSubcoreMesh(core_axis_name="c", subcore_axis_name="s",
                                num_cores=NC, num_subcores=NS),
    compiler_params=pltpu.CompilerParams(needs_layout_passes=False),
    scratch_types=[
        pltpu.VMEM((N_NODES,), jnp.float32),
        pltpu.VMEM((D,), jnp.float32),
        pltpu.VMEM((D,), jnp.float32),
        pltpu.VMEM((NB, CH), jnp.int32),
        pltpu.VMEM((NB, CH), jnp.int32),
        pltpu.VMEM((NB, CH), jnp.int32),
        pltpu.VMEM((NB, CH), jnp.float32),
        pltpu.VMEM((NB, CH), jnp.float32),
        pltpu.VMEM((NB, CH, 4 * D), jnp.float32),
        pltpu.SemaphoreType.DMA,
        pltpu.SemaphoreType.DMA,
        pltpu.SemaphoreType.DMA,
        pltpu.SemaphoreType.DMA,
        pltpu.SemaphoreType.DMA,
    ],
)

def kernel(memory, last_update, src_nodes, dst_nodes, timestamps,
           event_features, indices, te_w, te_b):
    inv2pi = jnp.float32(1.0 / (2.0 * math.pi))
    return _sc_call(
        memory,
        last_update,
        src_nodes.astype(jnp.int32),
        dst_nodes.astype(jnp.int32),
        timestamps,
        event_features,
        indices.astype(jnp.int32),
        (te_w * inv2pi).astype(jnp.float32),
        (te_b * inv2pi).astype(jnp.float32),
    )

# --- scband reference (transcript-rebuilt; emitter-appended) ---
"""Pipeline reference for scband-identity-message-function-5239860101361 (READ-ONLY COPY).

The authoritative reference and input builder live on the scoring server;
editing this copy changes nothing except your own understanding.
"""

import jax, jax.numpy as jnp
import numpy as np

N_NODES = 10000
N_EVENTS = 320000
D_MEM = 128
D_FEAT = 128
TIME_DIM = 128


def setup_inputs(seed: int = 0) -> dict:
    key = jax.random.key(seed)
    k_mem, k_lu, k_src, k_dst, k_ts, k_feat, k_idx, k_w, k_b = jax.random.split(key, 9)
    memory = jax.random.normal(k_mem, (N_NODES, D_MEM), dtype=jnp.float32)
    last_update = jax.random.uniform(k_lu, (N_NODES,), dtype=jnp.float32)
    src_nodes = jax.random.randint(k_src, (N_EVENTS,), 0, N_NODES, dtype=jnp.int64)
    dst_nodes = jax.random.randint(k_dst, (N_EVENTS,), 0, N_NODES, dtype=jnp.int64)
    timestamps = jax.random.uniform(k_ts, (N_EVENTS,), dtype=jnp.float32)
    event_features = jax.random.normal(k_feat, (N_EVENTS, D_FEAT), dtype=jnp.float32)
    indices = jax.random.randint(k_idx, (N_EVENTS,), 0, N_EVENTS, dtype=jnp.int64)
    # TimeEncoder parameters: enc(t) = cos(t * w + b), a Linear(1, TIME_DIM) followed by cos
    te_w = jax.random.normal(k_w, (TIME_DIM,), dtype=jnp.float32)
    te_b = jax.random.normal(k_b, (TIME_DIM,), dtype=jnp.float32)
    return {
        "memory": memory,
        "last_update": last_update,
        "src_nodes": src_nodes,
        "dst_nodes": dst_nodes,
        "timestamps": timestamps,
        "event_features": event_features,
        "indices": indices,
        "te_w": te_w,
        "te_b": te_b,
    }


def reference(memory, last_update, src_nodes, dst_nodes, timestamps, event_features, indices, te_w, te_b):
    # src_memory, src_last_update = state.memory[events.src_nodes]
    src_memory = jnp.take(memory, src_nodes, axis=0)
    src_last_update = jnp.take(last_update, src_nodes, axis=0)
    # dst_memory, _ = state.memory[events.dst_nodes]
    dst_memory = jnp.take(memory, dst_nodes, axis=0)
    # delta_t = self.time_encoder(events.timestamps - src_last_update)
    dt = timestamps - src_last_update
    delta_t = jnp.cos(dt[:, None] * te_w[None, :] + te_b[None, :])
    # features = state.static_info.events_features[events.indices]
    features = jnp.take(event_features, indices, axis=0)
    return jnp.concatenate([src_memory, dst_memory, delta_t, features], axis=-1)

if __name__ == "__main__":
    import jax
    _d = setup_inputs()
    print(jax.jit(kernel)(*tuple(_d.values())))

</pallas_src>

<mosaic_0001>
#map = affine_map<(d0, d1) -> (0, 0)>
#map1 = affine_map<(d0, d1) -> (0)>
module attributes {stable_mosaic.version = 14 : i64} {
  func.func @_body(%arg0: i32, %arg1: i32, %arg2: memref<10000x128xf32, #tpu.memory_space<hbm>>, %arg3: memref<10000xf32, #tpu.memory_space<hbm>>, %arg4: memref<320000xi32, #tpu.memory_space<hbm>>, %arg5: memref<320000xi32, #tpu.memory_space<hbm>>, %arg6: memref<320000xf32, #tpu.memory_space<hbm>>, %arg7: memref<320000x128xf32, #tpu.memory_space<hbm>>, %arg8: memref<320000xi32, #tpu.memory_space<hbm>>, %arg9: memref<128xf32, #tpu.memory_space<hbm>>, %arg10: memref<128xf32, #tpu.memory_space<hbm>>, %arg11: memref<320000x512xf32, #tpu.memory_space<hbm>>, %arg12: memref<10000xf32, #tpu.memory_space<vmem>>, %arg13: memref<128xf32, #tpu.memory_space<vmem>>, %arg14: memref<128xf32, #tpu.memory_space<vmem>>, %arg15: memref<2x96xi32, #tpu.memory_space<vmem>>, %arg16: memref<2x96xi32, #tpu.memory_space<vmem>>, %arg17: memref<2x96xi32, #tpu.memory_space<vmem>>, %arg18: memref<2x96xf32, #tpu.memory_space<vmem>>, %arg19: memref<2x96xf32, #tpu.memory_space<vmem>>, %arg20: memref<2x96x512xf32, #tpu.memory_space<vmem>>, %arg21: memref<!tpu.dma_semaphore, #tpu.memory_space<semaphore_mem>>, %arg22: memref<!tpu.dma_semaphore, #tpu.memory_space<semaphore_mem>>, %arg23: memref<!tpu.dma_semaphore, #tpu.memory_space<semaphore_mem>>, %arg24: memref<!tpu.dma_semaphore, #tpu.memory_space<semaphore_mem>>, %arg25: memref<!tpu.dma_semaphore, #tpu.memory_space<semaphore_mem>>) attributes {dimension_semantics = [#tpu.dimension_semantics<core_parallel>, #tpu.dimension_semantics<subcore_parallel>], iteration_bounds = array<i64: 2, 16>, scalar_prefetch = 0 : i64, scratch_operands = 14 : i64, tpu.core_type = #tpu.core_type<sc_vector_subcore>, window_params = [{transform_indices = #map}, {transform_indices = #map1}, {transform_indices = #map1}, {transform_indices = #map1}, {transform_indices = #map1}, {transform_indices = #map}, {transform_indices = #map1}, {transform_indices = #map1}, {transform_indices = #map1}, {transform_indices = #map}]} {
    %mul3A = arith.constant 2 : i32
    %mul3A_0 = arith.muli %arg1, %mul3A : i32
    %add3A = arith.addi %mul3A_0, %arg0 : i32
    %mul3A_1 = arith.constant 10000 : i32
    %mul3A_2 = arith.muli %add3A, %mul3A_1 : i32
    "tpu.region"() ({
      %run_scoped3A = tpu.sem_alloc : memref<!tpu.dma_semaphore, #tpu.memory_space<semaphore_mem>>
      tpu.enqueue_dma source(%arg3 : memref<10000xf32, #tpu.memory_space<hbm>>) target(%arg12 : memref<10000xf32, #tpu.memory_space<vmem>>) target_semaphore(%run_scoped3A : memref<!tpu.dma_semaphore, #tpu.memory_space<semaphore_mem>>)
      tpu.wait_dma2 semaphore(%run_scoped3A : memref<!tpu.dma_semaphore, #tpu.memory_space<semaphore_mem>>) src(%arg3 : memref<10000xf32, #tpu.memory_space<hbm>>) dst(%arg12 : memref<10000xf32, #tpu.memory_space<vmem>>)
      tpu.yield
    }) : () -> ()
    "tpu.region"() ({
      %run_scoped3A = tpu.sem_alloc : memref<!tpu.dma_semaphore, #tpu.memory_space<semaphore_mem>>
      tpu.enqueue_dma source(%arg9 : memref<128xf32, #tpu.memory_space<hbm>>) target(%arg13 : memref<128xf32, #tpu.memory_space<vmem>>) target_semaphore(%run_scoped3A : memref<!tpu.dma_semaphore, #tpu.memory_space<semaphore_mem>>)
      tpu.wait_dma2 semaphore(%run_scoped3A : memref<!tpu.dma_semaphore, #tpu.memory_space<semaphore_mem>>) src(%arg9 : memref<128xf32, #tpu.memory_space<hbm>>) dst(%arg13 : memref<128xf32, #tpu.memory_space<vmem>>)
      tpu.yield
    }) : () -> ()
    "tpu.region"() ({
      %run_scoped3A = tpu.sem_alloc : memref<!tpu.dma_semaphore, #tpu.memory_space<semaphore_mem>>
      tpu.enqueue_dma source(%arg10 : memref<128xf32, #tpu.memory_space<hbm>>) target(%arg14 : memref<128xf32, #tpu.memory_space<vmem>>) target_semaphore(%run_scoped3A : memref<!tpu.dma_semaphore, #tpu.memory_space<semaphore_mem>>)
      tpu.wait_dma2 semaphore(%run_scoped3A : memref<!tpu.dma_semaphore, #tpu.memory_space<semaphore_mem>>) src(%arg10 : memref<128xf32, #tpu.memory_space<hbm>>) dst(%arg14 : memref<128xf32, #tpu.memory_space<vmem>>)
      tpu.yield
    }) : () -> ()
    %get3A = arith.constant 0 : index
    %get3A_3 = tpu.vector_load %arg13[%get3A] {strides = array<i32>} : memref<128xf32, #tpu.memory_space<vmem>>, vector<16xf32>,
    %get3A_4 = arith.constant 16 : index
    %get3A_5 = tpu.vector_load %arg13[%get3A_4] {strides = array<i32>} : memref<128xf32, #tpu.memory_space<vmem>>, vector<16xf32>,
    %get3A_6 = arith.constant 32 : index
    %get3A_7 = tpu.vector_load %arg13[%get3A_6] {strides = array<i32>} : memref<128xf32, #tpu.memory_space<vmem>>, vector<16xf32>,
    %get3A_8 = arith.constant 48 : index
    %get3A_9 = tpu.vector_load %arg13[%get3A_8] {strides = array<i32>} : memref<128xf32, #tpu.memory_space<vmem>>, vector<16xf32>,
    %get3A_10 = arith.constant 64 : index
    %get3A_11 = tpu.vector_load %arg13[%get3A_10] {strides = array<i32>} : memref<128xf32, #tpu.memory_space<vmem>>, vector<16xf32>,
    %get3A_12 = arith.constant 80 : index
    %get3A_13 = tpu.vector_load %arg13[%get3A_12] {strides = array<i32>} : memref<128xf32, #tpu.memory_space<vmem>>, vector<16xf32>,
    %get3A_14 = arith.constant 96 : index
    %get3A_15 = tpu.vector_load %arg13[%get3A_14] {strides = array<i32>} : memref<128xf32, #tpu.memory_space<vmem>>, vector<16xf32>,
    %get3A_16 = arith.constant 112 : index
    %get3A_17 = tpu.vector_load %arg13[%get3A_16] {strides = array<i32>} : memref<128xf32, #tpu.memory_space<vmem>>, vector<16xf32>,
    %get3A_18 = arith.constant 0 : index
    %get3A_19 = tpu.vector_load %arg14[%get3A_18] {strides = array<i32>} : memref<128xf32, #tpu.memory_space<vmem>>, vector<16xf32>,
    %get3A_20 = arith.constant 16 : index
    %get3A_21 = tpu.vector_load %arg14[%get3A_20] {strides = array<i32>} : memref<128xf32, #tpu.memory_space<vmem>>, vector<16xf32>,
    %get3A_22 = arith.constant 32 : index
    %get3A_23 = tpu.vector_load %arg14[%get3A_22] {strides = array<i32>} : memref<128xf32, #tpu.memory_space<vmem>>, vector<16xf32>,
    %get3A_24 = arith.constant 48 : index
    %get3A_25 = tpu.vector_load %arg14[%get3A_24] {strides = array<i32>} : memref<128xf32, #tpu.memory_space<vmem>>, vector<16xf32>,
    %get3A_26 = arith.constant 64 : index
    %get3A_27 = tpu.vector_load %arg14[%get3A_26] {strides = array<i32>} : memref<128xf32, #tpu.memory_space<vmem>>, vector<16xf32>,
    %get3A_28 = arith.constant 80 : index
    %get3A_29 = tpu.vector_load %arg14[%get3A_28] {strides = array<i32>} : memref<128xf32, #tpu.memory_space<vmem>>, vector<16xf32>,
    %get3A_30 = arith.constant 96 : index
    %get3A_31 = tpu.vector_load %arg14[%get3A_30] {strides = array<i32>} : memref<128xf32, #tpu.memory_space<vmem>>, vector<16xf32>,
    %get3A_32 = arith.constant 112 : index
    %get3A_33 = tpu.vector_load %arg14[%get3A_32] {strides = array<i32>} : memref<128xf32, #tpu.memory_space<vmem>>, vector<16xf32>,
    %add3A_34 = arith.constant 0 : i32
    %add3A_35 = arith.addi %mul3A_2, %add3A_34 : i32
    %dma_start3A = arith.constant 0 : i32
    %dma_start3A_36 = arith.constant 0 : i32
    %dma_start3A_37 = tpu.memref_slice %arg15[%dma_start3A, %dma_start3A_36] : memref<2x96xi32, #tpu.memory_space<vmem>> -> memref<1x96xi32, #tpu.memory_space<vmem>>
    %dma_start3A_38 = tpu.memref_squeeze %dma_start3A_37 : memref<1x96xi32, #tpu.memory_space<vmem>> -> memref<96xi32, #tpu.memory_space<vmem>>
    %dma_start3A_39 = tpu.memref_slice %arg4[%add3A_35] : memref<320000xi32, #tpu.memory_space<hbm>> -> memref<96xi32, #tpu.memory_space<hbm>>
    %dma_start3A_40 = arith.constant 0 : i32
    %dma_start3A_41 = tpu.memref_slice %arg15[%dma_start3A, %dma_start3A_40] : memref<2x96xi32, #tpu.memory_space<vmem>> -> memref<1x96xi32, #tpu.memory_space<vmem>>
    %dma_start3A_42 = tpu.memref_squeeze %dma_start3A_41 : memref<1x96xi32, #tpu.memory_space<vmem>> -> memref<96xi32, #tpu.memory_space<vmem>>
    %dma_start3A_43 = tpu.memref_slice %arg4[%add3A_35] : memref<320000xi32, #tpu.memory_space<hbm>> -> memref<96xi32, #tpu.memory_space<hbm>>
    tpu.enqueue_dma source(%dma_start3A_43 : memref<96xi32, #tpu.memory_space<hbm>>) target(%dma_start3A_42 : memref<96xi32, #tpu.memory_space<vmem>>) target_semaphore(%arg22 : memref<!tpu.dma_semaphore, #tpu.memory_space<semaphore_mem>>)
    %dma_start3A_44 = arith.constant 0 : i32
    %dma_start3A_45 = arith.constant 0 : i32
    %dma_start3A_46 = tpu.memref_slice %arg16[%dma_start3A_44, %dma_start3A_45] : memref<2x96xi32, #tpu.memory_space<vmem>> -> memref<1x96xi32, #tpu.memory_space<vmem>>
    %dma_start3A_47 = tpu.memref_squeeze %dma_start3A_46 : memref<1x96xi32, #tpu.memory_space<vmem>> -> memref<96xi32, #tpu.memory_space<vmem>>
    %dma_start3A_48 = tpu.memref_slice %arg5[%add3A_35] : memref<320000xi32, #tpu.memory_space<hbm>> -> memref<96xi32, #tpu.memory_space<hbm>>
    %dma_start3A_49 = arith.constant 0 : i32
    %dma_start3A_50 = tpu.memref_slice %arg16[%dma_start3A_44, %dma_start3A_49] : memref<2x96xi32, #tpu.memory_space<vmem>> -> memref<1x96xi32, #tpu.memory_space<vmem>>
    %dma_start3A_51 = tpu.memref_squeeze %dma_start3A_50 : memref<1x96xi32, #tpu.memory_space<vmem>> -> memref<96xi32, #tpu.memory_space<vmem>>
    %dma_start3A_52 = tpu.memref_slice %arg5[%add3A_35] : memref<320000xi32, #tpu.memory_space<hbm>> -> memref<96xi32, #tpu.memory_space<hbm>>
    tpu.enqueue_dma source(%dma_start3A_52 : memref<96xi32, #tpu.memory_space<hbm>>) target(%dma_start3A_51 : memref<96xi32, #tpu.memory_space<vmem>>) target_semaphore(%arg22 : memref<!tpu.dma_semaphore, #tpu.memory_space<semaphore_mem>>)
    %dma_start3A_53 = arith.constant 0 : i32
    %dma_start3A_54 = arith.constant 0 : i32
    %dma_start3A_55 = tpu.memref_slice %arg17[%dma_start3A_53, %dma_start3A_54] : memref<2x96xi32, #tpu.memory_space<vmem>> -> memref<1x96xi32, #tpu.memory_space<vmem>>
    %dma_start3A_56 = tpu.memref_squeeze %dma_start3A_55 : memref<1x96xi32, #tpu.memory_space<vmem>> -> memref<96xi32, #tpu.memory_space<vmem>>
    %dma_start3A_57 = tpu.memref_slice %arg8[%add3A_35] : memref<320000xi32, #tpu.memory_space<hbm>> -> memref<96xi32, #tpu.memory_space<hbm>>
    %dma_start3A_58 = arith.constant 0 : i32
    %dma_start3A_59 = tpu.memref_slice %arg17[%dma_start3A_53, %dma_start3A_58] : memref<2x96xi32, #tpu.memory_space<vmem>> -> memref<1x96xi32, #tpu.memory_space<vmem>>
    %dma_start3A_60 = tpu.memref_squeeze %dma_start3A_59 : memref<1x96xi32, #tpu.memory_space<vmem>> -> memref<96xi32, #tpu.memory_space<vmem>>
    %dma_start3A_61 = tpu.memref_slice %arg8[%add3A_35] : memref<320000xi32, #tpu.memory_space<hbm>> -> memref<96xi32, #tpu.memory_space<hbm>>
    tpu.enqueue_dma source(%dma_start3A_61 : memref<96xi32, #tpu.memory_space<hbm>>) target(%dma_start3A_60 : memref<96xi32, #tpu.memory_space<vmem>>) target_semaphore(%arg22 : memref<!tpu.dma_semaphore, #tpu.memory_space<semaphore_mem>>)
    %dma_start3A_62 = arith.constant 0 : i32
    %dma_start3A_63 = arith.constant 0 : i32
    %dma_start3A_64 = tpu.memref_slice %arg18[%dma_start3A_62, %dma_start3A_63] : memref<2x96xf32, #tpu.memory_space<vmem>> -> memref<1x96xf32, #tpu.memory_space<vmem>>
    %dma_start3A_65 = tpu.memref_squeeze %dma_start3A_64 : memref<1x96xf32, #tpu.memory_space<vmem>> -> memref<96xf32, #tpu.memory_space<vmem>>
    %dma_start3A_66 = tpu.memref_slice %arg6[%add3A_35] : memref<320000xf32, #tpu.memory_space<hbm>> -> memref<96xf32, #tpu.memory_space<hbm>>
    %dma_start3A_67 = arith.constant 0 : i32
    %dma_start3A_68 = tpu.memref_slice %arg18[%dma_start3A_62, %dma_start3A_67] : memref<2x96xf32, #tpu.memory_space<vmem>> -> memref<1x96xf32, #tpu.memory_space<vmem>>
    %dma_start3A_69 = tpu.memref_squeeze %dma_start3A_68 : memref<1x96xf32, #tpu.memory_space<vmem>> -> memref<96xf32, #tpu.memory_space<vmem>>
    %dma_start3A_70 = tpu.memref_slice %arg6[%add3A_35] : memref<320000xf32, #tpu.memory_space<hbm>> -> memref<96xf32, #tpu.memory_space<hbm>>
    tpu.enqueue_dma source(%dma_start3A_70 : memref<96xf32, #tpu.memory_space<hbm>>) target(%dma_start3A_69 : memref<96xf32, #tpu.memory_space<vmem>>) target_semaphore(%arg22 : memref<!tpu.dma_semaphore, #tpu.memory_space<semaphore_mem>>)
    %scan3A = arith.constant 0 : i32
    %scan3A_71 = arith.constant 0 : i32
    %scan3A_72 = arith.constant 52 : i32
    %scan3A_73 = arith.addi %scan3A_71, %scan3A_72 : i32
    %scan3A_74 = arith.constant 1 : i32
    scf.for %scan3A_270 = %scan3A_71 to %scan3A_73 step %scan3A_74  : i32 {
      %ge3A = arith.constant 1 : i32
      %ge3A_271 = arith.cmpi sge, %scan3A_270, %ge3A : i32
      %convert_element_type3A = arith.extui %ge3A_271 : i1 to i32
      %cond3A = arith.constant 0 : i32
      %cond3A_272 = arith.cmpi ne, %convert_element_type3A, %cond3A : i32
      scf.if %cond3A_272 {
        %dma_wait3A_756 = arith.constant 0 : i32
        %dma_wait3A_757 = arith.constant 0 : i32
        %dma_wait3A_758 = arith.constant 0 : i32
        %dma_wait3A_759 = tpu.memref_slice %arg20[%dma_wait3A_756, %dma_wait3A_757, %dma_wait3A_758] : memref<2x96x512xf32, #tpu.memory_space<vmem>> -> memref<1x96x512xf32, #tpu.memory_space<vmem>>
        %dma_wait3A_760 = tpu.memref_squeeze %dma_wait3A_759 : memref<1x96x512xf32, #tpu.memory_space<vmem>> -> memref<96x512xf32, #tpu.memory_space<vmem>>
        %dma_wait3A_761 = arith.constant 0 : i32
        %dma_wait3A_762 = arith.constant 0 : i32
        %dma_wait3A_763 = tpu.memref_slice %arg11[%dma_wait3A_761, %dma_wait3A_762] : memref<320000x512xf32, #tpu.memory_space<hbm>> -> memref<96x512xf32, #tpu.memory_space<hbm>>
        %dma_wait3A_764 = arith.constant 0 : i32
        %dma_wait3A_765 = arith.constant 0 : i32
        %dma_wait3A_766 = tpu.memref_slice %arg11[%dma_wait3A_764, %dma_wait3A_765] : memref<320000x512xf32, #tpu.memory_space<hbm>> -> memref<96x512xf32, #tpu.memory_space<hbm>>
        %dma_wait3A_767 = arith.constant 0 : i32
        %dma_wait3A_768 = arith.constant 0 : i32
        %dma_wait3A_769 = tpu.memref_slice %arg20[%dma_wait3A_756, %dma_wait3A_767, %dma_wait3A_768] : memref<2x96x512xf32, #tpu.memory_space<vmem>> -> memref<1x96x512xf32, #tpu.memory_space<vmem>>
        %dma_wait3A_770 = tpu.memref_squeeze %dma_wait3A_769 : memref<1x96x512xf32, #tpu.memory_space<vmem>> -> memref<96x512xf32, #tpu.memory_space<vmem>>
        tpu.wait_dma2 semaphore(%arg24 : memref<!tpu.dma_semaphore, #tpu.memory_space<semaphore_mem>>) src(%dma_wait3A_770 : memref<96x512xf32, #tpu.memory_space<vmem>>) dst(%dma_wait3A_766 : memref<96x512xf32, #tpu.memory_space<hbm>>)
      } else {
      }
      %mul3A_273 = arith.constant 2 : i32
      %mul3A_274 = arith.muli %mul3A_273, %scan3A_270 : i32
      %add3A_275 = arith.constant 0 : i32
      %add3A_276 = arith.addi %mul3A_274, %add3A_275 : i32
      %mul3A_277 = arith.constant 96 : i32
      %mul3A_278 = arith.muli %add3A_276, %mul3A_277 : i32
      %add3A_279 = arith.addi %mul3A_2, %mul3A_278 : i32
      %dma_wait3A_280 = arith.constant 0 : i32
      %dma_wait3A_281 = arith.constant 0 : i32
      %dma_wait3A_282 = tpu.memref_slice %arg15[%dma_wait3A_280, %dma_wait3A_281] : memref<2x96xi32, #tpu.memory_space<vmem>> -> memref<1x96xi32, #tpu.memory_space<vmem>>
      %dma_wait3A_283 = tpu.memref_squeeze %dma_wait3A_282 : memref<1x96xi32, #tpu.memory_space<vmem>> -> memref<96xi32, #tpu.memory_space<vmem>>
      %dma_wait3A_284 = arith.constant 0 : i32
      %dma_wait3A_285 = tpu.memref_slice %arg4[%dma_wait3A_284] : memref<320000xi32, #tpu.memory_space<hbm>> -> memref<96xi32, #tpu.memory_space<hbm>>
      %dma_wait3A_286 = arith.constant 0 : i32
      %dma_wait3A_287 = tpu.memref_slice %arg15[%dma_wait3A_280, %dma_wait3A_286] : memref<2x96xi32, #tpu.memory_space<vmem>> -> memref<1x96xi32, #tpu.memory_space<vmem>>
      %dma_wait3A_288 = tpu.memref_squeeze %dma_wait3A_287 : memref<1x96xi32, #tpu.memory_space<vmem>> -> memref<96xi32, #tpu.memory_space<vmem>>
      %dma_wait3A_289 = arith.constant 0 : i32
      %dma_wait3A_290 = tpu.memref_slice %arg4[%dma_wait3A_289] : memref<320000xi32, #tpu.memory_space<hbm>> -> memref<96xi32, #tpu.memory_space<hbm>>
      tpu.wait_dma2 semaphore(%arg22 : memref<!tpu.dma_semaphore, #tpu.memory_space<semaphore_mem>>) src(%dma_wait3A_290 : memref<96xi32, #tpu.memory_space<hbm>>) dst(%dma_wait3A_288 : memref<96xi32, #tpu.memory_space<vmem>>)
      %dma_wait3A_291 = arith.constant 0 : i32
      %dma_wait3A_292 = arith.constant 0 : i32
      %dma_wait3A_293 = tpu.memref_slice %arg16[%dma_wait3A_291, %dma_wait3A_292] : memref<2x96xi32, #tpu.memory_space<vmem>> -> memref<1x96xi32, #tpu.memory_space<vmem>>
      %dma_wait3A_294 = tpu.memref_squeeze %dma_wait3A_293 : memref<1x96xi32, #tpu.memory_space<vmem>> -> memref<96xi32, #tpu.memory_space<vmem>>
      %dma_wait3A_295 = arith.constant 0 : i32
      %dma_wait3A_296 = tpu.memref_slice %arg4[%dma_wait3A_295] : memref<320000xi32, #tpu.memory_space<hbm>> -> memref<96xi32, #tpu.memory_space<hbm>>
      %dma_wait3A_297 = arith.constant 0 : i32
      %dma_wait3A_298 = tpu.memref_slice %arg16[%dma_wait3A_291, %dma_wait3A_297] : memref<2x96xi32, #tpu.memory_space<vmem>> -> memref<1x96xi32, #tpu.memory_space<vmem>>
      %dma_wait3A_299 = tpu.memref_squeeze %dma_wait3A_298 : memref<1x96xi32, #tpu.memory_space<vmem>> -> memref<96xi32, #tpu.memory_space<vmem>>
      %dma_wait3A_300 = arith.constant 0 : i32
      %dma_wait3A_301 = tpu.memref_slice %arg4[%dma_wait3A_300] : memref<320000xi32, #tpu.memory_space<hbm>> -> memref<96xi32, #tpu.memory_space<hbm>>
      tpu.wait_dma2 semaphore(%arg22 : memref<!tpu.dma_semaphore, #tpu.memory_space<semaphore_mem>>) src(%dma_wait3A_301 : memref<96xi32, #tpu.memory_space<hbm>>) dst(%dma_wait3A_299 : memref<96xi32, #tpu.memory_space<vmem>>)
      %dma_wait3A_302 = arith.constant 0 : i32
      %dma_wait3A_303 = arith.constant 0 : i32
      %dma_wait3A_304 = tpu.memref_slice %arg17[%dma_wait3A_302, %dma_wait3A_303] : memref<2x96xi32, #tpu.memory_space<vmem>> -> memref<1x96xi32, #tpu.memory_space<vmem>>
      %dma_wait3A_305 = tpu.memref_squeeze %dma_wait3A_304 : memref<1x96xi32, #tpu.memory_space<vmem>> -> memref<96xi32, #tpu.memory_space<vmem>>
      %dma_wait3A_306 = arith.constant 0 : i32
      %dma_wait3A_307 = tpu.memref_slice %arg4[%dma_wait3A_306] : memref<320000xi32, #tpu.memory_space<hbm>> -> memref<96xi32, #tpu.memory_space<hbm>>
      %dma_wait3A_308 = arith.constant 0 : i32
      %dma_wait3A_309 = tpu.memref_slice %arg17[%dma_wait3A_302, %dma_wait3A_308] : memref<2x96xi32, #tpu.memory_space<vmem>> -> memref<1x96xi32, #tpu.memory_space<vmem>>
      %dma_wait3A_310 = tpu.memref_squeeze %dma_wait3A_309 : memref<1x96xi32, #tpu.memory_space<vmem>> -> memref<96xi32, #tpu.memory_space<vmem>>
      %dma_wait3A_311 = arith.constant 0 : i32
      %dma_wait3A_312 = tpu.memref_slice %arg4[%dma_wait3A_311] : memref<320000xi32, #tpu.memory_space<hbm>> -> memref<96xi32, #tpu.memory_space<hbm>>
      tpu.wait_dma2 semaphore(%arg22 : memref<!tpu.dma_semaphore, #tpu.memory_space<semaphore_mem>>) src(%dma_wait3A_312 : memref<96xi32, #tpu.memory_space<hbm>>) dst(%dma_wait3A_310 : memref<96xi32, #tpu.memory_space<vmem>>)
      %dma_wait3A_313 = arith.constant 0 : i32
      %dma_wait3A_314 = arith.constant 0 : i32
      %dma_wait3A_315 = tpu.memref_slice %arg18[%dma_wait3A_313, %dma_wait3A_314] : memref<2x96xf32, #tpu.memory_space<vmem>> -> memref<1x96xf32, #tpu.memory_space<vmem>>
      %dma_wait3A_316 = tpu.memref_squeeze %dma_wait3A_315 : memref<1x96xf32, #tpu.memory_space<vmem>> -> memref<96xf32, #tpu.memory_space<vmem>>
      %dma_wait3A_317 = arith.constant 0 : i32
      %dma_wait3A_318 = tpu.memref_slice %arg6[%dma_wait3A_317] : memref<320000xf32, #tpu.memory_space<hbm>> -> memref<96xf32, #tpu.memory_space<hbm>>
      %dma_wait3A_319 = arith.constant 0 : i32
      %dma_wait3A_320 = tpu.memref_slice %arg18[%dma_wait3A_313, %dma_wait3A_319] : memref<2x96xf32, #tpu.memory_space<vmem>> -> memref<1x96xf32, #tpu.memory_space<vmem>>
      %dma_wait3A_321 = tpu.memref_squeeze %dma_wait3A_320 : memref<1x96xf32, #tpu.memory_space<vmem>> -> memref<96xf32, #tpu.memory_space<vmem>>
      %dma_wait3A_322 = arith.constant 0 : i32
      %dma_wait3A_323 = tpu.memref_slice %arg6[%dma_wait3A_322] : memref<320000xf32, #tpu.memory_space<hbm>> -> memref<96xf32, #tpu.memory_space<hbm>>
      tpu.wait_dma2 semaphore(%arg22 : memref<!tpu.dma_semaphore, #tpu.memory_space<semaphore_mem>>) src(%dma_wait3A_323 : memref<96xf32, #tpu.memory_space<hbm>>) dst(%dma_wait3A_321 : memref<96xf32, #tpu.memory_space<vmem>>)
      %dma_start3A_324 = arith.constant 0 : i32
      %dma_start3A_325 = arith.constant 0 : i32
      %dma_start3A_326 = arith.constant 0 : i32
      %dma_start3A_327 = arith.constant 0 : i32
      %dma_start3A_328 = tpu.memref_slice %arg20[%dma_start3A_325, %dma_start3A_326, %dma_start3A_327] : memref<2x96x512xf32, #tpu.memory_space<vmem>> -> memref<1x96x128xf32, #tpu.memory_space<vmem>>
      %dma_start3A_329 = tpu.memref_squeeze %dma_start3A_328 : memref<1x96x128xf32, #tpu.memory_space<vmem>> -> memref<96x128xf32, #tpu.memory_space<vmem>>
      %dma_start3A_330 = arith.constant 0 : i32
      %dma_start3A_331 = tpu.memref_slice %arg15[%dma_start3A_324, %dma_start3A_330] : memref<2x96xi32, #tpu.memory_space<vmem>> -> memref<1x96xi32, #tpu.memory_space<vmem>>
      %dma_start3A_332 = tpu.memref_squeeze %dma_start3A_331 : memref<1x96xi32, #tpu.memory_space<vmem>> -> memref<96xi32, #tpu.memory_space<vmem>>
      %dma_start3A_333 = arith.constant 0 : i32
      %dma_start3A_334 = arith.constant 0 : i32
      %dma_start3A_335 = tpu.memref_slice %arg2[%dma_start3A_333, %dma_start3A_334] : memref<10000x128xf32, #tpu.memory_space<hbm>> -> memref<10000x128xf32, #tpu.memory_space<hbm>>
      tpu.enqueue_indirect_dma source(%dma_start3A_335 : memref<10000x128xf32, #tpu.memory_space<hbm>>) target(%dma_start3A_329 : memref<96x128xf32, #tpu.memory_space<vmem>>) offsets(%dma_start3A_332 : memref<96xi32, #tpu.memory_space<vmem>>) semaphore(%arg21 : memref<!tpu.dma_semaphore, #tpu.memory_space<semaphore_mem>>)
      %dma_start3A_336 = arith.constant 0 : i32
      %dma_start3A_337 = arith.constant 0 : i32
      %dma_start3A_338 = arith.constant 0 : i32
      %dma_start3A_339 = arith.constant 128 : i32
      %dma_start3A_340 = tpu.memref_slice %arg20[%dma_start3A_337, %dma_start3A_338, %dma_start3A_339] : memref<2x96x512xf32, #tpu.memory_space<vmem>> -> memref<1x96x128xf32, #tpu.memory_space<vmem>>
      %dma_start3A_341 = tpu.memref_squeeze %dma_start3A_340 : memref<1x96x128xf32, #tpu.memory_space<vmem>> -> memref<96x128xf32, #tpu.memory_space<vmem>>
      %dma_start3A_342 = arith.constant 0 : i32
      %dma_start3A_343 = tpu.memref_slice %arg16[%dma_start3A_336, %dma_start3A_342] : memref<2x96xi32, #tpu.memory_space<vmem>> -> memref<1x96xi32, #tpu.memory_space<vmem>>
      %dma_start3A_344 = tpu.memref_squeeze %dma_start3A_343 : memref<1x96xi32, #tpu.memory_space<vmem>> -> memref<96xi32, #tpu.memory_space<vmem>>
      %dma_start3A_345 = arith.constant 0 : i32
      %dma_start3A_346 = arith.constant 0 : i32
      %dma_start3A_347 = tpu.memref_slice %arg2[%dma_start3A_345, %dma_start3A_346] : memref<10000x128xf32, #tpu.memory_space<hbm>> -> memref<10000x128xf32, #tpu.memory_space<hbm>>
      tpu.enqueue_indirect_dma source(%dma_start3A_347 : memref<10000x128xf32, #tpu.memory_space<hbm>>) target(%dma_start3A_341 : memref<96x128xf32, #tpu.memory_space<vmem>>) offsets(%dma_start3A_344 : memref<96xi32, #tpu.memory_space<vmem>>) semaphore(%arg21 : memref<!tpu.dma_semaphore, #tpu.memory_space<semaphore_mem>>)
      %dma_start3A_348 = arith.constant 0 : i32
      %dma_start3A_349 = arith.constant 0 : i32
      %dma_start3A_350 = arith.constant 0 : i32
      %dma_start3A_351 = arith.constant 384 : i32
      %dma_start3A_352 = tpu.memref_slice %arg20[%dma_start3A_349, %dma_start3A_350, %dma_start3A_351] : memref<2x96x512xf32, #tpu.memory_space<vmem>> -> memref<1x96x128xf32, #tpu.memory_space<vmem>>
      %dma_start3A_353 = tpu.memref_squeeze %dma_start3A_352 : memref<1x96x128xf32, #tpu.memory_space<vmem>> -> memref<96x128xf32, #tpu.memory_space<vmem>>
      %dma_start3A_354 = arith.constant 0 : i32
      %dma_start3A_355 = tpu.memref_slice %arg17[%dma_start3A_348, %dma_start3A_354] : memref<2x96xi32, #tpu.memory_space<vmem>> -> memref<1x96xi32, #tpu.memory_space<vmem>>
      %dma_start3A_356 = tpu.memref_squeeze %dma_start3A_355 : memref<1x96xi32, #tpu.memory_space<vmem>> -> memref<96xi32, #tpu.memory_space<vmem>>
      %dma_start3A_357 = arith.constant 0 : i32
      %dma_start3A_358 = arith.constant 0 : i32
      %dma_start3A_359 = tpu.memref_slice %arg7[%dma_start3A_357, %dma_start3A_358] : memref<320000x128xf32, #tpu.memory_space<hbm>> -> memref<320000x128xf32, #tpu.memory_space<hbm>>
      tpu.enqueue_indirect_dma source(%dma_start3A_359 : memref<320000x128xf32, #tpu.memory_space<hbm>>) target(%dma_start3A_353 : memref<96x128xf32, #tpu.memory_space<vmem>>) offsets(%dma_start3A_356 : memref<96xi32, #tpu.memory_space<vmem>>) semaphore(%arg21 : memref<!tpu.dma_semaphore, #tpu.memory_space<semaphore_mem>>)
      %add3A_360 = arith.constant 1 : i32
      %add3A_361 = arith.addi %add3A_276, %add3A_360 : i32
      %lt3A = arith.constant 104 : i32
      %lt3A_362 = arith.cmpi slt, %add3A_361, %lt3A : i32
      %convert_element_type3A_363 = arith.extui %lt3A_362 : i1 to i32
      %cond3A_364 = arith.constant 0 : i32
      %cond3A_365 = arith.cmpi ne, %convert_element_type3A_363, %cond3A_364 : i32
      scf.if %cond3A_365 {
        %add3A_756 = arith.constant 1 : i32
        %add3A_757 = arith.addi %add3A_276, %add3A_756 : i32
        %mul3A_758 = arith.constant 96 : i32
        %mul3A_759 = arith.muli %add3A_757, %mul3A_758 : i32
        %add3A_760 = arith.addi %mul3A_2, %mul3A_759 : i32
        %dma_start3A_761 = arith.constant 1 : i32
        %dma_start3A_762 = arith.constant 0 : i32
        %dma_start3A_763 = tpu.memref_slice %arg15[%dma_start3A_761, %dma_start3A_762] : memref<2x96xi32, #tpu.memory_space<vmem>> -> memref<1x96xi32, #tpu.memory_space<vmem>>
        %dma_start3A_764 = tpu.memref_squeeze %dma_start3A_763 : memref<1x96xi32, #tpu.memory_space<vmem>> -> memref<96xi32, #tpu.memory_space<vmem>>
        %dma_start3A_765 = tpu.memref_slice %arg4[%add3A_760] : memref<320000xi32, #tpu.memory_space<hbm>> -> memref<96xi32, #tpu.memory_space<hbm>>
        %dma_start3A_766 = arith.constant 0 : i32
        %dma_start3A_767 = tpu.memref_slice %arg15[%dma_start3A_761, %dma_start3A_766] : memref<2x96xi32, #tpu.memory_space<vmem>> -> memref<1x96xi32, #tpu.memory_space<vmem>>
        %dma_start3A_768 = tpu.memref_squeeze %dma_start3A_767 : memref<1x96xi32, #tpu.memory_space<vmem>> -> memref<96xi32, #tpu.memory_space<vmem>>
        %dma_start3A_769 = tpu.memref_slice %arg4[%add3A_760] : memref<320000xi32, #tpu.memory_space<hbm>> -> memref<96xi32, #tpu.memory_space<hbm>>
        tpu.enqueue_dma source(%dma_start3A_769 : memref<96xi32, #tpu.memory_space<hbm>>) target(%dma_start3A_768 : memref<96xi32, #tpu.memory_space<vmem>>) target_semaphore(%arg23 : memref<!tpu.dma_semaphore, #tpu.memory_space<semaphore_mem>>)
        %dma_start3A_770 = arith.constant 1 : i32
        %dma_start3A_771 = arith.constant 0 : i32
        %dma_start3A_772 = tpu.memref_slice %arg16[%dma_start3A_770, %dma_start3A_771] : memref<2x96xi32, #tpu.memory_space<vmem>> -> memref<1x96xi32, #tpu.memory_space<vmem>>
        %dma_start3A_773 = tpu.memref_squeeze %dma_start3A_772 : memref<1x96xi32, #tpu.memory_space<vmem>> -> memref<96xi32, #tpu.memory_space<vmem>>
        %dma_start3A_774 = tpu.memref_slice %arg5[%add3A_760] : memref<320000xi32, #tpu.memory_space<hbm>> -> memref<96xi32, #tpu.memory_space<hbm>>
        %dma_start3A_775 = arith.constant 0 : i32
        %dma_start3A_776 = tpu.memref_slice %arg16[%dma_start3A_770, %dma_start3A_775] : memref<2x96xi32, #tpu.memory_space<vmem>> -> memref<1x96xi32, #tpu.memory_space<vmem>>
        %dma_start3A_777 = tpu.memref_squeeze %dma_start3A_776 : memref<1x96xi32, #tpu.memory_space<vmem>> -> memref<96xi32, #tpu.memory_space<vmem>>
        %dma_start3A_778 = tpu.memref_slice %arg5[%add3A_760] : memref<320000xi32, #tpu.memory_space<hbm>> -> memref<96xi32, #tpu.memory_space<hbm>>
        tpu.enqueue_dma source(%dma_start3A_778 : memref<96xi32, #tpu.memory_space<hbm>>) target(%dma_start3A_777 : memref<96xi32, #tpu.memory_space<vmem>>) target_semaphore(%arg23 : memref<!tpu.dma_semaphore, #tpu.memory_space<semaphore_mem>>)
        %dma_start3A_779 = arith.constant 1 : i32
        %dma_start3A_780 = arith.constant 0 : i32
        %dma_start3A_781 = tpu.memref_slice %arg17[%dma_start3A_779, %dma_start3A_780] : memref<2x96xi32, #tpu.memory_space<vmem>> -> memref<1x96xi32, #tpu.memory_space<vmem>>
        %dma_start3A_782 = tpu.memref_squeeze %dma_start3A_781 : memref<1x96xi32, #tpu.memory_space<vmem>> -> memref<96xi32, #tpu.memory_space<vmem>>
        %dma_start3A_783 = tpu.memref_slice %arg8[%add3A_760] : memref<320000xi32, #tpu.memory_space<hbm>> -> memref<96xi32, #tpu.memory_space<hbm>>
        %dma_start3A_784 = arith.constant 0 : i32
        %dma_start3A_785 = tpu.memref_slice %arg17[%dma_start3A_779, %dma_start3A_784] : memref<2x96xi32, #tpu.memory_space<vmem>> -> memref<1x96xi32, #tpu.memory_space<vmem>>
        %dma_start3A_786 = tpu.memref_squeeze %dma_start3A_785 : memref<1x96xi32, #tpu.memory_space<vmem>> -> memref<96xi32, #tpu.memory_space<vmem>>
        %dma_start3A_787 = tpu.memref_slice %arg8[%add3A_760] : memref<320000xi32, #tpu.memory_space<hbm>> -> memref<96xi32, #tpu.memory_space<hbm>>
        tpu.enqueue_dma source(%dma_start3A_787 : memref<96xi32, #tpu.memory_space<hbm>>) target(%dma_start3A_786 : memref<96xi32, #tpu.memory_space<vmem>>) target_semaphore(%arg23 : memref<!tpu.dma_semaphore, #tpu.memory_space<semaphore_mem>>)
        %dma_start3A_788 = arith.constant 1 : i32
        %dma_start3A_789 = arith.constant 0 : i32
        %dma_start3A_790 = tpu.memref_slice %arg18[%dma_start3A_788, %dma_start3A_789] : memref<2x96xf32, #tpu.memory_space<vmem>> -> memref<1x96xf32, #tpu.memory_space<vmem>>
        %dma_start3A_791 = tpu.memref_squeeze %dma_start3A_790 : memref<1x96xf32, #tpu.memory_space<vmem>> -> memref<96xf32, #tpu.memory_space<vmem>>
        %dma_start3A_792 = tpu.memref_slice %arg6[%add3A_760] : memref<320000xf32, #tpu.memory_space<hbm>> -> memref<96xf32, #tpu.memory_space<hbm>>
        %dma_start3A_793 = arith.constant 0 : i32
        %dma_start3A_794 = tpu.memref_slice %arg18[%dma_start3A_788, %dma_start3A_793] : memref<2x96xf32, #tpu.memory_space<vmem>> -> memref<1x96xf32, #tpu.memory_space<vmem>>
        %dma_start3A_795 = tpu.memref_squeeze %dma_start3A_794 : memref<1x96xf32, #tpu.memory_space<vmem>> -> memref<96xf32, #tpu.memory_space<vmem>>
        %dma_start3A_796 = tpu.memref_slice %arg6[%add3A_760] : memref<320000xf32, #tpu.memory_space<hbm>> -> memref<96xf32, #tpu.memory_space<hbm>>
        tpu.enqueue_dma source(%dma_start3A_796 : memref<96xf32, #tpu.memory_space<hbm>>) target(%dma_start3A_795 : memref<96xf32, #tpu.memory_space<vmem>>) target_semaphore(%arg23 : memref<!tpu.dma_semaphore, #tpu.memory_space<semaphore_mem>>)
      } else {
      }
      %add3A_366 = arith.constant 1 : i32
      %add3A_367 = arith.addi %add3A_276, %add3A_366 : i32
      %eq3A = arith.constant 104 : i32
      %eq3A_368 = arith.cmpi eq, %add3A_367, %eq3A : i32
      %convert_element_type3A_369 = arith.extui %eq3A_368 : i1 to i32
      %cond3A_370 = arith.constant 0 : i32
      %cond3A_371 = arith.cmpi ne, %convert_element_type3A_369, %cond3A_370 : i32
      scf.if %cond3A_371 {
        %add3A_756 = arith.constant 9984 : i32
        %add3A_757 = arith.addi %mul3A_2, %add3A_756 : i32
        %dma_start3A_758 = arith.constant 1 : i32
        %dma_start3A_759 = arith.constant 0 : i32
        %dma_start3A_760 = tpu.memref_slice %arg15[%dma_start3A_758, %dma_start3A_759] : memref<2x96xi32, #tpu.memory_space<vmem>> -> memref<1x16xi32, #tpu.memory_space<vmem>>
        %dma_start3A_761 = tpu.memref_squeeze %dma_start3A_760 : memref<1x16xi32, #tpu.memory_space<vmem>> -> memref<16xi32, #tpu.memory_space<vmem>>
        %dma_start3A_762 = tpu.memref_slice %arg4[%add3A_757] : memref<320000xi32, #tpu.memory_space<hbm>> -> memref<16xi32, #tpu.memory_space<hbm>>
        %dma_start3A_763 = arith.constant 0 : i32
        %dma_start3A_764 = tpu.memref_slice %arg15[%dma_start3A_758, %dma_start3A_763] : memref<2x96xi32, #tpu.memory_space<vmem>> -> memref<1x16xi32, #tpu.memory_space<vmem>>
        %dma_start3A_765 = tpu.memref_squeeze %dma_start3A_764 : memref<1x16xi32, #tpu.memory_space<vmem>> -> memref<16xi32, #tpu.memory_space<vmem>>
        %dma_start3A_766 = tpu.memref_slice %arg4[%add3A_757] : memref<320000xi32, #tpu.memory_space<hbm>> -> memref<16xi32, #tpu.memory_space<hbm>>
        tpu.enqueue_dma source(%dma_start3A_766 : memref<16xi32, #tpu.memory_space<hbm>>) target(%dma_start3A_765 : memref<16xi32, #tpu.memory_space<vmem>>) target_semaphore(%arg23 : memref<!tpu.dma_semaphore, #tpu.memory_space<semaphore_mem>>)
        %dma_start3A_767 = arith.constant 1 : i32
        %dma_start3A_768 = arith.constant 0 : i32
        %dma_start3A_769 = tpu.memref_slice %arg16[%dma_start3A_767, %dma_start3A_768] : memref<2x96xi32, #tpu.memory_space<vmem>> -> memref<1x16xi32, #tpu.memory_space<vmem>>
        %dma_start3A_770 = tpu.memref_squeeze %dma_start3A_769 : memref<1x16xi32, #tpu.memory_space<vmem>> -> memref<16xi32, #tpu.memory_space<vmem>>
        %dma_start3A_771 = tpu.memref_slice %arg5[%add3A_757] : memref<320000xi32, #tpu.memory_space<hbm>> -> memref<16xi32, #tpu.memory_space<hbm>>
        %dma_start3A_772 = arith.constant 0 : i32
        %dma_start3A_773 = tpu.memref_slice %arg16[%dma_start3A_767, %dma_start3A_772] : memref<2x96xi32, #tpu.memory_space<vmem>> -> memref<1x16xi32, #tpu.memory_space<vmem>>
        %dma_start3A_774 = tpu.memref_squeeze %dma_start3A_773 : memref<1x16xi32, #tpu.memory_space<vmem>> -> memref<16xi32, #tpu.memory_space<vmem>>
        %dma_start3A_775 = tpu.memref_slice %arg5[%add3A_757] : memref<320000xi32, #tpu.memory_space<hbm>> -> memref<16xi32, #tpu.memory_space<hbm>>
        tpu.enqueue_dma source(%dma_start3A_775 : memref<16xi32, #tpu.memory_space<hbm>>) target(%dma_start3A_774 : memref<16xi32, #tpu.memory_space<vmem>>) target_semaphore(%arg23 : memref<!tpu.dma_semaphore, #tpu.memory_space<semaphore_mem>>)
        %dma_start3A_776 = arith.constant 1 : i32
        %dma_start3A_777 = arith.constant 0 : i32
        %dma_start3A_778 = tpu.memref_slice %arg17[%dma_start3A_776, %dma_start3A_777] : memref<2x96xi32, #tpu.memory_space<vmem>> -> memref<1x16xi32, #tpu.memory_space<vmem>>
        %dma_start3A_779 = tpu.memref_squeeze %dma_start3A_778 : memref<1x16xi32, #tpu.memory_space<vmem>> -> memref<16xi32, #tpu.memory_space<vmem>>
        %dma_start3A_780 = tpu.memref_slice %arg8[%add3A_757] : memref<320000xi32, #tpu.memory_space<hbm>> -> memref<16xi32, #tpu.memory_space<hbm>>
        %dma_start3A_781 = arith.constant 0 : i32
        %dma_start3A_782 = tpu.memref_slice %arg17[%dma_start3A_776, %dma_start3A_781] : memref<2x96xi32, #tpu.memory_space<vmem>> -> memref<1x16xi32, #tpu.memory_space<vmem>>
        %dma_start3A_783 = tpu.memref_squeeze %dma_start3A_782 : memref<1x16xi32, #tpu.memory_space<vmem>> -> memref<16xi32, #tpu.memory_space<vmem>>
        %dma_start3A_784 = tpu.memref_slice %arg8[%add3A_757] : memref<320000xi32, #tpu.memory_space<hbm>> -> memref<16xi32, #tpu.memory_space<hbm>>
        tpu.enqueue_dma source(%dma_start3A_784 : memref<16xi32, #tpu.memory_space<hbm>>) target(%dma_start3A_783 : memref<16xi32, #tpu.memory_space<vmem>>) target_semaphore(%arg23 : memref<!tpu.dma_semaphore, #tpu.memory_space<semaphore_mem>>)
        %dma_start3A_785 = arith.constant 1 : i32
        %dma_start3A_786 = arith.constant 0 : i32
        %dma_start3A_787 = tpu.memref_slice %arg18[%dma_start3A_785, %dma_start3A_786] : memref<2x96xf32, #tpu.memory_space<vmem>> -> memref<1x16xf32, #tpu.memory_space<vmem>>
        %dma_start3A_788 = tpu.memref_squeeze %dma_start3A_787 : memref<1x16xf32, #tpu.memory_space<vmem>> -> memref<16xf32, #tpu.memory_space<vmem>>
        %dma_start3A_789 = tpu.memref_slice %arg6[%add3A_757] : memref<320000xf32, #tpu.memory_space<hbm>> -> memref<16xf32, #tpu.memory_space<hbm>>
        %dma_start3A_790 = arith.constant 0 : i32
        %dma_start3A_791 = tpu.memref_slice %arg18[%dma_start3A_785, %dma_start3A_790] : memref<2x96xf32, #tpu.memory_space<vmem>> -> memref<1x16xf32, #tpu.memory_space<vmem>>
        %dma_start3A_792 = tpu.memref_squeeze %dma_start3A_791 : memref<1x16xf32, #tpu.memory_space<vmem>> -> memref<16xf32, #tpu.memory_space<vmem>>
        %dma_start3A_793 = tpu.memref_slice %arg6[%add3A_757] : memref<320000xf32, #tpu.memory_space<hbm>> -> memref<16xf32, #tpu.memory_space<hbm>>
        tpu.enqueue_dma source(%dma_start3A_793 : memref<16xf32, #tpu.memory_space<hbm>>) target(%dma_start3A_792 : memref<16xf32, #tpu.memory_space<vmem>>) target_semaphore(%arg23 : memref<!tpu.dma_semaphore, #tpu.memory_space<semaphore_mem>>)
      } else {
      }
      %get3A_372 = arith.constant 0 : i32
      %get3A_373 = arith.index_cast %get3A_372 : i32 to index
      %get3A_374 = arith.constant 0 : index
      %get3A_375 = tpu.vector_load %arg15[%get3A_373, %get3A_374] {strides = array<i32>} : memref<2x96xi32, #tpu.memory_space<vmem>>, vector<16xi32>,
      %gather3A_376 = tpu.vector_load_idx %arg12[%get3A_375] : memref<10000xf32, #tpu.memory_space<vmem>>[vector<16xi32>], vector<16xf32>,
      %get3A_377 = arith.constant 0 : i32
      %get3A_378 = arith.index_cast %get3A_377 : i32 to index
      %get3A_379 = arith.constant 0 : index
      %get3A_380 = tpu.vector_load %arg18[%get3A_378, %get3A_379] {strides = array<i32>} : memref<2x96xf32, #tpu.memory_space<vmem>>, vector<16xf32>,
      %sub3A_381 = arith.subf %get3A_380, %gather3A_376 : vector<16xf32>
      %swap3A_382 = arith.constant 0 : i32
      %swap3A_383 = arith.index_cast %swap3A_382 : i32 to index
      %swap3A_384 = arith.constant 0 : index
      %swap3A_385 = tpu.vector_load %arg19[%swap3A_383, %swap3A_384] {strides = array<i32>} : memref<2x96xf32, #tpu.memory_space<vmem>>, vector<16xf32>,
      tpu.vector_store %arg19[%swap3A_383, %swap3A_384], %sub3A_381 {strides = array<i32>} : memref<2x96xf32, #tpu.memory_space<vmem>>, vector<16xf32>,
      %get3A_386 = arith.constant 0 : i32
      %get3A_387 = arith.index_cast %get3A_386 : i32 to index
      %get3A_388 = arith.constant 16 : index
      %get3A_389 = tpu.vector_load %arg15[%get3A_387, %get3A_388] {strides = array<i32>} : memref<2x96xi32, #tpu.memory_space<vmem>>, vector<16xi32>,
      %gather3A_390 = tpu.vector_load_idx %arg12[%get3A_389] : memref<10000xf32, #tpu.memory_space<vmem>>[vector<16xi32>], vector<16xf32>,
      %get3A_391 = arith.constant 0 : i32
      %get3A_392 = arith.index_cast %get3A_391 : i32 to index
      %get3A_393 = arith.constant 16 : index
      %get3A_394 = tpu.vector_load %arg18[%get3A_392, %get3A_393] {strides = array<i32>} : memref<2x96xf32, #tpu.memory_space<vmem>>, vector<16xf32>,
      %sub3A_395 = arith.subf %get3A_394, %gather3A_390 : vector<16xf32>
      %swap3A_396 = arith.constant 0 : i32
      %swap3A_397 = arith.index_cast %swap3A_396 : i32 to index
      %swap3A_398 = arith.constant 16 : index
      %swap3A_399 = tpu.vector_load %arg19[%swap3A_397, %swap3A_398] {strides = array<i32>} : memref<2x96xf32, #tpu.memory_space<vmem>>, vector<16xf32>,
      tpu.vector_store %arg19[%swap3A_397, %swap3A_398], %sub3A_395 {strides = array<i32>} : memref<2x96xf32, #tpu.memory_space<vmem>>, vector<16xf32>,
      %get3A_400 = arith.constant 0 : i32
      %get3A_401 = arith.index_cast %get3A_400 : i32 to index
      %get3A_402 = arith.constant 32 : index
      %get3A_403 = tpu.vector_load %arg15[%get3A_401, %get3A_402] {strides = array<i32>} : memref<2x96xi32, #tpu.memory_space<vmem>>, vector<16xi32>,
      %gather3A_404 = tpu.vector_load_idx %arg12[%get3A_403] : memref<10000xf32, #tpu.memory_space<vmem>>[vector<16xi32>], vector<16xf32>,
      %get3A_405 = arith.constant 0 : i32
      %get3A_406 = arith.index_cast %get3A_405 : i32 to index
      %get3A_407 = arith.constant 32 : index
      %get3A_408 = tpu.vector_load %arg18[%get3A_406, %get3A_407] {strides = array<i32>} : memref<2x96xf32, #tpu.memory_space<vmem>>, vector<16xf32>,
      %sub3A_409 = arith.subf %get3A_408, %gather3A_404 : vector<16xf32>
      %swap3A_410 = arith.constant 0 : i32
      %swap3A_411 = arith.index_cast %swap3A_410 : i32 to index
      %swap3A_412 = arith.constant 32 : index
      %swap3A_413 = tpu.vector_load %arg19[%swap3A_411, %swap3A_412] {strides = array<i32>} : memref<2x96xf32, #tpu.memory_space<vmem>>, vector<16xf32>,
      tpu.vector_store %arg19[%swap3A_411, %swap3A_412], %sub3A_409 {strides = array<i32>} : memref<2x96xf32, #tpu.memory_space<vmem>>, vector<16xf32>,
      %get3A_414 = arith.constant 0 : i32
      %get3A_415 = arith.index_cast %get3A_414 : i32 to index
      %get3A_416 = arith.constant 48 : index
      %get3A_417 = tpu.vector_load %arg15[%get3A_415, %get3A_416] {strides = array<i32>} : memref<2x96xi32, #tpu.memory_space<vmem>>, vector<16xi32>,
      %gather3A_418 = tpu.vector_load_idx %arg12[%get3A_417] : memref<10000xf32, #tpu.memory_space<vmem>>[vector<16xi32>], vector<16xf32>,
      %get3A_419 = arith.constant 0 : i32
      %get3A_420 = arith.index_cast %get3A_419 : i32 to index
      %get3A_421 = arith.constant 48 : index
      %get3A_422 = tpu.vector_load %arg18[%get3A_420, %get3A_421] {strides = array<i32>} : memref<2x96xf32, #tpu.memory_space<vmem>>, vector<16xf32>,
      %sub3A_423 = arith.subf %get3A_422, %gather3A_418 : vector<16xf32>
      %swap3A_424 = arith.constant 0 : i32
      %swap3A_425 = arith.index_cast %swap3A_424 : i32 to index
      %swap3A_426 = arith.constant 48 : index
      %swap3A_427 = tpu.vector_load %arg19[%swap3A_425, %swap3A_426] {strides = array<i32>} : memref<2x96xf32, #tpu.memory_space<vmem>>, vector<16xf32>,
      tpu.vector_store %arg19[%swap3A_425, %swap3A_426], %sub3A_423 {strides = array<i32>} : memref<2x96xf32, #tpu.memory_space<vmem>>, vector<16xf32>,
      %get3A_428 = arith.constant 0 : i32
      %get3A_429 = arith.index_cast %get3A_428 : i32 to index
      %get3A_430 = arith.constant 64 : index
      %get3A_431 = tpu.vector_load %arg15[%get3A_429, %get3A_430] {strides = array<i32>} : memref<2x96xi32, #tpu.memory_space<vmem>>, vector<16xi32>,
      %gather3A_432 = tpu.vector_load_idx %arg12[%get3A_431] : memref<10000xf32, #tpu.memory_space<vmem>>[vector<16xi32>], vector<16xf32>,
      %get3A_433 = arith.constant 0 : i32
      %get3A_434 = arith.index_cast %get3A_433 : i32 to index
      %get3A_435 = arith.constant 64 : index
      %get3A_436 = tpu.vector_load %arg18[%get3A_434, %get3A_435] {strides = array<i32>} : memref<2x96xf32, #tpu.memory_space<vmem>>, vector<16xf32>,
      %sub3A_437 = arith.subf %get3A_436, %gather3A_432 : vector<16xf32>
      %swap3A_438 = arith.constant 0 : i32
      %swap3A_439 = arith.index_cast %swap3A_438 : i32 to index
      %swap3A_440 = arith.constant 64 : index
      %swap3A_441 = tpu.vector_load %arg19[%swap3A_439, %swap3A_440] {strides = array<i32>} : memref<2x96xf32, #tpu.memory_space<vmem>>, vector<16xf32>,
      tpu.vector_store %arg19[%swap3A_439, %swap3A_440], %sub3A_437 {strides = array<i32>} : memref<2x96xf32, #tpu.memory_space<vmem>>, vector<16xf32>,
      %get3A_442 = arith.constant 0 : i32
      %get3A_443 = arith.index_cast %get3A_442 : i32 to index
      %get3A_444 = arith.constant 80 : index
      %get3A_445 = tpu.vector_load %arg15[%get3A_443, %get3A_444] {strides = array<i32>} : memref<2x96xi32, #tpu.memory_space<vmem>>, vector<16xi32>,
      %gather3A_446 = tpu.vector_load_idx %arg12[%get3A_445] : memref<10000xf32, #tpu.memory_space<vmem>>[vector<16xi32>], vector<16xf32>,
      %get3A_447 = arith.constant 0 : i32
      %get3A_448 = arith.index_cast %get3A_447 : i32 to index
      %get3A_449 = arith.constant 80 : index
      %get3A_450 = tpu.vector_load %arg18[%get3A_448, %get3A_449] {strides = array<i32>} : memref<2x96xf32, #tpu.memory_space<vmem>>, vector<16xf32>,
      %sub3A_451 = arith.subf %get3A_450, %gather3A_446 : vector<16xf32>
      %swap3A_452 = arith.constant 0 : i32
      %swap3A_453 = arith.index_cast %swap3A_452 : i32 to index
      %swap3A_454 = arith.constant 80 : index
      %swap3A_455 = tpu.vector_load %arg19[%swap3A_453, %swap3A_454] {strides = array<i32>} : memref<2x96xf32, #tpu.memory_space<vmem>>, vector<16xf32>,
      tpu.vector_store %arg19[%swap3A_453, %swap3A_454], %sub3A_451 {strides = array<i32>} : memref<2x96xf32, #tpu.memory_space<vmem>>, vector<16xf32>,
      %scan3A_456 = arith.constant 0 : i32
      %scan3A_457 = arith.constant 0 : i32
      %scan3A_458 = arith.constant 96 : i32
      %scan3A_459 = arith.addi %scan3A_457, %scan3A_458 : i32
      %scan3A_460 = arith.constant 1 : i32
      scf.for %scan3A_756 = %scan3A_457 to %scan3A_459 step %scan3A_460  : i32 {
        %broadcast_in_dim3A = arith.constant 0 : i32
        %broadcast_in_dim3A_757 = vector.broadcast %broadcast_in_dim3A : i32 to vector<16xi32>
        %add3A_758 = vector.broadcast %scan3A_756 : i32 to vector<16xi32>
        %add3A_759 = arith.addi %broadcast_in_dim3A_757, %add3A_758 : vector<16xi32>
        %gather3A_760 = arith.constant 0 : i32
        %gather3A_761 = arith.constant 0 : i32
        %gather3A_762 = tpu.memref_slice %arg19[%gather3A_760, %gather3A_761] : memref<2x96xf32, #tpu.memory_space<vmem>> -> memref<1x96xf32, #tpu.memory_space<vmem>>
        %gather3A_763 = tpu.memref_squeeze %gather3A_762 : memref<1x96xf32, #tpu.memory_space<vmem>> -> memref<96xf32, #tpu.memory_space<vmem>>
        %gather3A_764 = tpu.vector_load_idx %gather3A_763[%add3A_759] : memref<96xf32, #tpu.memory_space<vmem>>[vector<16xi32>], vector<16xf32>,
        %mul3A_765 = arith.mulf %gather3A_764, %get3A_3 : vector<16xf32>
        %add3A_766 = arith.addf %mul3A_765, %get3A_19 : vector<16xf32>
        %add3A_767 = arith.constant 0x4B400000 : f32
        %add3A_768 = vector.broadcast %add3A_767 : f32 to vector<16xf32>
        %add3A_769 = arith.addf %add3A_766, %add3A_768 : vector<16xf32>
        %sub3A_770 = arith.constant 0x4B400000 : f32
        %sub3A_771 = vector.broadcast %sub3A_770 : f32 to vector<16xf32>
        %sub3A_772 = arith.subf %add3A_769, %sub3A_771 : vector<16xf32>
        %sub3A_773 = arith.subf %add3A_766, %sub3A_772 : vector<16xf32>
        %mul3A_774 = arith.mulf %sub3A_773, %sub3A_773 : vector<16xf32>
        %mul3A_775 = arith.constant -21.2686958 : f32
        %mul3A_776 = vector.broadcast %mul3A_775 : f32 to vector<16xf32>
        %mul3A_777 = arith.mulf %mul3A_776, %mul3A_774 : vector<16xf32>
        %add3A_778 = arith.constant 58.9307289 : f32
        %add3A_779 = vector.broadcast %add3A_778 : f32 to vector<16xf32>
        %add3A_780 = arith.addf %mul3A_777, %add3A_779 : vector<16xf32>
        %mul3A_781 = arith.mulf %add3A_780, %mul3A_774 : vector<16xf32>
        %add3A_782 = arith.constant -85.3066635 : f32
        %add3A_783 = vector.broadcast %add3A_782 : f32 to vector<16xf32>
        %add3A_784 = arith.addf %mul3A_781, %add3A_783 : vector<16xf32>
        %mul3A_785 = arith.mulf %add3A_784, %mul3A_774 : vector<16xf32>
        %add3A_786 = arith.constant 64.9322586 : f32
        %add3A_787 = vector.broadcast %add3A_786 : f32 to vector<16xf32>
        %add3A_788 = arith.addf %mul3A_785, %add3A_787 : vector<16xf32>
        %mul3A_789 = arith.mulf %add3A_788, %mul3A_774 : vector<16xf32>
        %add3A_790 = arith.constant -19.7391109 : f32
        %add3A_791 = vector.broadcast %add3A_790 : f32 to vector<16xf32>
        %add3A_792 = arith.addf %mul3A_789, %add3A_791 : vector<16xf32>
        %mul3A_793 = arith.mulf %add3A_792, %mul3A_774 : vector<16xf32>
        %add3A_794 = arith.constant 1.000000e+00 : f32
        %add3A_795 = vector.broadcast %add3A_794 : f32 to vector<16xf32>
        %add3A_796 = arith.addf %mul3A_793, %add3A_795 : vector<16xf32>
        %swap3A_797 = arith.constant 0 : i32
        %swap3A_798 = arith.index_cast %swap3A_797 : i32 to index
        %swap3A_799 = arith.index_cast %scan3A_756 : i32 to index
        %swap3A_800 = arith.constant 256 : index
        %swap3A_801 = tpu.vector_load %arg20[%swap3A_798, %swap3A_799, %swap3A_800] {strides = array<i32>} : memref<2x96x512xf32, #tpu.memory_space<vmem>>, vector<16xf32>,
        tpu.vector_store %arg20[%swap3A_798, %swap3A_799, %swap3A_800], %add3A_796 {strides = array<i32>} : memref<2x96x512xf32, #tpu.memory_space<vmem>>, vector<16xf32>,
        %mul3A_802 = arith.mulf %gather3A_764, %get3A_5 : vector<16xf32>
        %add3A_803 = arith.addf %mul3A_802, %get3A_21 : vector<16xf32>
        %add3A_804 = arith.constant 0x4B400000 : f32
        %add3A_805 = vector.broadcast %add3A_804 : f32 to vector<16xf32>
        %add3A_806 = arith.addf %add3A_803, %add3A_805 : vector<16xf32>
        %sub3A_807 = arith.constant 0x4B400000 : f32
        %sub3A_808 = vector.broadcast %sub3A_807 : f32 to vector<16xf32>
        %sub3A_809 = arith.subf %add3A_806, %sub3A_808 : vector<16xf32>
        %sub3A_810 = arith.subf %add3A_803, %sub3A_809 : vector<16xf32>
        %mul3A_811 = arith.mulf %sub3A_810, %sub3A_810 : vector<16xf32>
        %mul3A_812 = arith.constant -21.2686958 : f32
        %mul3A_813 = vector.broadcast %mul3A_812 : f32 to vector<16xf32>
        %mul3A_814 = arith.mulf %mul3A_813, %mul3A_811 : vector<16xf32>
        %add3A_815 = arith.constant 58.9307289 : f32
        %add3A_816 = vector.broadcast %add3A_815 : f32 to vector<16xf32>
        %add3A_817 = arith.addf %mul3A_814, %add3A_816 : vector<16xf32>
        %mul3A_818 = arith.mulf %add3A_817, %mul3A_811 : vector<16xf32>
        %add3A_819 = arith.constant -85.3066635 : f32
        %add3A_820 = vector.broadcast %add3A_819 : f32 to vector<16xf32>
        %add3A_821 = arith.addf %mul3A_818, %add3A_820 : vector<16xf32>
        %mul3A_822 = arith.mulf %add3A_821, %mul3A_811 : vector<16xf32>
        %add3A_823 = arith.constant 64.9322586 : f32
        %add3A_824 = vector.broadcast %add3A_823 : f32 to vector<16xf32>
        %add3A_825 = arith.addf %mul3A_822, %add3A_824 : vector<16xf32>
        %mul3A_826 = arith.mulf %add3A_825, %mul3A_811 : vector<16xf32>
        %add3A_827 = arith.constant -19.7391109 : f32
        %add3A_828 = vector.broadcast %add3A_827 : f32 to vector<16xf32>
        %add3A_829 = arith.addf %mul3A_826, %add3A_828 : vector<16xf32>
        %mul3A_830 = arith.mulf %add3A_829, %mul3A_811 : vector<16xf32>
        %add3A_831 = arith.constant 1.000000e+00 : f32
        %add3A_832 = vector.broadcast %add3A_831 : f32 to vector<16xf32>
        %add3A_833 = arith.addf %mul3A_830, %add3A_832 : vector<16xf32>
        %swap3A_834 = arith.constant 0 : i32
        %swap3A_835 = arith.index_cast %swap3A_834 : i32 to index
        %swap3A_836 = arith.index_cast %scan3A_756 : i32 to index
        %swap3A_837 = arith.constant 272 : index
        %swap3A_838 = tpu.vector_load %arg20[%swap3A_835, %swap3A_836, %swap3A_837] {strides = array<i32>} : memref<2x96x512xf32, #tpu.memory_space<vmem>>, vector<16xf32>,
        tpu.vector_store %arg20[%swap3A_835, %swap3A_836, %swap3A_837], %add3A_833 {strides = array<i32>} : memref<2x96x512xf32, #tpu.memory_space<vmem>>, vector<16xf32>,
        %mul3A_839 = arith.mulf %gather3A_764, %get3A_7 : vector<16xf32>
        %add3A_840 = arith.addf %mul3A_839, %get3A_23 : vector<16xf32>
        %add3A_841 = arith.constant 0x4B400000 : f32
        %add3A_842 = vector.broadcast %add3A_841 : f32 to vector<16xf32>
        %add3A_843 = arith.addf %add3A_840, %add3A_842 : vector<16xf32>
        %sub3A_844 = arith.constant 0x4B400000 : f32
        %sub3A_845 = vector.broadcast %sub3A_844 : f32 to vector<16xf32>
        %sub3A_846 = arith.subf %add3A_843, %sub3A_845 : vector<16xf32>
        %sub3A_847 = arith.subf %add3A_840, %sub3A_846 : vector<16xf32>
        %mul3A_848 = arith.mulf %sub3A_847, %sub3A_847 : vector<16xf32>
        %mul3A_849 = arith.constant -21.2686958 : f32
        %mul3A_850 = vector.broadcast %mul3A_849 : f32 to vector<16xf32>
        %mul3A_851 = arith.mulf %mul3A_850, %mul3A_848 : vector<16xf32>
        %add3A_852 = arith.constant 58.9307289 : f32
        %add3A_853 = vector.broadcast %add3A_852 : f32 to vector<16xf32>
        %add3A_854 = arith.addf %mul3A_851, %add3A_853 : vector<16xf32>
        %mul3A_855 = arith.mulf %add3A_854, %mul3A_848 : vector<16xf32>
        %add3A_856 = arith.constant -85.3066635 : f32
        %add3A_857 = vector.broadcast %add3A_856 : f32 to vector<16xf32>
        %add3A_858 = arith.addf %mul3A_855, %add3A_857 : vector<16xf32>
        %mul3A_859 = arith.mulf %add3A_858, %mul3A_848 : vector<16xf32>
        %add3A_860 = arith.constant 64.9322586 : f32
        %add3A_861 = vector.broadcast %add3A_860 : f32 to vector<16xf32>
        %add3A_862 = arith.addf %mul3A_859, %add3A_861 : vector<16xf32>
        %mul3A_863 = arith.mulf %add3A_862, %mul3A_848 : vector<16xf32>
        %add3A_864 = arith.constant -19.7391109 : f32
        %add3A_865 = vector.broadcast %add3A_864 : f32 to vector<16xf32>
        %add3A_866 = arith.addf %mul3A_863, %add3A_865 : vector<16xf32>
        %mul3A_867 = arith.mulf %add3A_866, %mul3A_848 : vector<16xf32>
        %add3A_868 = arith.constant 1.000000e+00 : f32
        %add3A_869 = vector.broadcast %add3A_868 : f32 to vector<16xf32>
        %add3A_870 = arith.addf %mul3A_867, %add3A_869 : vector<16xf32>
        %swap3A_871 = arith.constant 0 : i32
        %swap3A_872 = arith.index_cast %swap3A_871 : i32 to index
        %swap3A_873 = arith.index_cast %scan3A_756 : i32 to index
        %swap3A_874 = arith.constant 288 : index
        %swap3A_875 = tpu.vector_load %arg20[%swap3A_872, %swap3A_873, %swap3A_874] {strides = array<i32>} : memref<2x96x512xf32, #tpu.memory_space<vmem>>, vector<16xf32>,
        tpu.vector_store %arg20[%swap3A_872, %swap3A_873, %swap3A_874], %add3A_870 {strides = array<i32>} : memref<2x96x512xf32, #tpu.memory_space<vmem>>, vector<16xf32>,
        %mul3A_876 = arith.mulf %gather3A_764, %get3A_9 : vector<16xf32>
        %add3A_877 = arith.addf %mul3A_876, %get3A_25 : vector<16xf32>
        %add3A_878 = arith.constant 0x4B400000 : f32
        %add3A_879 = vector.broadcast %add3A_878 : f32 to vector<16xf32>
        %add3A_880 = arith.addf %add3A_877, %add3A_879 : vector<16xf32>
        %sub3A_881 = arith.constant 0x4B400000 : f32
        %sub3A_882 = vector.broadcast %sub3A_881 : f32 to vector<16xf32>
        %sub3A_883 = arith.subf %add3A_880, %sub3A_882 : vector<16xf32>
        %sub3A_884 = arith.subf %add3A_877, %sub3A_883 : vector<16xf32>
        %mul3A_885 = arith.mulf %sub3A_884, %sub3A_884 : vector<16xf32>
        %mul3A_886 = arith.constant -21.2686958 : f32
        %mul3A_887 = vector.broadcast %mul3A_886 : f32 to vector<16xf32>
        %mul3A_888 = arith.mulf %mul3A_887, %mul3A_885 : vector<16xf32>
        %add3A_889 = arith.constant 58.9307289 : f32
        %add3A_890 = vector.broadcast %add3A_889 : f32 to vector<16xf32>
        %add3A_891 = arith.addf %mul3A_888, %add3A_890 : vector<16xf32>
        %mul3A_892 = arith.mulf %add3A_891, %mul3A_885 : vector<16xf32>
        %add3A_893 = arith.constant -85.3066635 : f32
        %add3A_894 = vector.broadcast %add3A_893 : f32 to vector<16xf32>
        %add3A_895 = arith.addf %mul3A_892, %add3A_894 : vector<16xf32>
        %mul3A_896 = arith.mulf %add3A_895, %mul3A_885 : vector<16xf32>
        %add3A_897 = arith.constant 64.9322586 : f32
        %add3A_898 = vector.broadcast %add3A_897 : f32 to vector<16xf32>
        %add3A_899 = arith.addf %mul3A_896, %add3A_898 : vector<16xf32>
        %mul3A_900 = arith.mulf %add3A_899, %mul3A_885 : vector<16xf32>
        %add3A_901 = arith.constant -19.7391109 : f32
        %add3A_902 = vector.broadcast %add3A_901 : f32 to vector<16xf32>
        %add3A_903 = arith.addf %mul3A_900, %add3A_902 : vector<16xf32>
        %mul3A_904 = arith.mulf %add3A_903, %mul3A_885 : vector<16xf32>
        %add3A_905 = arith.constant 1.000000e+00 : f32
        %add3A_906 = vector.broadcast %add3A_905 : f32 to vector<16xf32>
        %add3A_907 = arith.addf %mul3A_904, %add3A_906 : vector<16xf32>
        %swap3A_908 = arith.constant 0 : i32
        %swap3A_909 = arith.index_cast %swap3A_908 : i32 to index
        %swap3A_910 = arith.index_cast %scan3A_756 : i32 to index
        %swap3A_911 = arith.constant 304 : index
        %swap3A_912 = tpu.vector_load %arg20[%swap3A_909, %swap3A_910, %swap3A_911] {strides = array<i32>} : memref<2x96x512xf32, #tpu.memory_space<vmem>>, vector<16xf32>,
        tpu.vector_store %arg20[%swap3A_909, %swap3A_910, %swap3A_911], %add3A_907 {strides = array<i32>} : memref<2x96x512xf32, #tpu.memory_space<vmem>>, vector<16xf32>,
        %mul3A_913 = arith.mulf %gather3A_764, %get3A_11 : vector<16xf32>
        %add3A_914 = arith.addf %mul3A_913, %get3A_27 : vector<16xf32>
        %add3A_915 = arith.constant 0x4B400000 : f32
        %add3A_916 = vector.broadcast %add3A_915 : f32 to vector<16xf32>
        %add3A_917 = arith.addf %add3A_914, %add3A_916 : vector<16xf32>
        %sub3A_918 = arith.constant 0x4B400000 : f32
        %sub3A_919 = vector.broadcast %sub3A_918 : f32 to vector<16xf32>
        %sub3A_920 = arith.subf %add3A_917, %sub3A_919 : vector<16xf32>
        %sub3A_921 = arith.subf %add3A_914, %sub3A_920 : vector<16xf32>
        %mul3A_922 = arith.mulf %sub3A_921, %sub3A_921 : vector<16xf32>
        %mul3A_923 = arith.constant -21.2686958 : f32
        %mul3A_924 = vector.broadcast %mul3A_923 : f32 to vector<16xf32>
        %mul3A_925 = arith.mulf %mul3A_924, %mul3A_922 : vector<16xf32>
        %add3A_926 = arith.constant 58.9307289 : f32
        %add3A_927 = vector.broadcast %add3A_926 : f32 to vector<16xf32>
        %add3A_928 = arith.addf %mul3A_925, %add3A_927 : vector<16xf32>
        %mul3A_929 = arith.mulf %add3A_928, %mul3A_922 : vector<16xf32>
        %add3A_930 = arith.constant -85.3066635 : f32
        %add3A_931 = vector.broadcast %add3A_930 : f32 to vector<16xf32>
        %add3A_932 = arith.addf %mul3A_929, %add3A_931 : vector<16xf32>
        %mul3A_933 = arith.mulf %add3A_932, %mul3A_922 : vector<16xf32>
        %add3A_934 = arith.constant 64.9322586 : f32
        %add3A_935 = vector.broadcast %add3A_934 : f32 to vector<16xf32>
        %add3A_936 = arith.addf %mul3A_933, %add3A_935 : vector<16xf32>
        %mul3A_937 = arith.mulf %add3A_936, %mul3A_922 : vector<16xf32>
        %add3A_938 = arith.constant -19.7391109 : f32
        %add3A_939 = vector.broadcast %add3A_938 : f32 to vector<16xf32>
        %add3A_940 = arith.addf %mul3A_937, %add3A_939 : vector<16xf32>
        %mul3A_941 = arith.mulf %add3A_940, %mul3A_922 : vector<16xf32>
        %add3A_942 = arith.constant 1.000000e+00 : f32
        %add3A_943 = vector.broadcast %add3A_942 : f32 to vector<16xf32>
        %add3A_944 = arith.addf %mul3A_941, %add3A_943 : vector<16xf32>
        %swap3A_945 = arith.constant 0 : i32
        %swap3A_946 = arith.index_cast %swap3A_945 : i32 to index
        %swap3A_947 = arith.index_cast %scan3A_756 : i32 to index
        %swap3A_948 = arith.constant 320 : index
        %swap3A_949 = tpu.vector_load %arg20[%swap3A_946, %swap3A_947, %swap3A_948] {strides = array<i32>} : memref<2x96x512xf32, #tpu.memory_space<vmem>>, vector<16xf32>,
        tpu.vector_store %arg20[%swap3A_946, %swap3A_947, %swap3A_948], %add3A_944 {strides = array<i32>} : memref<2x96x512xf32, #tpu.memory_space<vmem>>, vector<16xf32>,
        %mul3A_950 = arith.mulf %gather3A_764, %get3A_13 : vector<16xf32>
        %add3A_951 = arith.addf %mul3A_950, %get3A_29 : vector<16xf32>
        %add3A_952 = arith.constant 0x4B400000 : f32
        %add3A_953 = vector.broadcast %add3A_952 : f32 to vector<16xf32>
        %add3A_954 = arith.addf %add3A_951, %add3A_953 : vector<16xf32>
        %sub3A_955 = arith.constant 0x4B400000 : f32
        %sub3A_956 = vector.broadcast %sub3A_955 : f32 to vector<16xf32>
        %sub3A_957 = arith.subf %add3A_954, %sub3A_956 : vector<16xf32>
        %sub3A_958 = arith.subf %add3A_951, %sub3A_957 : vector<16xf32>
        %mul3A_959 = arith.mulf %sub3A_958, %sub3A_958 : vector<16xf32>
        %mul3A_960 = arith.constant -21.2686958 : f32
        %mul3A_961 = vector.broadcast %mul3A_960 : f32 to vector<16xf32>
        %mul3A_962 = arith.mulf %mul3A_961, %mul3A_959 : vector<16xf32>
        %add3A_963 = arith.constant 58.9307289 : f32
        %add3A_964 = vector.broadcast %add3A_963 : f32 to vector<16xf32>
        %add3A_965 = arith.addf %mul3A_962, %add3A_964 : vector<16xf32>
        %mul3A_966 = arith.mulf %add3A_965, %mul3A_959 : vector<16xf32>
        %add3A_967 = arith.constant -85.3066635 : f32
        %add3A_968 = vector.broadcast %add3A_967 : f32 to vector<16xf32>
        %add3A_969 = arith.addf %mul3A_966, %add3A_968 : vector<16xf32>
        %mul3A_970 = arith.mulf %add3A_969, %mul3A_959 : vector<16xf32>
        %add3A_971 = arith.constant 64.9322586 : f32
        %add3A_972 = vector.broadcast %add3A_971 : f32 to vector<16xf32>
        %add3A_973 = arith.addf %mul3A_970, %add3A_972 : vector<16xf32>
        %mul3A_974 = arith.mulf %add3A_973, %mul3A_959 : vector<16xf32>
        %add3A_975 = arith.constant -19.7391109 : f32
        %add3A_976 = vector.broadcast %add3A_975 : f32 to vector<16xf32>
        %add3A_977 = arith.addf %mul3A_974, %add3A_976 : vector<16xf32>
        %mul3A_978 = arith.mulf %add3A_977, %mul3A_959 : vector<16xf32>
        %add3A_979 = arith.constant 1.000000e+00 : f32
        %add3A_980 = vector.broadcast %add3A_979 : f32 to vector<16xf32>
        %add3A_981 = arith.addf %mul3A_978, %add3A_980 : vector<16xf32>
        %swap3A_982 = arith.constant 0 : i32
        %swap3A_983 = arith.index_cast %swap3A_982 : i32 to index
        %swap3A_984 = arith.index_cast %scan3A_756 : i32 to index
        %swap3A_985 = arith.constant 336 : index
        %swap3A_986 = tpu.vector_load %arg20[%swap3A_983, %swap3A_984, %swap3A_985] {strides = array<i32>} : memref<2x96x512xf32, #tpu.memory_space<vmem>>, vector<16xf32>,
        tpu.vector_store %arg20[%swap3A_983, %swap3A_984, %swap3A_985], %add3A_981 {strides = array<i32>} : memref<2x96x512xf32, #tpu.memory_space<vmem>>, vector<16xf32>,
        %mul3A_987 = arith.mulf %gather3A_764, %get3A_15 : vector<16xf32>
        %add3A_988 = arith.addf %mul3A_987, %get3A_31 : vector<16xf32>
        %add3A_989 = arith.constant 0x4B400000 : f32
        %add3A_990 = vector.broadcast %add3A_989 : f32 to vector<16xf32>
        %add3A_991 = arith.addf %add3A_988, %add3A_990 : vector<16xf32>
        %sub3A_992 = arith.constant 0x4B400000 : f32
        %sub3A_993 = vector.broadcast %sub3A_992 : f32 to vector<16xf32>
        %sub3A_994 = arith.subf %add3A_991, %sub3A_993 : vector<16xf32>
        %sub3A_995 = arith.subf %add3A_988, %sub3A_994 : vector<16xf32>
        %mul3A_996 = arith.mulf %sub3A_995, %sub3A_995 : vector<16xf32>
        %mul3A_997 = arith.constant -21.2686958 : f32
        %mul3A_998 = vector.broadcast %mul3A_997 : f32 to vector<16xf32>
        %mul3A_999 = arith.mulf %mul3A_998, %mul3A_996 : vector<16xf32>
        %add3A_1000 = arith.constant 58.9307289 : f32
        %add3A_1001 = vector.broadcast %add3A_1000 : f32 to vector<16xf32>
        %add3A_1002 = arith.addf %mul3A_999, %add3A_1001 : vector<16xf32>
        %mul3A_1003 = arith.mulf %add3A_1002, %mul3A_996 : vector<16xf32>
        %add3A_1004 = arith.constant -85.3066635 : f32
        %add3A_1005 = vector.broadcast %add3A_1004 : f32 to vector<16xf32>
        %add3A_1006 = arith.addf %mul3A_1003, %add3A_1005 : vector<16xf32>
        %mul3A_1007 = arith.mulf %add3A_1006, %mul3A_996 : vector<16xf32>
        %add3A_1008 = arith.constant 64.9322586 : f32
        %add3A_1009 = vector.broadcast %add3A_1008 : f32 to vector<16xf32>
        %add3A_1010 = arith.addf %mul3A_1007, %add3A_1009 : vector<16xf32>
        %mul3A_1011 = arith.mulf %add3A_1010, %mul3A_996 : vector<16xf32>
        %add3A_1012 = arith.constant -19.7391109 : f32
        %add3A_1013 = vector.broadcast %add3A_1012 : f32 to vector<16xf32>
        %add3A_1014 = arith.addf %mul3A_1011, %add3A_1013 : vector<16xf32>
        %mul3A_1015 = arith.mulf %add3A_1014, %mul3A_996 : vector<16xf32>
        %add3A_1016 = arith.constant 1.000000e+00 : f32
        %add3A_1017 = vector.broadcast %add3A_1016 : f32 to vector<16xf32>
        %add3A_1018 = arith.addf %mul3A_1015, %add3A_1017 : vector<16xf32>
        %swap3A_1019 = arith.constant 0 : i32
        %swap3A_1020 = arith.index_cast %swap3A_1019 : i32 to index
        %swap3A_1021 = arith.index_cast %scan3A_756 : i32 to index
        %swap3A_1022 = arith.constant 352 : index
        %swap3A_1023 = tpu.vector_load %arg20[%swap3A_1020, %swap3A_1021, %swap3A_1022] {strides = array<i32>} : memref<2x96x512xf32, #tpu.memory_space<vmem>>, vector<16xf32>,
        tpu.vector_store %arg20[%swap3A_1020, %swap3A_1021, %swap3A_1022], %add3A_1018 {strides = array<i32>} : memref<2x96x512xf32, #tpu.memory_space<vmem>>, vector<16xf32>,
        %mul3A_1024 = arith.mulf %gather3A_764, %get3A_17 : vector<16xf32>
        %add3A_1025 = arith.addf %mul3A_1024, %get3A_33 : vector<16xf32>
        %add3A_1026 = arith.constant 0x4B400000 : f32
        %add3A_1027 = vector.broadcast %add3A_1026 : f32 to vector<16xf32>
        %add3A_1028 = arith.addf %add3A_1025, %add3A_1027 : vector<16xf32>
        %sub3A_1029 = arith.constant 0x4B400000 : f32
        %sub3A_1030 = vector.broadcast %sub3A_1029 : f32 to vector<16xf32>
        %sub3A_1031 = arith.subf %add3A_1028, %sub3A_1030 : vector<16xf32>
        %sub3A_1032 = arith.subf %add3A_1025, %sub3A_1031 : vector<16xf32>
        %mul3A_1033 = arith.mulf %sub3A_1032, %sub3A_1032 : vector<16xf32>
        %mul3A_1034 = arith.constant -21.2686958 : f32
        %mul3A_1035 = vector.broadcast %mul3A_1034 : f32 to vector<16xf32>
        %mul3A_1036 = arith.mulf %mul3A_1035, %mul3A_1033 : vector<16xf32>
        %add3A_1037 = arith.constant 58.9307289 : f32
        %add3A_1038 = vector.broadcast %add3A_1037 : f32 to vector<16xf32>
        %add3A_1039 = arith.addf %mul3A_1036, %add3A_1038 : vector<16xf32>
        %mul3A_1040 = arith.mulf %add3A_1039, %mul3A_1033 : vector<16xf32>
        %add3A_1041 = arith.constant -85.3066635 : f32
        %add3A_1042 = vector.broadcast %add3A_1041 : f32 to vector<16xf32>
        %add3A_1043 = arith.addf %mul3A_1040, %add3A_1042 : vector<16xf32>
        %mul3A_1044 = arith.mulf %add3A_1043, %mul3A_1033 : vector<16xf32>
        %add3A_1045 = arith.constant 64.9322586 : f32
        %add3A_1046 = vector.broadcast %add3A_1045 : f32 to vector<16xf32>
        %add3A_1047 = arith.addf %mul3A_1044, %add3A_1046 : vector<16xf32>
        %mul3A_1048 = arith.mulf %add3A_1047, %mul3A_1033 : vector<16xf32>
        %add3A_1049 = arith.constant -19.7391109 : f32
        %add3A_1050 = vector.broadcast %add3A_1049 : f32 to vector<16xf32>
        %add3A_1051 = arith.addf %mul3A_1048, %add3A_1050 : vector<16xf32>
        %mul3A_1052 = arith.mulf %add3A_1051, %mul3A_1033 : vector<16xf32>
        %add3A_1053 = arith.constant 1.000000e+00 : f32
        %add3A_1054 = vector.broadcast %add3A_1053 : f32 to vector<16xf32>
        %add3A_1055 = arith.addf %mul3A_1052, %add3A_1054 : vector<16xf32>
        %swap3A_1056 = arith.constant 0 : i32
        %swap3A_1057 = arith.index_cast %swap3A_1056 : i32 to index
        %swap3A_1058 = arith.index_cast %scan3A_756 : i32 to index
        %swap3A_1059 = arith.constant 368 : index
        %swap3A_1060 = tpu.vector_load %arg20[%swap3A_1057, %swap3A_1058, %swap3A_1059] {strides = array<i32>} : memref<2x96x512xf32, #tpu.memory_space<vmem>>, vector<16xf32>,
        tpu.vector_store %arg20[%swap3A_1057, %swap3A_1058, %swap3A_1059], %add3A_1055 {strides = array<i32>} : memref<2x96x512xf32, #tpu.memory_space<vmem>>, vector<16xf32>,
      }
      %scan3A_461 = arith.constant 96 : i32
      %dma_wait3A_462 = arith.constant 0 : i32
      %dma_wait3A_463 = arith.constant 0 : i32
      %dma_wait3A_464 = arith.constant 0 : i32
      %dma_wait3A_465 = arith.constant 0 : i32
      %dma_wait3A_466 = tpu.memref_slice %arg20[%dma_wait3A_463, %dma_wait3A_464, %dma_wait3A_465] : memref<2x96x512xf32, #tpu.memory_space<vmem>> -> memref<1x96x128xf32, #tpu.memory_space<vmem>>
      %dma_wait3A_467 = tpu.memref_squeeze %dma_wait3A_466 : memref<1x96x128xf32, #tpu.memory_space<vmem>> -> memref<96x128xf32, #tpu.memory_space<vmem>>
      %dma_wait3A_468 = arith.constant 0 : i32
      %dma_wait3A_469 = tpu.memref_slice %arg15[%dma_wait3A_462, %dma_wait3A_468] : memref<2x96xi32, #tpu.memory_space<vmem>> -> memref<1x96xi32, #tpu.memory_space<vmem>>
      %dma_wait3A_470 = tpu.memref_squeeze %dma_wait3A_469 : memref<1x96xi32, #tpu.memory_space<vmem>> -> memref<96xi32, #tpu.memory_space<vmem>>
      %dma_wait3A_471 = arith.constant 0 : i32
      %dma_wait3A_472 = arith.constant 0 : i32
      %dma_wait3A_473 = tpu.memref_slice %arg2[%dma_wait3A_471, %dma_wait3A_472] : memref<10000x128xf32, #tpu.memory_space<hbm>> -> memref<10000x128xf32, #tpu.memory_space<hbm>>
      tpu.wait_indirect_dma semaphore(%arg21 : memref<!tpu.dma_semaphore, #tpu.memory_space<semaphore_mem>>) src(%dma_wait3A_473 : memref<10000x128xf32, #tpu.memory_space<hbm>>) dst(%dma_wait3A_467 : memref<96x128xf32, #tpu.memory_space<vmem>>)
      %dma_wait3A_474 = arith.constant 0 : i32
      %dma_wait3A_475 = arith.constant 0 : i32
      %dma_wait3A_476 = arith.constant 0 : i32
      %dma_wait3A_477 = arith.constant 128 : i32
      %dma_wait3A_478 = tpu.memref_slice %arg20[%dma_wait3A_475, %dma_wait3A_476, %dma_wait3A_477] : memref<2x96x512xf32, #tpu.memory_space<vmem>> -> memref<1x96x128xf32, #tpu.memory_space<vmem>>
      %dma_wait3A_479 = tpu.memref_squeeze %dma_wait3A_478 : memref<1x96x128xf32, #tpu.memory_space<vmem>> -> memref<96x128xf32, #tpu.memory_space<vmem>>
      %dma_wait3A_480 = arith.constant 0 : i32
      %dma_wait3A_481 = tpu.memref_slice %arg16[%dma_wait3A_474, %dma_wait3A_480] : memref<2x96xi32, #tpu.memory_space<vmem>> -> memref<1x96xi32, #tpu.memory_space<vmem>>
      %dma_wait3A_482 = tpu.memref_squeeze %dma_wait3A_481 : memref<1x96xi32, #tpu.memory_space<vmem>> -> memref<96xi32, #tpu.memory_space<vmem>>
      %dma_wait3A_483 = arith.constant 0 : i32
      %dma_wait3A_484 = arith.constant 0 : i32
      %dma_wait3A_485 = tpu.memref_slice %arg2[%dma_wait3A_483, %dma_wait3A_484] : memref<10000x128xf32, #tpu.memory_space<hbm>> -> memref<10000x128xf32, #tpu.memory_space<hbm>>
      tpu.wait_indirect_dma semaphore(%arg21 : memref<!tpu.dma_semaphore, #tpu.memory_space<semaphore_mem>>) src(%dma_wait3A_485 : memref<10000x128xf32, #tpu.memory_space<hbm>>) dst(%dma_wait3A_479 : memref<96x128xf32, #tpu.memory_space<vmem>>)
      %dma_wait3A_486 = arith.constant 0 : i32
      %dma_wait3A_487 = arith.constant 0 : i32
      %dma_wait3A_488 = arith.constant 0 : i32
      %dma_wait3A_489 = arith.constant 384 : i32
      %dma_wait3A_490 = tpu.memref_slice %arg20[%dma_wait3A_487, %dma_wait3A_488, %dma_wait3A_489] : memref<2x96x512xf32, #tpu.memory_space<vmem>> -> memref<1x96x128xf32, #tpu.memory_space<vmem>>
      %dma_wait3A_491 = tpu.memref_squeeze %dma_wait3A_490 : memref<1x96x128xf32, #tpu.memory_space<vmem>> -> memref<96x128xf32, #tpu.memory_space<vmem>>
      %dma_wait3A_492 = arith.constant 0 : i32
      %dma_wait3A_493 = tpu.memref_slice %arg17[%dma_wait3A_486, %dma_wait3A_492] : memref<2x96xi32, #tpu.memory_space<vmem>> -> memref<1x96xi32, #tpu.memory_space<vmem>>
      %dma_wait3A_494 = tpu.memref_squeeze %dma_wait3A_493 : memref<1x96xi32, #tpu.memory_space<vmem>> -> memref<96xi32, #tpu.memory_space<vmem>>
      %dma_wait3A_495 = arith.constant 0 : i32
      %dma_wait3A_496 = arith.constant 0 : i32
      %dma_wait3A_497 = tpu.memref_slice %arg7[%dma_wait3A_495, %dma_wait3A_496] : memref<320000x128xf32, #tpu.memory_space<hbm>> -> memref<320000x128xf32, #tpu.memory_space<hbm>>
      tpu.wait_indirect_dma semaphore(%arg21 : memref<!tpu.dma_semaphore, #tpu.memory_space<semaphore_mem>>) src(%dma_wait3A_497 : memref<320000x128xf32, #tpu.memory_space<hbm>>) dst(%dma_wait3A_491 : memref<96x128xf32, #tpu.memory_space<vmem>>)
      %dma_start3A_498 = arith.constant 0 : i32
      %dma_start3A_499 = arith.constant 0 : i32
      %dma_start3A_500 = arith.constant 0 : i32
      %dma_start3A_501 = tpu.memref_slice %arg20[%dma_start3A_498, %dma_start3A_499, %dma_start3A_500] : memref<2x96x512xf32, #tpu.memory_space<vmem>> -> memref<1x96x512xf32, #tpu.memory_space<vmem>>
      %dma_start3A_502 = tpu.memref_squeeze %dma_start3A_501 : memref<1x96x512xf32, #tpu.memory_space<vmem>> -> memref<96x512xf32, #tpu.memory_space<vmem>>
      %dma_start3A_503 = arith.constant 0 : i32
      %dma_start3A_504 = tpu.memref_slice %arg11[%add3A_279, %dma_start3A_503] : memref<320000x512xf32, #tpu.memory_space<hbm>> -> memref<96x512xf32, #tpu.memory_space<hbm>>
      %dma_start3A_505 = arith.constant 0 : i32
      %dma_start3A_506 = tpu.memref_slice %arg11[%add3A_279, %dma_start3A_505] : memref<320000x512xf32, #tpu.memory_space<hbm>> -> memref<96x512xf32, #tpu.memory_space<hbm>>
      %dma_start3A_507 = arith.constant 0 : i32
      %dma_start3A_508 = arith.constant 0 : i32
      %dma_start3A_509 = tpu.memref_slice %arg20[%dma_start3A_498, %dma_start3A_507, %dma_start3A_508] : memref<2x96x512xf32, #tpu.memory_space<vmem>> -> memref<1x96x512xf32, #tpu.memory_space<vmem>>
      %dma_start3A_510 = tpu.memref_squeeze %dma_start3A_509 : memref<1x96x512xf32, #tpu.memory_space<vmem>> -> memref<96x512xf32, #tpu.memory_space<vmem>>
      tpu.enqueue_dma source(%dma_start3A_510 : memref<96x512xf32, #tpu.memory_space<vmem>>) target(%dma_start3A_506 : memref<96x512xf32, #tpu.memory_space<hbm>>) target_semaphore(%arg24 : memref<!tpu.dma_semaphore, #tpu.memory_space<semaphore_mem>>)
      %ge3A_511 = arith.constant 1 : i32
      %ge3A_512 = arith.cmpi sge, %scan3A_270, %ge3A_511 : i32
      %convert_element_type3A_513 = arith.extui %ge3A_512 : i1 to i32
      %cond3A_514 = arith.constant 0 : i32
      %cond3A_515 = arith.cmpi ne, %convert_element_type3A_513, %cond3A_514 : i32
      scf.if %cond3A_515 {
        %dma_wait3A_756 = arith.constant 1 : i32
        %dma_wait3A_757 = arith.constant 0 : i32
        %dma_wait3A_758 = arith.constant 0 : i32
        %dma_wait3A_759 = tpu.memref_slice %arg20[%dma_wait3A_756, %dma_wait3A_757, %dma_wait3A_758] : memref<2x96x512xf32, #tpu.memory_space<vmem>> -> memref<1x96x512xf32, #tpu.memory_space<vmem>>
        %dma_wait3A_760 = tpu.memref_squeeze %dma_wait3A_759 : memref<1x96x512xf32, #tpu.memory_space<vmem>> -> memref<96x512xf32, #tpu.memory_space<vmem>>
        %dma_wait3A_761 = arith.constant 0 : i32
        %dma_wait3A_762 = arith.constant 0 : i32
        %dma_wait3A_763 = tpu.memref_slice %arg11[%dma_wait3A_761, %dma_wait3A_762] : memref<320000x512xf32, #tpu.memory_space<hbm>> -> memref<96x512xf32, #tpu.memory_space<hbm>>
        %dma_wait3A_764 = arith.constant 0 : i32
        %dma_wait3A_765 = arith.constant 0 : i32
        %dma_wait3A_766 = tpu.memref_slice %arg11[%dma_wait3A_764, %dma_wait3A_765] : memref<320000x512xf32, #tpu.memory_space<hbm>> -> memref<96x512xf32, #tpu.memory_space<hbm>>
        %dma_wait3A_767 = arith.constant 0 : i32
        %dma_wait3A_768 = arith.constant 0 : i32
        %dma_wait3A_769 = tpu.memref_slice %arg20[%dma_wait3A_756, %dma_wait3A_767, %dma_wait3A_768] : memref<2x96x512xf32, #tpu.memory_space<vmem>> -> memref<1x96x512xf32, #tpu.memory_space<vmem>>
        %dma_wait3A_770 = tpu.memref_squeeze %dma_wait3A_769 : memref<1x96x512xf32, #tpu.memory_space<vmem>> -> memref<96x512xf32, #tpu.memory_space<vmem>>
        tpu.wait_dma2 semaphore(%arg25 : memref<!tpu.dma_semaphore, #tpu.memory_space<semaphore_mem>>) src(%dma_wait3A_770 : memref<96x512xf32, #tpu.memory_space<vmem>>) dst(%dma_wait3A_766 : memref<96x512xf32, #tpu.memory_space<hbm>>)
      } else {
      }
      %mul3A_516 = arith.constant 2 : i32
      %mul3A_517 = arith.muli %mul3A_516, %scan3A_270 : i32
      %add3A_518 = arith.constant 1 : i32
      %add3A_519 = arith.addi %mul3A_517, %add3A_518 : i32
      %mul3A_520 = arith.constant 96 : i32
      %mul3A_521 = arith.muli %add3A_519, %mul3A_520 : i32
      %add3A_522 = arith.addi %mul3A_2, %mul3A_521 : i32
      %dma_wait3A_523 = arith.constant 1 : i32
      %dma_wait3A_524 = arith.constant 0 : i32
      %dma_wait3A_525 = tpu.memref_slice %arg15[%dma_wait3A_523, %dma_wait3A_524] : memref<2x96xi32, #tpu.memory_space<vmem>> -> memref<1x96xi32, #tpu.memory_space<vmem>>
      %dma_wait3A_526 = tpu.memref_squeeze %dma_wait3A_525 : memref<1x96xi32, #tpu.memory_space<vmem>> -> memref<96xi32, #tpu.memory_space<vmem>>
      %dma_wait3A_527 = arith.constant 0 : i32
      %dma_wait3A_528 = tpu.memref_slice %arg4[%dma_wait3A_527] : memref<320000xi32, #tpu.memory_space<hbm>> -> memref<96xi32, #tpu.memory_space<hbm>>
      %dma_wait3A_529 = arith.constant 0 : i32
      %dma_wait3A_530 = tpu.memref_slice %arg15[%dma_wait3A_523, %dma_wait3A_529] : memref<2x96xi32, #tpu.memory_space<vmem>> -> memref<1x96xi32, #tpu.memory_space<vmem>>
      %dma_wait3A_531 = tpu.memref_squeeze %dma_wait3A_530 : memref<1x96xi32, #tpu.memory_space<vmem>> -> memref<96xi32, #tpu.memory_space<vmem>>
      %dma_wait3A_532 = arith.constant 0 : i32
      %dma_wait3A_533 = tpu.memref_slice %arg4[%dma_wait3A_532] : memref<320000xi32, #tpu.memory_space<hbm>> -> memref<96xi32, #tpu.memory_space<hbm>>
      tpu.wait_dma2 semaphore(%arg23 : memref<!tpu.dma_semaphore, #tpu.memory_space<semaphore_mem>>) src(%dma_wait3A_533 : memref<96xi32, #tpu.memory_space<hbm>>) dst(%dma_wait3A_531 : memref<96xi32, #tpu.memory_space<vmem>>)
      %dma_wait3A_534 = arith.constant 1 : i32
      %dma_wait3A_535 = arith.constant 0 : i32
      %dma_wait3A_536 = tpu.memref_slice %arg16[%dma_wait3A_534, %dma_wait3A_535] : memref<2x96xi32, #tpu.memory_space<vmem>> -> memref<1x96xi32, #tpu.memory_space<vmem>>
      %dma_wait3A_537 = tpu.memref_squeeze %dma_wait3A_536 : memref<1x96xi32, #tpu.memory_space<vmem>> -> memref<96xi32, #tpu.memory_space<vmem>>
      %dma_wait3A_538 = arith.constant 0 : i32
      %dma_wait3A_539 = tpu.memref_slice %arg4[%dma_wait3A_538] : memref<320000xi32, #tpu.memory_space<hbm>> -> memref<96xi32, #tpu.memory_space<hbm>>
      %dma_wait3A_540 = arith.constant 0 : i32
      %dma_wait3A_541 = tpu.memref_slice %arg16[%dma_wait3A_534, %dma_wait3A_540] : memref<2x96xi32, #tpu.memory_space<vmem>> -> memref<1x96xi32, #tpu.memory_space<vmem>>
      %dma_wait3A_542 = tpu.memref_squeeze %dma_wait3A_541 : memref<1x96xi32, #tpu.memory_space<vmem>> -> memref<96xi32, #tpu.memory_space<vmem>>
      %dma_wait3A_543 = arith.constant 0 : i32
      %dma_wait3A_544 = tpu.memref_slice %arg4[%dma_wait3A_543] : memref<320000xi32, #tpu.memory_space<hbm>> -> memref<96xi32, #tpu.memory_space<hbm>>
      tpu.wait_dma2 semaphore(%arg23 : memref<!tpu.dma_semaphore, #tpu.memory_space<semaphore_mem>>) src(%dma_wait3A_544 : memref<96xi32, #tpu.memory_space<hbm>>) dst(%dma_wait3A_542 : memref<96xi32, #tpu.memory_space<vmem>>)
      %dma_wait3A_545 = arith.constant 1 : i32
      %dma_wait3A_546 = arith.constant 0 : i32
      %dma_wait3A_547 = tpu.memref_slice %arg17[%dma_wait3A_545, %dma_wait3A_546] : memref<2x96xi32, #tpu.memory_space<vmem>> -> memref<1x96xi32, #tpu.memory_space<vmem>>
      %dma_wait3A_548 = tpu.memref_squeeze %dma_wait3A_547 : memref<1x96xi32, #tpu.memory_space<vmem>> -> memref<96xi32, #tpu.memory_space<vmem>>
      %dma_wait3A_549 = arith.constant 0 : i32
      %dma_wait3A_550 = tpu.memref_slice %arg4[%dma_wait3A_549] : memref<320000xi32, #tpu.memory_space<hbm>> -> memref<96xi32, #tpu.memory_space<hbm>>
      %dma_wait3A_551 = arith.constant 0 : i32
      %dma_wait3A_552 = tpu.memref_slice %arg17[%dma_wait3A_545, %dma_wait3A_551] : memref<2x96xi32, #tpu.memory_space<vmem>> -> memref<1x96xi32, #tpu.memory_space<vmem>>
      %dma_wait3A_553 = tpu.memref_squeeze %dma_wait3A_552 : memref<1x96xi32, #tpu.memory_space<vmem>> -> memref<96xi32, #tpu.memory_space<vmem>>
      %dma_wait3A_554 = arith.constant 0 : i32
      %dma_wait3A_555 = tpu.memref_slice %arg4[%dma_wait3A_554] : memref<320000xi32, #tpu.memory_space<hbm>> -> memref<96xi32, #tpu.memory_space<hbm>>
      tpu.wait_dma2 semaphore(%arg23 : memref<!tpu.dma_semaphore, #tpu.memory_space<semaphore_mem>>) src(%dma_wait3A_555 : memref<96xi32, #tpu.memory_space<hbm>>) dst(%dma_wait3A_553 : memref<96xi32, #tpu.memory_space<vmem>>)
      %dma_wait3A_556 = arith.constant 1 : i32
      %dma_wait3A_557 = arith.constant 0 : i32
      %dma_wait3A_558 = tpu.memref_slice %arg18[%dma_wait3A_556, %dma_wait3A_557] : memref<2x96xf32, #tpu.memory_space<vmem>> -> memref<1x96xf32, #tpu.memory_space<vmem>>
      %dma_wait3A_559 = tpu.memref_squeeze %dma_wait3A_558 : memref<1x96xf32, #tpu.memory_space<vmem>> -> memref<96xf32, #tpu.memory_space<vmem>>
      %dma_wait3A_560 = arith.constant 0 : i32
      %dma_wait3A_561 = tpu.memref_slice %arg6[%dma_wait3A_560] : memref<320000xf32, #tpu.memory_space<hbm>> -> memref<96xf32, #tpu.memory_space<hbm>>
      %dma_wait3A_562 = arith.constant 0 : i32
      %dma_wait3A_563 = tpu.memref_slice %arg18[%dma_wait3A_556, %dma_wait3A_562] : memref<2x96xf32, #tpu.memory_space<vmem>> -> memref<1x96xf32, #tpu.memory_space<vmem>>
      %dma_wait3A_564 = tpu.memref_squeeze %dma_wait3A_563 : memref<1x96xf32, #tpu.memory_space<vmem>> -> memref<96xf32, #tpu.memory_space<vmem>>
      %dma_wait3A_565 = arith.constant 0 : i32
      %dma_wait3A_566 = tpu.memref_slice %arg6[%dma_wait3A_565] : memref<320000xf32, #tpu.memory_space<hbm>> -> memref<96xf32, #tpu.memory_space<hbm>>
      tpu.wait_dma2 semaphore(%arg23 : memref<!tpu.dma_semaphore, #tpu.memory_space<semaphore_mem>>) src(%dma_wait3A_566 : memref<96xf32, #tpu.memory_space<hbm>>) dst(%dma_wait3A_564 : memref<96xf32, #tpu.memory_space<vmem>>)
      %dma_start3A_567 = arith.constant 1 : i32
      %dma_start3A_568 = arith.constant 1 : i32
      %dma_start3A_569 = arith.constant 0 : i32
      %dma_start3A_570 = arith.constant 0 : i32
      %dma_start3A_571 = tpu.memref_slice %arg20[%dma_start3A_568, %dma_start3A_569, %dma_start3A_570] : memref<2x96x512xf32, #tpu.memory_space<vmem>> -> memref<1x96x128xf32, #tpu.memory_space<vmem>>
      %dma_start3A_572 = tpu.memref_squeeze %dma_start3A_571 : memref<1x96x128xf32, #tpu.memory_space<vmem>> -> memref<96x128xf32, #tpu.memory_space<vmem>>
      %dma_start3A_573 = arith.constant 0 : i32
      %dma_start3A_574 = tpu.memref_slice %arg15[%dma_start3A_567, %dma_start3A_573] : memref<2x96xi32, #tpu.memory_space<vmem>> -> memref<1x96xi32, #tpu.memory_space<vmem>>
      %dma_start3A_575 = tpu.memref_squeeze %dma_start3A_574 : memref<1x96xi32, #tpu.memory_space<vmem>> -> memref<96xi32, #tpu.memory_space<vmem>>
      %dma_start3A_576 = arith.constant 0 : i32
      %dma_start3A_577 = arith.constant 0 : i32
      %dma_start3A_578 = tpu.memref_slice %arg2[%dma_start3A_576, %dma_start3A_577] : memref<10000x128xf32, #tpu.memory_space<hbm>> -> memref<10000x128xf32, #tpu.memory_space<hbm>>
      tpu.enqueue_indirect_dma source(%dma_start3A_578 : memref<10000x128xf32, #tpu.memory_space<hbm>>) target(%dma_start3A_572 : memref<96x128xf32, #tpu.memory_space<vmem>>) offsets(%dma_start3A_575 : memref<96xi32, #tpu.memory_space<vmem>>) semaphore(%arg21 : memref<!tpu.dma_semaphore, #tpu.memory_space<semaphore_mem>>)
      %dma_start3A_579 = arith.constant 1 : i32
      %dma_start3A_580 = arith.constant 1 : i32
      %dma_start3A_581 = arith.constant 0 : i32
      %dma_start3A_582 = arith.constant 128 : i32
      %dma_start3A_583 = tpu.memref_slice %arg20[%dma_start3A_580, %dma_start3A_581, %dma_start3A_582] : memref<2x96x512xf32, #tpu.memory_space<vmem>> -> memref<1x96x128xf32, #tpu.memory_space<vmem>>
      %dma_start3A_584 = tpu.memref_squeeze %dma_start3A_583 : memref<1x96x128xf32, #tpu.memory_space<vmem>> -> memref<96x128xf32, #tpu.memory_space<vmem>>
      %dma_start3A_585 = arith.constant 0 : i32
      %dma_start3A_586 = tpu.memref_slice %arg16[%dma_start3A_579, %dma_start3A_585] : memref<2x96xi32, #tpu.memory_space<vmem>> -> memref<1x96xi32, #tpu.memory_space<vmem>>
      %dma_start3A_587 = tpu.memref_squeeze %dma_start3A_586 : memref<1x96xi32, #tpu.memory_space<vmem>> -> memref<96xi32, #tpu.memory_space<vmem>>
      %dma_start3A_588 = arith.constant 0 : i32
      %dma_start3A_589 = arith.constant 0 : i32
      %dma_start3A_590 = tpu.memref_slice %arg2[%dma_start3A_588, %dma_start3A_589] : memref<10000x128xf32, #tpu.memory_space<hbm>> -> memref<10000x128xf32, #tpu.memory_space<hbm>>
      tpu.enqueue_indirect_dma source(%dma_start3A_590 : memref<10000x128xf32, #tpu.memory_space<hbm>>) target(%dma_start3A_584 : memref<96x128xf32, #tpu.memory_space<vmem>>) offsets(%dma_start3A_587 : memref<96xi32, #tpu.memory_space<vmem>>) semaphore(%arg21 : memref<!tpu.dma_semaphore, #tpu.memory_space<semaphore_mem>>)
      %dma_start3A_591 = arith.constant 1 : i32
      %dma_start3A_592 = arith.constant 1 : i32
      %dma_start3A_593 = arith.constant 0 : i32
      %dma_start3A_594 = arith.constant 384 : i32
      %dma_start3A_595 = tpu.memref_slice %arg20[%dma_start3A_592, %dma_start3A_593, %dma_start3A_594] : memref<2x96x512xf32, #tpu.memory_space<vmem>> -> memref<1x96x128xf32, #tpu.memory_space<vmem>>
      %dma_start3A_596 = tpu.memref_squeeze %dma_start3A_595 : memref<1x96x128xf32, #tpu.memory_space<vmem>> -> memref<96x128xf32, #tpu.memory_space<vmem>>
      %dma_start3A_597 = arith.constant 0 : i32
      %dma_start3A_598 = tpu.memref_slice %arg17[%dma_start3A_591, %dma_start3A_597] : memref<2x96xi32, #tpu.memory_space<vmem>> -> memref<1x96xi32, #tpu.memory_space<vmem>>
      %dma_start3A_599 = tpu.memref_squeeze %dma_start3A_598 : memref<1x96xi32, #tpu.memory_space<vmem>> -> memref<96xi32, #tpu.memory_space<vmem>>
      %dma_start3A_600 = arith.constant 0 : i32
      %dma_start3A_601 = arith.constant 0 : i32
      %dma_start3A_602 = tpu.memref_slice %arg7[%dma_start3A_600, %dma_start3A_601] : memref<320000x128xf32, #tpu.memory_space<hbm>> -> memref<320000x128xf32, #tpu.memory_space<hbm>>
      tpu.enqueue_indirect_dma source(%dma_start3A_602 : memref<320000x128xf32, #tpu.memory_space<hbm>>) target(%dma_start3A_596 : memref<96x128xf32, #tpu.memory_space<vmem>>) offsets(%dma_start3A_599 : memref<96xi32, #tpu.memory_space<vmem>>) semaphore(%arg21 : memref<!tpu.dma_semaphore, #tpu.memory_space<semaphore_mem>>)
      %add3A_603 = arith.constant 1 : i32
      %add3A_604 = arith.addi %add3A_519, %add3A_603 : i32
      %lt3A_605 = arith.constant 104 : i32
      %lt3A_606 = arith.cmpi slt, %add3A_604, %lt3A_605 : i32
      %convert_element_type3A_607 = arith.extui %lt3A_606 : i1 to i32
      %cond3A_608 = arith.constant 0 : i32
      %cond3A_609 = arith.cmpi ne, %convert_element_type3A_607, %cond3A_608 : i32
      scf.if %cond3A_609 {
        %add3A_756 = arith.constant 1 : i32
        %add3A_757 = arith.addi %add3A_519, %add3A_756 : i32
        %mul3A_758 = arith.constant 96 : i32
        %mul3A_759 = arith.muli %add3A_757, %mul3A_758 : i32
        %add3A_760 = arith.addi %mul3A_2, %mul3A_759 : i32
        %dma_start3A_761 = arith.constant 0 : i32
        %dma_start3A_762 = arith.constant 0 : i32
        %dma_start3A_763 = tpu.memref_slice %arg15[%dma_start3A_761, %dma_start3A_762] : memref<2x96xi32, #tpu.memory_space<vmem>> -> memref<1x96xi32, #tpu.memory_space<vmem>>
        %dma_start3A_764 = tpu.memref_squeeze %dma_start3A_763 : memref<1x96xi32, #tpu.memory_space<vmem>> -> memref<96xi32, #tpu.memory_space<vmem>>
        %dma_start3A_765 = tpu.memref_slice %arg4[%add3A_760] : memref<320000xi32, #tpu.memory_space<hbm>> -> memref<96xi32, #tpu.memory_space<hbm>>
        %dma_start3A_766 = arith.constant 0 : i32
        %dma_start3A_767 = tpu.memref_slice %arg15[%dma_start3A_761, %dma_start3A_766] : memref<2x96xi32, #tpu.memory_space<vmem>> -> memref<1x96xi32, #tpu.memory_space<vmem>>
        %dma_start3A_768 = tpu.memref_squeeze %dma_start3A_767 : memref<1x96xi32, #tpu.memory_space<vmem>> -> memref<96xi32, #tpu.memory_space<vmem>>
        %dma_start3A_769 = tpu.memref_slice %arg4[%add3A_760] : memref<320000xi32, #tpu.memory_space<hbm>> -> memref<96xi32, #tpu.memory_space<hbm>>
        tpu.enqueue_dma source(%dma_start3A_769 : memref<96xi32, #tpu.memory_space<hbm>>) target(%dma_start3A_768 : memref<96xi32, #tpu.memory_space<vmem>>) target_semaphore(%arg22 : memref<!tpu.dma_semaphore, #tpu.memory_space<semaphore_mem>>)
        %dma_start3A_770 = arith.constant 0 : i32
        %dma_start3A_771 = arith.constant 0 : i32
        %dma_start3A_772 = tpu.memref_slice %arg16[%dma_start3A_770, %dma_start3A_771] : memref<2x96xi32, #tpu.memory_space<vmem>> -> memref<1x96xi32, #tpu.memory_space<vmem>>
        %dma_start3A_773 = tpu.memref_squeeze %dma_start3A_772 : memref<1x96xi32, #tpu.memory_space<vmem>> -> memref<96xi32, #tpu.memory_space<vmem>>
        %dma_start3A_774 = tpu.memref_slice %arg5[%add3A_760] : memref<320000xi32, #tpu.memory_space<hbm>> -> memref<96xi32, #tpu.memory_space<hbm>>
        %dma_start3A_775 = arith.constant 0 : i32
        %dma_start3A_776 = tpu.memref_slice %arg16[%dma_start3A_770, %dma_start3A_775] : memref<2x96xi32, #tpu.memory_space<vmem>> -> memref<1x96xi32, #tpu.memory_space<vmem>>
        %dma_start3A_777 = tpu.memref_squeeze %dma_start3A_776 : memref<1x96xi32, #tpu.memory_space<vmem>> -> memref<96xi32, #tpu.memory_space<vmem>>
        %dma_start3A_778 = tpu.memref_slice %arg5[%add3A_760] : memref<320000xi32, #tpu.memory_space<hbm>> -> memref<96xi32, #tpu.memory_space<hbm>>
        tpu.enqueue_dma source(%dma_start3A_778 : memref<96xi32, #tpu.memory_space<hbm>>) target(%dma_start3A_777 : memref<96xi32, #tpu.memory_space<vmem>>) target_semaphore(%arg22 : memref<!tpu.dma_semaphore, #tpu.memory_space<semaphore_mem>>)
        %dma_start3A_779 = arith.constant 0 : i32
        %dma_start3A_780 = arith.constant 0 : i32
        %dma_start3A_781 = tpu.memref_slice %arg17[%dma_start3A_779, %dma_start3A_780] : memref<2x96xi32, #tpu.memory_space<vmem>> -> memref<1x96xi32, #tpu.memory_space<vmem>>
        %dma_start3A_782 = tpu.memref_squeeze %dma_start3A_781 : memref<1x96xi32, #tpu.memory_space<vmem>> -> memref<96xi32, #tpu.memory_space<vmem>>
        %dma_start3A_783 = tpu.memref_slice %arg8[%add3A_760] : memref<320000xi32, #tpu.memory_space<hbm>> -> memref<96xi32, #tpu.memory_space<hbm>>
        %dma_start3A_784 = arith.constant 0 : i32
        %dma_start3A_785 = tpu.memref_slice %arg17[%dma_start3A_779, %dma_start3A_784] : memref<2x96xi32, #tpu.memory_space<vmem>> -> memref<1x96xi32, #tpu.memory_space<vmem>>
        %dma_start3A_786 = tpu.memref_squeeze %dma_start3A_785 : memref<1x96xi32, #tpu.memory_space<vmem>> -> memref<96xi32, #tpu.memory_space<vmem>>
        %dma_start3A_787 = tpu.memref_slice %arg8[%add3A_760] : memref<320000xi32, #tpu.memory_space<hbm>> -> memref<96xi32, #tpu.memory_space<hbm>>
        tpu.enqueue_dma source(%dma_start3A_787 : memref<96xi32, #tpu.memory_space<hbm>>) target(%dma_start3A_786 : memref<96xi32, #tpu.memory_space<vmem>>) target_semaphore(%arg22 : memref<!tpu.dma_semaphore, #tpu.memory_space<semaphore_mem>>)
        %dma_start3A_788 = arith.constant 0 : i32
        %dma_start3A_789 = arith.constant 0 : i32
        %dma_start3A_790 = tpu.memref_slice %arg18[%dma_start3A_788, %dma_start3A_789] : memref<2x96xf32, #tpu.memory_space<vmem>> -> memref<1x96xf32, #tpu.memory_space<vmem>>
        %dma_start3A_791 = tpu.memref_squeeze %dma_start3A_790 : memref<1x96xf32, #tpu.memory_space<vmem>> -> memref<96xf32, #tpu.memory_space<vmem>>
        %dma_start3A_792 = tpu.memref_slice %arg6[%add3A_760] : memref<320000xf32, #tpu.memory_space<hbm>> -> memref<96xf32, #tpu.memory_space<hbm>>
        %dma_start3A_793 = arith.constant 0 : i32
        %dma_start3A_794 = tpu.memref_slice %arg18[%dma_start3A_788, %dma_start3A_793] : memref<2x96xf32, #tpu.memory_space<vmem>> -> memref<1x96xf32, #tpu.memory_space<vmem>>
        %dma_start3A_795 = tpu.memref_squeeze %dma_start3A_794 : memref<1x96xf32, #tpu.memory_space<vmem>> -> memref<96xf32, #tpu.memory_space<vmem>>
        %dma_start3A_796 = tpu.memref_slice %arg6[%add3A_760] : memref<320000xf32, #tpu.memory_space<hbm>> -> memref<96xf32, #tpu.memory_space<hbm>>
        tpu.enqueue_dma source(%dma_start3A_796 : memref<96xf32, #tpu.memory_space<hbm>>) target(%dma_start3A_795 : memref<96xf32, #tpu.memory_space<vmem>>) target_semaphore(%arg22 : memref<!tpu.dma_semaphore, #tpu.memory_space<semaphore_mem>>)
      } else {
      }
      %add3A_610 = arith.constant 1 : i32
      %add3A_611 = arith.addi %add3A_519, %add3A_610 : i32
      %eq3A_612 = arith.constant 104 : i32
      %eq3A_613 = arith.cmpi eq, %add3A_611, %eq3A_612 : i32
      %convert_element_type3A_614 = arith.extui %eq3A_613 : i1 to i32
      %cond3A_615 = arith.constant 0 : i32
      %cond3A_616 = arith.cmpi ne, %convert_element_type3A_614, %cond3A_615 : i32
      scf.if %cond3A_616 {
        %add3A_756 = arith.constant 9984 : i32
        %add3A_757 = arith.addi %mul3A_2, %add3A_756 : i32
        %dma_start3A_758 = arith.constant 0 : i32
        %dma_start3A_759 = arith.constant 0 : i32
        %dma_start3A_760 = tpu.memref_slice %arg15[%dma_start3A_758, %dma_start3A_759] : memref<2x96xi32, #tpu.memory_space<vmem>> -> memref<1x16xi32, #tpu.memory_space<vmem>>
        %dma_start3A_761 = tpu.memref_squeeze %dma_start3A_760 : memref<1x16xi32, #tpu.memory_space<vmem>> -> memref<16xi32, #tpu.memory_space<vmem>>
        %dma_start3A_762 = tpu.memref_slice %arg4[%add3A_757] : memref<320000xi32, #tpu.memory_space<hbm>> -> memref<16xi32, #tpu.memory_space<hbm>>
        %dma_start3A_763 = arith.constant 0 : i32
        %dma_start3A_764 = tpu.memref_slice %arg15[%dma_start3A_758, %dma_start3A_763] : memref<2x96xi32, #tpu.memory_space<vmem>> -> memref<1x16xi32, #tpu.memory_space<vmem>>
        %dma_start3A_765 = tpu.memref_squeeze %dma_start3A_764 : memref<1x16xi32, #tpu.memory_space<vmem>> -> memref<16xi32, #tpu.memory_space<vmem>>
        %dma_start3A_766 = tpu.memref_slice %arg4[%add3A_757] : memref<320000xi32, #tpu.memory_space<hbm>> -> memref<16xi32, #tpu.memory_space<hbm>>
        tpu.enqueue_dma source(%dma_start3A_766 : memref<16xi32, #tpu.memory_space<hbm>>) target(%dma_start3A_765 : memref<16xi32, #tpu.memory_space<vmem>>) target_semaphore(%arg22 : memref<!tpu.dma_semaphore, #tpu.memory_space<semaphore_mem>>)
        %dma_start3A_767 = arith.constant 0 : i32
        %dma_start3A_768 = arith.constant 0 : i32
        %dma_start3A_769 = tpu.memref_slice %arg16[%dma_start3A_767, %dma_start3A_768] : memref<2x96xi32, #tpu.memory_space<vmem>> -> memref<1x16xi32, #tpu.memory_space<vmem>>
        %dma_start3A_770 = tpu.memref_squeeze %dma_start3A_769 : memref<1x16xi32, #tpu.memory_space<vmem>> -> memref<16xi32, #tpu.memory_space<vmem>>
        %dma_start3A_771 = tpu.memref_slice %arg5[%add3A_757] : memref<320000xi32, #tpu.memory_space<hbm>> -> memref<16xi32, #tpu.memory_space<hbm>>
        %dma_start3A_772 = arith.constant 0 : i32
        %dma_start3A_773 = tpu.memref_slice %arg16[%dma_start3A_767, %dma_start3A_772] : memref<2x96xi32, #tpu.memory_space<vmem>> -> memref<1x16xi32, #tpu.memory_space<vmem>>
        %dma_start3A_774 = tpu.memref_squeeze %dma_start3A_773 : memref<1x16xi32, #tpu.memory_space<vmem>> -> memref<16xi32, #tpu.memory_space<vmem>>
        %dma_start3A_775 = tpu.memref_slice %arg5[%add3A_757] : memref<320000xi32, #tpu.memory_space<hbm>> -> memref<16xi32, #tpu.memory_space<hbm>>
        tpu.enqueue_dma source(%dma_start3A_775 : memref<16xi32, #tpu.memory_space<hbm>>) target(%dma_start3A_774 : memref<16xi32, #tpu.memory_space<vmem>>) target_semaphore(%arg22 : memref<!tpu.dma_semaphore, #tpu.memory_space<semaphore_mem>>)
        %dma_start3A_776 = arith.constant 0 : i32
        %dma_start3A_777 = arith.constant 0 : i32
        %dma_start3A_778 = tpu.memref_slice %arg17[%dma_start3A_776, %dma_start3A_777] : memref<2x96xi32, #tpu.memory_space<vmem>> -> memref<1x16xi32, #tpu.memory_space<vmem>>
        %dma_start3A_779 = tpu.memref_squeeze %dma_start3A_778 : memref<1x16xi32, #tpu.memory_space<vmem>> -> memref<16xi32, #tpu.memory_space<vmem>>
        %dma_start3A_780 = tpu.memref_slice %arg8[%add3A_757] : memref<320000xi32, #tpu.memory_space<hbm>> -> memref<16xi32, #tpu.memory_space<hbm>>
        %dma_start3A_781 = arith.constant 0 : i32
        %dma_start3A_782 = tpu.memref_slice %arg17[%dma_start3A_776, %dma_start3A_781] : memref<2x96xi32, #tpu.memory_space<vmem>> -> memref<1x16xi32, #tpu.memory_space<vmem>>
        %dma_start3A_783 = tpu.memref_squeeze %dma_start3A_782 : memref<1x16xi32, #tpu.memory_space<vmem>> -> memref<16xi32, #tpu.memory_space<vmem>>
        %dma_start3A_784 = tpu.memref_slice %arg8[%add3A_757] : memref<320000xi32, #tpu.memory_space<hbm>> -> memref<16xi32, #tpu.memory_space<hbm>>
        tpu.enqueue_dma source(%dma_start3A_784 : memref<16xi32, #tpu.memory_space<hbm>>) target(%dma_start3A_783 : memref<16xi32, #tpu.memory_space<vmem>>) target_semaphore(%arg22 : memref<!tpu.dma_semaphore, #tpu.memory_space<semaphore_mem>>)
        %dma_start3A_785 = arith.constant 0 : i32
        %dma_start3A_786 = arith.constant 0 : i32
        %dma_start3A_787 = tpu.memref_slice %arg18[%dma_start3A_785, %dma_start3A_786] : memref<2x96xf32, #tpu.memory_space<vmem>> -> memref<1x16xf32, #tpu.memory_space<vmem>>
        %dma_start3A_788 = tpu.memref_squeeze %dma_start3A_787 : memref<1x16xf32, #tpu.memory_space<vmem>> -> memref<16xf32, #tpu.memory_space<vmem>>
        %dma_start3A_789 = tpu.memref_slice %arg6[%add3A_757] : memref<320000xf32, #tpu.memory_space<hbm>> -> memref<16xf32, #tpu.memory_space<hbm>>
        %dma_start3A_790 = arith.constant 0 : i32
        %dma_start3A_791 = tpu.memref_slice %arg18[%dma_start3A_785, %dma_start3A_790] : memref<2x96xf32, #tpu.memory_space<vmem>> -> memref<1x16xf32, #tpu.memory_space<vmem>>
        %dma_start3A_792 = tpu.memref_squeeze %dma_start3A_791 : memref<1x16xf32, #tpu.memory_space<vmem>> -> memref<16xf32, #tpu.memory_space<vmem>>
        %dma_start3A_793 = tpu.memref_slice %arg6[%add3A_757] : memref<320000xf32, #tpu.memory_space<hbm>> -> memref<16xf32, #tpu.memory_space<hbm>>
        tpu.enqueue_dma source(%dma_start3A_793 : memref<16xf32, #tpu.memory_space<hbm>>) target(%dma_start3A_792 : memref<16xf32, #tpu.memory_space<vmem>>) target_semaphore(%arg22 : memref<!tpu.dma_semaphore, #tpu.memory_space<semaphore_mem>>)
      } else {
      }
      %get3A_617 = arith.constant 1 : i32
      %get3A_618 = arith.index_cast %get3A_617 : i32 to index
      %get3A_619 = arith.constant 0 : index
      %get3A_620 = tpu.vector_load %arg15[%get3A_618, %get3A_619] {strides = array<i32>} : memref<2x96xi32, #tpu.memory_space<vmem>>, vector<16xi32>,
      %gather3A_621 = tpu.vector_load_idx %arg12[%get3A_620] : memref<10000xf32, #tpu.memory_space<vmem>>[vector<16xi32>], vector<16xf32>,
      %get3A_622 = arith.constant 1 : i32
      %get3A_623 = arith.index_cast %get3A_622 : i32 to index
      %get3A_624 = arith.constant 0 : index
      %get3A_625 = tpu.vector_load %arg18[%get3A_623, %get3A_624] {strides = array<i32>} : memref<2x96xf32, #tpu.memory_space<vmem>>, vector<16xf32>,
      %sub3A_626 = arith.subf %get3A_625, %gather3A_621 : vector<16xf32>
      %swap3A_627 = arith.constant 1 : i32
      %swap3A_628 = arith.index_cast %swap3A_627 : i32 to index
      %swap3A_629 = arith.constant 0 : index
      %swap3A_630 = tpu.vector_load %arg19[%swap3A_628, %swap3A_629] {strides = array<i32>} : memref<2x96xf32, #tpu.memory_space<vmem>>, vector<16xf32>,
      tpu.vector_store %arg19[%swap3A_628, %swap3A_629], %sub3A_626 {strides = array<i32>} : memref<2x96xf32, #tpu.memory_space<vmem>>, vector<16xf32>,
      %get3A_631 = arith.constant 1 : i32
      %get3A_632 = arith.index_cast %get3A_631 : i32 to index
      %get3A_633 = arith.constant 16 : index
      %get3A_634 = tpu.vector_load %arg15[%get3A_632, %get3A_633] {strides = array<i32>} : memref<2x96xi32, #tpu.memory_space<vmem>>, vector<16xi32>,
      %gather3A_635 = tpu.vector_load_idx %arg12[%get3A_634] : memref<10000xf32, #tpu.memory_space<vmem>>[vector<16xi32>], vector<16xf32>,
      %get3A_636 = arith.constant 1 : i32
      %get3A_637 = arith.index_cast %get3A_636 : i32 to index
      %get3A_638 = arith.constant 16 : index
      %get3A_639 = tpu.vector_load %arg18[%get3A_637, %get3A_638] {strides = array<i32>} : memref<2x96xf32, #tpu.memory_space<vmem>>, vector<16xf32>,
      %sub3A_640 = arith.subf %get3A_639, %gather3A_635 : vector<16xf32>
      %swap3A_641 = arith.constant 1 : i32
      %swap3A_642 = arith.index_cast %swap3A_641 : i32 to index
      %swap3A_643 = arith.constant 16 : index
      %swap3A_644 = tpu.vector_load %arg19[%swap3A_642, %swap3A_643] {strides = array<i32>} : memref<2x96xf32, #tpu.memory_space<vmem>>, vector<16xf32>,
      tpu.vector_store %arg19[%swap3A_642, %swap3A_643], %sub3A_640 {strides = array<i32>} : memref<2x96xf32, #tpu.memory_space<vmem>>, vector<16xf32>,
      %get3A_645 = arith.constant 1 : i32
      %get3A_646 = arith.index_cast %get3A_645 : i32 to index
      %get3A_647 = arith.constant 32 : index
      %get3A_648 = tpu.vector_load %arg15[%get3A_646, %get3A_647] {strides = array<i32>} : memref<2x96xi32, #tpu.memory_space<vmem>>, vector<16xi32>,
      %gather3A_649 = tpu.vector_load_idx %arg12[%get3A_648] : memref<10000xf32, #tpu.memory_space<vmem>>[vector<16xi32>], vector<16xf32>,
      %get3A_650 = arith.constant 1 : i32
      %get3A_651 = arith.index_cast %get3A_650 : i32 to index
      %get3A_652 = arith.constant 32 : index
      %get3A_653 = tpu.vector_load %arg18[%get3A_651, %get3A_652] {strides = array<i32>} : memref<2x96xf32, #tpu.memory_space<vmem>>, vector<16xf32>,
      %sub3A_654 = arith.subf %get3A_653, %gather3A_649 : vector<16xf32>
      %swap3A_655 = arith.constant 1 : i32
      %swap3A_656 = arith.index_cast %swap3A_655 : i32 to index
      %swap3A_657 = arith.constant 32 : index
      %swap3A_658 = tpu.vector_load %arg19[%swap3A_656, %swap3A_657] {strides = array<i32>} : memref<2x96xf32, #tpu.memory_space<vmem>>, vector<16xf32>,
      tpu.vector_store %arg19[%swap3A_656, %swap3A_657], %sub3A_654 {strides = array<i32>} : memref<2x96xf32, #tpu.memory_space<vmem>>, vector<16xf32>,
      %get3A_659 = arith.constant 1 : i32
      %get3A_660 = arith.index_cast %get3A_659 : i32 to index
      %get3A_661 = arith.constant 48 : index
      %get3A_662 = tpu.vector_load %arg15[%get3A_660, %get3A_661] {strides = array<i32>} : memref<2x96xi32, #tpu.memory_space<vmem>>, vector<16xi32>,
      %gather3A_663 = tpu.vector_load_idx %arg12[%get3A_662] : memref<10000xf32, #tpu.memory_space<vmem>>[vector<16xi32>], vector<16xf32>,
      %get3A_664 = arith.constant 1 : i32
      %get3A_665 = arith.index_cast %get3A_664 : i32 to index
      %get3A_666 = arith.constant 48 : index
      %get3A_667 = tpu.vector_load %arg18[%get3A_665, %get3A_666] {strides = array<i32>} : memref<2x96xf32, #tpu.memory_space<vmem>>, vector<16xf32>,
      %sub3A_668 = arith.subf %get3A_667, %gather3A_663 : vector<16xf32>
      %swap3A_669 = arith.constant 1 : i32
      %swap3A_670 = arith.index_cast %swap3A_669 : i32 to index
      %swap3A_671 = arith.constant 48 : index
      %swap3A_672 = tpu.vector_load %arg19[%swap3A_670, %swap3A_671] {strides = array<i32>} : memref<2x96xf32, #tpu.memory_space<vmem>>, vector<16xf32>,
      tpu.vector_store %arg19[%swap3A_670, %swap3A_671], %sub3A_668 {strides = array<i32>} : memref<2x96xf32, #tpu.memory_space<vmem>>, vector<16xf32>,
      %get3A_673 = arith.constant 1 : i32
      %get3A_674 = arith.index_cast %get3A_673 : i32 to index
      %get3A_675 = arith.constant 64 : index
      %get3A_676 = tpu.vector_load %arg15[%get3A_674, %get3A_675] {strides = array<i32>} : memref<2x96xi32, #tpu.memory_space<vmem>>, vector<16xi32>,
      %gather3A_677 = tpu.vector_load_idx %arg12[%get3A_676] : memref<10000xf32, #tpu.memory_space<vmem>>[vector<16xi32>], vector<16xf32>,
      %get3A_678 = arith.constant 1 : i32
      %get3A_679 = arith.index_cast %get3A_678 : i32 to index
      %get3A_680 = arith.constant 64 : index
      %get3A_681 = tpu.vector_load %arg18[%get3A_679, %get3A_680] {strides = array<i32>} : memref<2x96xf32, #tpu.memory_space<vmem>>, vector<16xf32>,
      %sub3A_682 = arith.subf %get3A_681, %gather3A_677 : vector<16xf32>
      %swap3A_683 = arith.constant 1 : i32
      %swap3A_684 = arith.index_cast %swap3A_683 : i32 to index
      %swap3A_685 = arith.constant 64 : index
      %swap3A_686 = tpu.vector_load %arg19[%swap3A_684, %swap3A_685] {strides = array<i32>} : memref<2x96xf32, #tpu.memory_space<vmem>>, vector<16xf32>,
      tpu.vector_store %arg19[%swap3A_684, %swap3A_685], %sub3A_682 {strides = array<i32>} : memref<2x96xf32, #tpu.memory_space<vmem>>, vector<16xf32>,
      %get3A_687 = arith.constant 1 : i32
      %get3A_688 = arith.index_cast %get3A_687 : i32 to index
      %get3A_689 = arith.constant 80 : index
      %get3A_690 = tpu.vector_load %arg15[%get3A_688, %get3A_689] {strides = array<i32>} : memref<2x96xi32, #tpu.memory_space<vmem>>, vector<16xi32>,
      %gather3A_691 = tpu.vector_load_idx %arg12[%get3A_690] : memref<10000xf32, #tpu.memory_space<vmem>>[vector<16xi32>], vector<16xf32>,
      %get3A_692 = arith.constant 1 : i32
      %get3A_693 = arith.index_cast %get3A_692 : i32 to index
      %get3A_694 = arith.constant 80 : index
      %get3A_695 = tpu.vector_load %arg18[%get3A_693, %get3A_694] {strides = array<i32>} : memref<2x96xf32, #tpu.memory_space<vmem>>, vector<16xf32>,
      %sub3A_696 = arith.subf %get3A_695, %gather3A_691 : vector<16xf32>
      %swap3A_697 = arith.constant 1 : i32
      %swap3A_698 = arith.index_cast %swap3A_697 : i32 to index
      %swap3A_699 = arith.constant 80 : index
      %swap3A_700 = tpu.vector_load %arg19[%swap3A_698, %swap3A_699] {strides = array<i32>} : memref<2x96xf32, #tpu.memory_space<vmem>>, vector<16xf32>,
      tpu.vector_store %arg19[%swap3A_698, %swap3A_699], %sub3A_696 {strides = array<i32>} : memref<2x96xf32, #tpu.memory_space<vmem>>, vector<16xf32>,
      %scan3A_701 = arith.constant 0 : i32
      %scan3A_702 = arith.constant 0 : i32
      %scan3A_703 = arith.constant 96 : i32
      %scan3A_704 = arith.addi %scan3A_702, %scan3A_703 : i32
      %scan3A_705 = arith.constant 1 : i32
      scf.for %scan3A_756 = %scan3A_702 to %scan3A_704 step %scan3A_705  : i32 {
        %broadcast_in_dim3A = arith.constant 0 : i32
        %broadcast_in_dim3A_757 = vector.broadcast %broadcast_in_dim3A : i32 to vector<16xi32>
        %add3A_758 = vector.broadcast %scan3A_756 : i32 to vector<16xi32>
        %add3A_759 = arith.addi %broadcast_in_dim3A_757, %add3A_758 : vector<16xi32>
        %gather3A_760 = arith.constant 1 : i32
        %gather3A_761 = arith.constant 0 : i32
        %gather3A_762 = tpu.memref_slice %arg19[%gather3A_760, %gather3A_761] : memref<2x96xf32, #tpu.memory_space<vmem>> -> memref<1x96xf32, #tpu.memory_space<vmem>>
        %gather3A_763 = tpu.memref_squeeze %gather3A_762 : memref<1x96xf32, #tpu.memory_space<vmem>> -> memref<96xf32, #tpu.memory_space<vmem>>
        %gather3A_764 = tpu.vector_load_idx %gather3A_763[%add3A_759] : memref<96xf32, #tpu.memory_space<vmem>>[vector<16xi32>], vector<16xf32>,
        %mul3A_765 = arith.mulf %gather3A_764, %get3A_3 : vector<16xf32>
        %add3A_766 = arith.addf %mul3A_765, %get3A_19 : vector<16xf32>
        %add3A_767 = arith.constant 0x4B400000 : f32
        %add3A_768 = vector.broadcast %add3A_767 : f32 to vector<16xf32>
        %add3A_769 = arith.addf %add3A_766, %add3A_768 : vector<16xf32>
        %sub3A_770 = arith.constant 0x4B400000 : f32
        %sub3A_771 = vector.broadcast %sub3A_770 : f32 to vector<16xf32>
        %sub3A_772 = arith.subf %add3A_769, %sub3A_771 : vector<16xf32>
        %sub3A_773 = arith.subf %add3A_766, %sub3A_772 : vector<16xf32>
        %mul3A_774 = arith.mulf %sub3A_773, %sub3A_773 : vector<16xf32>
        %mul3A_775 = arith.constant -21.2686958 : f32
        %mul3A_776 = vector.broadcast %mul3A_775 : f32 to vector<16xf32>
        %mul3A_777 = arith.mulf %mul3A_776, %mul3A_774 : vector<16xf32>
        %add3A_778 = arith.constant 58.9307289 : f32
        %add3A_779 = vector.broadcast %add3A_778 : f32 to vector<16xf32>
        %add3A_780 = arith.addf %mul3A_777, %add3A_779 : vector<16xf32>
        %mul3A_781 = arith.mulf %add3A_780, %mul3A_774 : vector<16xf32>
        %add3A_782 = arith.constant -85.3066635 : f32
        %add3A_783 = vector.broadcast %add3A_782 : f32 to vector<16xf32>
        %add3A_784 = arith.addf %mul3A_781, %add3A_783 : vector<16xf32>
        %mul3A_785 = arith.mulf %add3A_784, %mul3A_774 : vector<16xf32>
        %add3A_786 = arith.constant 64.9322586 : f32
        %add3A_787 = vector.broadcast %add3A_786 : f32 to vector<16xf32>
        %add3A_788 = arith.addf %mul3A_785, %add3A_787 : vector<16xf32>
        %mul3A_789 = arith.mulf %add3A_788, %mul3A_774 : vector<16xf32>
        %add3A_790 = arith.constant -19.7391109 : f32
        %add3A_791 = vector.broadcast %add3A_790 : f32 to vector<16xf32>
        %add3A_792 = arith.addf %mul3A_789, %add3A_791 : vector<16xf32>
        %mul3A_793 = arith.mulf %add3A_792, %mul3A_774 : vector<16xf32>
        %add3A_794 = arith.constant 1.000000e+00 : f32
        %add3A_795 = vector.broadcast %add3A_794 : f32 to vector<16xf32>
        %add3A_796 = arith.addf %mul3A_793, %add3A_795 : vector<16xf32>
        %swap3A_797 = arith.constant 1 : i32
        %swap3A_798 = arith.index_cast %swap3A_797 : i32 to index
        %swap3A_799 = arith.index_cast %scan3A_756 : i32 to index
        %swap3A_800 = arith.constant 256 : index
        %swap3A_801 = tpu.vector_load %arg20[%swap3A_798, %swap3A_799, %swap3A_800] {strides = array<i32>} : memref<2x96x512xf32, #tpu.memory_space<vmem>>, vector<16xf32>,
        tpu.vector_store %arg20[%swap3A_798, %swap3A_799, %swap3A_800], %add3A_796 {strides = array<i32>} : memref<2x96x512xf32, #tpu.memory_space<vmem>>, vector<16xf32>,
        %mul3A_802 = arith.mulf %gather3A_764, %get3A_5 : vector<16xf32>
        %add3A_803 = arith.addf %mul3A_802, %get3A_21 : vector<16xf32>
        %add3A_804 = arith.constant 0x4B400000 : f32
        %add3A_805 = vector.broadcast %add3A_804 : f32 to vector<16xf32>
        %add3A_806 = arith.addf %add3A_803, %add3A_805 : vector<16xf32>
        %sub3A_807 = arith.constant 0x4B400000 : f32
        %sub3A_808 = vector.broadcast %sub3A_807 : f32 to vector<16xf32>
        %sub3A_809 = arith.subf %add3A_806, %sub3A_808 : vector<16xf32>
        %sub3A_810 = arith.subf %add3A_803, %sub3A_809 : vector<16xf32>
        %mul3A_811 = arith.mulf %sub3A_810, %sub3A_810 : vector<16xf32>
        %mul3A_812 = arith.constant -21.2686958 : f32
        %mul3A_813 = vector.broadcast %mul3A_812 : f32 to vector<16xf32>
        %mul3A_814 = arith.mulf %mul3A_813, %mul3A_811 : vector<16xf32>
        %add3A_815 = arith.constant 58.9307289 : f32
        %add3A_816 = vector.broadcast %add3A_815 : f32 to vector<16xf32>
        %add3A_817 = arith.addf %mul3A_814, %add3A_816 : vector<16xf32>
        %mul3A_818 = arith.mulf %add3A_817, %mul3A_811 : vector<16xf32>
        %add3A_819 = arith.constant -85.3066635 : f32
        %add3A_820 = vector.broadcast %add3A_819 : f32 to vector<16xf32>
        %add3A_821 = arith.addf %mul3A_818, %add3A_820 : vector<16xf32>
        %mul3A_822 = arith.mulf %add3A_821, %mul3A_811 : vector<16xf32>
        %add3A_823 = arith.constant 64.9322586 : f32
        %add3A_824 = vector.broadcast %add3A_823 : f32 to vector<16xf32>
        %add3A_825 = arith.addf %mul3A_822, %add3A_824 : vector<16xf32>
        %mul3A_826 = arith.mulf %add3A_825, %mul3A_811 : vector<16xf32>
        %add3A_827 = arith.constant -19.7391109 : f32
        %add3A_828 = vector.broadcast %add3A_827 : f32 to vector<16xf32>
        %add3A_829 = arith.addf %mul3A_826, %add3A_828 : vector<16xf32>
        %mul3A_830 = arith.mulf %add3A_829, %mul3A_811 : vector<16xf32>
        %add3A_831 = arith.constant 1.000000e+00 : f32
        %add3A_832 = vector.broadcast %add3A_831 : f32 to vector<16xf32>
        %add3A_833 = arith.addf %mul3A_830, %add3A_832 : vector<16xf32>
        %swap3A_834 = arith.constant 1 : i32
        %swap3A_835 = arith.index_cast %swap3A_834 : i32 to index
        %swap3A_836 = arith.index_cast %scan3A_756 : i32 to index
        %swap3A_837 = arith.constant 272 : index
        %swap3A_838 = tpu.vector_load %arg20[%swap3A_835, %swap3A_836, %swap3A_837] {strides = array<i32>} : memref<2x96x512xf32, #tpu.memory_space<vmem>>, vector<16xf32>,
        tpu.vector_store %arg20[%swap3A_835, %swap3A_836, %swap3A_837], %add3A_833 {strides = array<i32>} : memref<2x96x512xf32, #tpu.memory_space<vmem>>, vector<16xf32>,
        %mul3A_839 = arith.mulf %gather3A_764, %get3A_7 : vector<16xf32>
        %add3A_840 = arith.addf %mul3A_839, %get3A_23 : vector<16xf32>
        %add3A_841 = arith.constant 0x4B400000 : f32
        %add3A_842 = vector.broadcast %add3A_841 : f32 to vector<16xf32>
        %add3A_843 = arith.addf %add3A_840, %add3A_842 : vector<16xf32>
        %sub3A_844 = arith.constant 0x4B400000 : f32
        %sub3A_845 = vector.broadcast %sub3A_844 : f32 to vector<16xf32>
        %sub3A_846 = arith.subf %add3A_843, %sub3A_845 : vector<16xf32>
        %sub3A_847 = arith.subf %add3A_840, %sub3A_846 : vector<16xf32>
        %mul3A_848 = arith.mulf %sub3A_847, %sub3A_847 : vector<16xf32>
        %mul3A_849 = arith.constant -21.2686958 : f32
        %mul3A_850 = vector.broadcast %mul3A_849 : f32 to vector<16xf32>
        %mul3A_851 = arith.mulf %mul3A_850, %mul3A_848 : vector<16xf32>
        %add3A_852 = arith.constant 58.9307289 : f32
        %add3A_853 = vector.broadcast %add3A_852 : f32 to vector<16xf32>
        %add3A_854 = arith.addf %mul3A_851, %add3A_853 : vector<16xf32>
        %mul3A_855 = arith.mulf %add3A_854, %mul3A_848 : vector<16xf32>
        %add3A_856 = arith.constant -85.3066635 : f32
        %add3A_857 = vector.broadcast %add3A_856 : f32 to vector<16xf32>
        %add3A_858 = arith.addf %mul3A_855, %add3A_857 : vector<16xf32>
        %mul3A_859 = arith.mulf %add3A_858, %mul3A_848 : vector<16xf32>
        %add3A_860 = arith.constant 64.9322586 : f32
        %add3A_861 = vector.broadcast %add3A_860 : f32 to vector<16xf32>
        %add3A_862 = arith.addf %mul3A_859, %add3A_861 : vector<16xf32>
        %mul3A_863 = arith.mulf %add3A_862, %mul3A_848 : vector<16xf32>
        %add3A_864 = arith.constant -19.7391109 : f32
        %add3A_865 = vector.broadcast %add3A_864 : f32 to vector<16xf32>
        %add3A_866 = arith.addf %mul3A_863, %add3A_865 : vector<16xf32>
        %mul3A_867 = arith.mulf %add3A_866, %mul3A_848 : vector<16xf32>
        %add3A_868 = arith.constant 1.000000e+00 : f32
        %add3A_869 = vector.broadcast %add3A_868 : f32 to vector<16xf32>
        %add3A_870 = arith.addf %mul3A_867, %add3A_869 : vector<16xf32>
        %swap3A_871 = arith.constant 1 : i32
        %swap3A_872 = arith.index_cast %swap3A_871 : i32 to index
        %swap3A_873 = arith.index_cast %scan3A_756 : i32 to index
        %swap3A_874 = arith.constant 288 : index
        %swap3A_875 = tpu.vector_load %arg20[%swap3A_872, %swap3A_873, %swap3A_874] {strides = array<i32>} : memref<2x96x512xf32, #tpu.memory_space<vmem>>, vector<16xf32>,
        tpu.vector_store %arg20[%swap3A_872, %swap3A_873, %swap3A_874], %add3A_870 {strides = array<i32>} : memref<2x96x512xf32, #tpu.memory_space<vmem>>, vector<16xf32>,
        %mul3A_876 = arith.mulf %gather3A_764, %get3A_9 : vector<16xf32>
        %add3A_877 = arith.addf %mul3A_876, %get3A_25 : vector<16xf32>
        %add3A_878 = arith.constant 0x4B400000 : f32
        %add3A_879 = vector.broadcast %add3A_878 : f32 to vector<16xf32>
        %add3A_880 = arith.addf %add3A_877, %add3A_879 : vector<16xf32>
        %sub3A_881 = arith.constant 0x4B400000 : f32
        %sub3A_882 = vector.broadcast %sub3A_881 : f32 to vector<16xf32>
        %sub3A_883 = arith.subf %add3A_880, %sub3A_882 : vector<16xf32>
        %sub3A_884 = arith.subf %add3A_877, %sub3A_883 : vector<16xf32>
        %mul3A_885 = arith.mulf %sub3A_884, %sub3A_884 : vector<16xf32>
        %mul3A_886 = arith.constant -21.2686958 : f32
        %mul3A_887 = vector.broadcast %mul3A_886 : f32 to vector<16xf32>
        %mul3A_888 = arith.mulf %mul3A_887, %mul3A_885 : vector<16xf32>
        %add3A_889 = arith.constant 58.9307289 : f32
        %add3A_890 = vector.broadcast %add3A_889 : f32 to vector<16xf32>
        %add3A_891 = arith.addf %mul3A_888, %add3A_890 : vector<16xf32>
        %mul3A_892 = arith.mulf %add3A_891, %mul3A_885 : vector<16xf32>
        %add3A_893 = arith.constant -85.3066635 : f32
        %add3A_894 = vector.broadcast %add3A_893 : f32 to vector<16xf32>
        %add3A_895 = arith.addf %mul3A_892, %add3A_894 : vector<16xf32>
        %mul3A_896 = arith.mulf %add3A_895, %mul3A_885 : vector<16xf32>
        %add3A_897 = arith.constant 64.9322586 : f32
        %add3A_898 = vector.broadcast %add3A_897 : f32 to vector<16xf32>
        %add3A_899 = arith.addf %mul3A_896, %add3A_898 : vector<16xf32>
        %mul3A_900 = arith.mulf %add3A_899, %mul3A_885 : vector<16xf32>
        %add3A_901 = arith.constant -19.7391109 : f32
        %add3A_902 = vector.broadcast %add3A_901 : f32 to vector<16xf32>
        %add3A_903 = arith.addf %mul3A_900, %add3A_902 : vector<16xf32>
        %mul3A_904 = arith.mulf %add3A_903, %mul3A_885 : vector<16xf32>
        %add3A_905 = arith.constant 1.000000e+00 : f32
        %add3A_906 = vector.broadcast %add3A_905 : f32 to vector<16xf32>
        %add3A_907 = arith.addf %mul3A_904, %add3A_906 : vector<16xf32>
        %swap3A_908 = arith.constant 1 : i32
        %swap3A_909 = arith.index_cast %swap3A_908 : i32 to index
        %swap3A_910 = arith.index_cast %scan3A_756 : i32 to index
        %swap3A_911 = arith.constant 304 : index
        %swap3A_912 = tpu.vector_load %arg20[%swap3A_909, %swap3A_910, %swap3A_911] {strides = array<i32>} : memref<2x96x512xf32, #tpu.memory_space<vmem>>, vector<16xf32>,
        tpu.vector_store %arg20[%swap3A_909, %swap3A_910, %swap3A_911], %add3A_907 {strides = array<i32>} : memref<2x96x512xf32, #tpu.memory_space<vmem>>, vector<16xf32>,
        %mul3A_913 = arith.mulf %gather3A_764, %get3A_11 : vector<16xf32>
        %add3A_914 = arith.addf %mul3A_913, %get3A_27 : vector<16xf32>
        %add3A_915 = arith.constant 0x4B400000 : f32
        %add3A_916 = vector.broadcast %add3A_915 : f32 to vector<16xf32>
        %add3A_917 = arith.addf %add3A_914, %add3A_916 : vector<16xf32>
        %sub3A_918 = arith.constant 0x4B400000 : f32
        %sub3A_919 = vector.broadcast %sub3A_918 : f32 to vector<16xf32>
        %sub3A_920 = arith.subf %add3A_917, %sub3A_919 : vector<16xf32>
        %sub3A_921 = arith.subf %add3A_914, %sub3A_920 : vector<16xf32>
        %mul3A_922 = arith.mulf %sub3A_921, %sub3A_921 : vector<16xf32>
        %mul3A_923 = arith.constant -21.2686958 : f32
        %mul3A_924 = vector.broadcast %mul3A_923 : f32 to vector<16xf32>
        %mul3A_925 = arith.mulf %mul3A_924, %mul3A_922 : vector<16xf32>
        %add3A_926 = arith.constant 58.9307289 : f32
        %add3A_927 = vector.broadcast %add3A_926 : f32 to vector<16xf32>
        %add3A_928 = arith.addf %mul3A_925, %add3A_927 : vector<16xf32>
        %mul3A_929 = arith.mulf %add3A_928, %mul3A_922 : vector<16xf32>
        %add3A_930 = arith.constant -85.3066635 : f32
        %add3A_931 = vector.broadcast %add3A_930 : f32 to vector<16xf32>
        %add3A_932 = arith.addf %mul3A_929, %add3A_931 : vector<16xf32>
        %mul3A_933 = arith.mulf %add3A_932, %mul3A_922 : vector<16xf32>
        %add3A_934 = arith.constant 64.9322586 : f32
        %add3A_935 = vector.broadcast %add3A_934 : f32 to vector<16xf32>
        %add3A_936 = arith.addf %mul3A_933, %add3A_935 : vector<16xf32>
        %mul3A_937 = arith.mulf %add3A_936, %mul3A_922 : vector<16xf32>
        %add3A_938 = arith.constant -19.7391109 : f32
        %add3A_939 = vector.broadcast %add3A_938 : f32 to vector<16xf32>
        %add3A_940 = arith.addf %mul3A_937, %add3A_939 : vector<16xf32>
        %mul3A_941 = arith.mulf %add3A_940, %mul3A_922 : vector<16xf32>
        %add3A_942 = arith.constant 1.000000e+00 : f32
        %add3A_943 = vector.broadcast %add3A_942 : f32 to vector<16xf32>
        %add3A_944 = arith.addf %mul3A_941, %add3A_943 : vector<16xf32>
        %swap3A_945 = arith.constant 1 : i32
        %swap3A_946 = arith.index_cast %swap3A_945 : i32 to index
        %swap3A_947 = arith.index_cast %scan3A_756 : i32 to index
        %swap3A_948 = arith.constant 320 : index
        %swap3A_949 = tpu.vector_load %arg20[%swap3A_946, %swap3A_947, %swap3A_948] {strides = array<i32>} : memref<2x96x512xf32, #tpu.memory_space<vmem>>, vector<16xf32>,
        tpu.vector_store %arg20[%swap3A_946, %swap3A_947, %swap3A_948], %add3A_944 {strides = array<i32>} : memref<2x96x512xf32, #tpu.memory_space<vmem>>, vector<16xf32>,
        %mul3A_950 = arith.mulf %gather3A_764, %get3A_13 : vector<16xf32>
        %add3A_951 = arith.addf %mul3A_950, %get3A_29 : vector<16xf32>
        %add3A_952 = arith.constant 0x4B400000 : f32
        %add3A_953 = vector.broadcast %add3A_952 : f32 to vector<16xf32>
        %add3A_954 = arith.addf %add3A_951, %add3A_953 : vector<16xf32>
        %sub3A_955 = arith.constant 0x4B400000 : f32
        %sub3A_956 = vector.broadcast %sub3A_955 : f32 to vector<16xf32>
        %sub3A_957 = arith.subf %add3A_954, %sub3A_956 : vector<16xf32>
        %sub3A_958 = arith.subf %add3A_951, %sub3A_957 : vector<16xf32>
        %mul3A_959 = arith.mulf %sub3A_958, %sub3A_958 : vector<16xf32>
        %mul3A_960 = arith.constant -21.2686958 : f32
        %mul3A_961 = vector.broadcast %mul3A_960 : f32 to vector<16xf32>
        %mul3A_962 = arith.mulf %mul3A_961, %mul3A_959 : vector<16xf32>
        %add3A_963 = arith.constant 58.9307289 : f32
        %add3A_964 = vector.broadcast %add3A_963 : f32 to vector<16xf32>
        %add3A_965 = arith.addf %mul3A_962, %add3A_964 : vector<16xf32>
        %mul3A_966 = arith.mulf %add3A_965, %mul3A_959 : vector<16xf32>
        %add3A_967 = arith.constant -85.3066635 : f32
        %add3A_968 = vector.broadcast %add3A_967 : f32 to vector<16xf32>
        %add3A_969 = arith.addf %mul3A_966, %add3A_968 : vector<16xf32>
        %mul3A_970 = arith.mulf %add3A_969, %mul3A_959 : vector<16xf32>
        %add3A_971 = arith.constant 64.9322586 : f32
        %add3A_972 = vector.broadcast %add3A_971 : f32 to vector<16xf32>
        %add3A_973 = arith.addf %mul3A_970, %add3A_972 : vector<16xf32>
        %mul3A_974 = arith.mulf %add3A_973, %mul3A_959 : vector<16xf32>
        %add3A_975 = arith.constant -19.7391109 : f32
        %add3A_976 = vector.broadcast %add3A_975 : f32 to vector<16xf32>
        %add3A_977 = arith.addf %mul3A_974, %add3A_976 : vector<16xf32>
        %mul3A_978 = arith.mulf %add3A_977, %mul3A_959 : vector<16xf32>
        %add3A_979 = arith.constant 1.000000e+00 : f32
        %add3A_980 = vector.broadcast %add3A_979 : f32 to vector<16xf32>
        %add3A_981 = arith.addf %mul3A_978, %add3A_980 : vector<16xf32>
        %swap3A_982 = arith.constant 1 : i32
        %swap3A_983 = arith.index_cast %swap3A_982 : i32 to index
        %swap3A_984 = arith.index_cast %scan3A_756 : i32 to index
        %swap3A_985 = arith.constant 336 : index
        %swap3A_986 = tpu.vector_load %arg20[%swap3A_983, %swap3A_984, %swap3A_985] {strides = array<i32>} : memref<2x96x512xf32, #tpu.memory_space<vmem>>, vector<16xf32>,
        tpu.vector_store %arg20[%swap3A_983, %swap3A_984, %swap3A_985], %add3A_981 {strides = array<i32>} : memref<2x96x512xf32, #tpu.memory_space<vmem>>, vector<16xf32>,
        %mul3A_987 = arith.mulf %gather3A_764, %get3A_15 : vector<16xf32>
        %add3A_988 = arith.addf %mul3A_987, %get3A_31 : vector<16xf32>
        %add3A_989 = arith.constant 0x4B400000 : f32
        %add3A_990 = vector.broadcast %add3A_989 : f32 to vector<16xf32>
        %add3A_991 = arith.addf %add3A_988, %add3A_990 : vector<16xf32>
        %sub3A_992 = arith.constant 0x4B400000 : f32
        %sub3A_993 = vector.broadcast %sub3A_992 : f32 to vector<16xf32>
        %sub3A_994 = arith.subf %add3A_991, %sub3A_993 : vector<16xf32>
        %sub3A_995 = arith.subf %add3A_988, %sub3A_994 : vector<16xf32>
        %mul3A_996 = arith.mulf %sub3A_995, %sub3A_995 : vector<16xf32>
        %mul3A_997 = arith.constant -21.2686958 : f32
        %mul3A_998 = vector.broadcast %mul3A_997 : f32 to vector<16xf32>
        %mul3A_999 = arith.mulf %mul3A_998, %mul3A_996 : vector<16xf32>
        %add3A_1000 = arith.constant 58.9307289 : f32
        %add3A_1001 = vector.broadcast %add3A_1000 : f32 to vector<16xf32>
        %add3A_1002 = arith.addf %mul3A_999, %add3A_1001 : vector<16xf32>
        %mul3A_1003 = arith.mulf %add3A_1002, %mul3A_996 : vector<16xf32>
        %add3A_1004 = arith.constant -85.3066635 : f32
        %add3A_1005 = vector.broadcast %add3A_1004 : f32 to vector<16xf32>
        %add3A_1006 = arith.addf %mul3A_1003, %add3A_1005 : vector<16xf32>
        %mul3A_1007 = arith.mulf %add3A_1006, %mul3A_996 : vector<16xf32>
        %add3A_1008 = arith.constant 64.9322586 : f32
        %add3A_1009 = vector.broadcast %add3A_1008 : f32 to vector<16xf32>
        %add3A_1010 = arith.addf %mul3A_1007, %add3A_1009 : vector<16xf32>
        %mul3A_1011 = arith.mulf %add3A_1010, %mul3A_996 : vector<16xf32>
        %add3A_1012 = arith.constant -19.7391109 : f32
        %add3A_1013 = vector.broadcast %add3A_1012 : f32 to vector<16xf32>
        %add3A_1014 = arith.addf %mul3A_1011, %add3A_1013 : vector<16xf32>
        %mul3A_1015 = arith.mulf %add3A_1014, %mul3A_996 : vector<16xf32>
        %add3A_1016 = arith.constant 1.000000e+00 : f32
        %add3A_1017 = vector.broadcast %add3A_1016 : f32 to vector<16xf32>
        %add3A_1018 = arith.addf %mul3A_1015, %add3A_1017 : vector<16xf32>
        %swap3A_1019 = arith.constant 1 : i32
        %swap3A_1020 = arith.index_cast %swap3A_1019 : i32 to index
        %swap3A_1021 = arith.index_cast %scan3A_756 : i32 to index
        %swap3A_1022 = arith.constant 352 : index
        %swap3A_1023 = tpu.vector_load %arg20[%swap3A_1020, %swap3A_1021, %swap3A_1022] {strides = array<i32>} : memref<2x96x512xf32, #tpu.memory_space<vmem>>, vector<16xf32>,
        tpu.vector_store %arg20[%swap3A_1020, %swap3A_1021, %swap3A_1022], %add3A_1018 {strides = array<i32>} : memref<2x96x512xf32, #tpu.memory_space<vmem>>, vector<16xf32>,
        %mul3A_1024 = arith.mulf %gather3A_764, %get3A_17 : vector<16xf32>
        %add3A_1025 = arith.addf %mul3A_1024, %get3A_33 : vector<16xf32>
        %add3A_1026 = arith.constant 0x4B400000 : f32
        %add3A_1027 = vector.broadcast %add3A_1026 : f32 to vector<16xf32>
        %add3A_1028 = arith.addf %add3A_1025, %add3A_1027 : vector<16xf32>
        %sub3A_1029 = arith.constant 0x4B400000 : f32
        %sub3A_1030 = vector.broadcast %sub3A_1029 : f32 to vector<16xf32>
        %sub3A_1031 = arith.subf %add3A_1028, %sub3A_1030 : vector<16xf32>
        %sub3A_1032 = arith.subf %add3A_1025, %sub3A_1031 : vector<16xf32>
        %mul3A_1033 = arith.mulf %sub3A_1032, %sub3A_1032 : vector<16xf32>
        %mul3A_1034 = arith.constant -21.2686958 : f32
        %mul3A_1035 = vector.broadcast %mul3A_1034 : f32 to vector<16xf32>
        %mul3A_1036 = arith.mulf %mul3A_1035, %mul3A_1033 : vector<16xf32>
        %add3A_1037 = arith.constant 58.9307289 : f32
        %add3A_1038 = vector.broadcast %add3A_1037 : f32 to vector<16xf32>
        %add3A_1039 = arith.addf %mul3A_1036, %add3A_1038 : vector<16xf32>
        %mul3A_1040 = arith.mulf %add3A_1039, %mul3A_1033 : vector<16xf32>
        %add3A_1041 = arith.constant -85.3066635 : f32
        %add3A_1042 = vector.broadcast %add3A_1041 : f32 to vector<16xf32>
        %add3A_1043 = arith.addf %mul3A_1040, %add3A_1042 : vector<16xf32>
        %mul3A_1044 = arith.mulf %add3A_1043, %mul3A_1033 : vector<16xf32>
        %add3A_1045 = arith.constant 64.9322586 : f32
        %add3A_1046 = vector.broadcast %add3A_1045 : f32 to vector<16xf32>
        %add3A_1047 = arith.addf %mul3A_1044, %add3A_1046 : vector<16xf32>
        %mul3A_1048 = arith.mulf %add3A_1047, %mul3A_1033 : vector<16xf32>
        %add3A_1049 = arith.constant -19.7391109 : f32
        %add3A_1050 = vector.broadcast %add3A_1049 : f32 to vector<16xf32>
        %add3A_1051 = arith.addf %mul3A_1048, %add3A_1050 : vector<16xf32>
        %mul3A_1052 = arith.mulf %add3A_1051, %mul3A_1033 : vector<16xf32>
        %add3A_1053 = arith.constant 1.000000e+00 : f32
        %add3A_1054 = vector.broadcast %add3A_1053 : f32 to vector<16xf32>
        %add3A_1055 = arith.addf %mul3A_1052, %add3A_1054 : vector<16xf32>
        %swap3A_1056 = arith.constant 1 : i32
        %swap3A_1057 = arith.index_cast %swap3A_1056 : i32 to index
        %swap3A_1058 = arith.index_cast %scan3A_756 : i32 to index
        %swap3A_1059 = arith.constant 368 : index
        %swap3A_1060 = tpu.vector_load %arg20[%swap3A_1057, %swap3A_1058, %swap3A_1059] {strides = array<i32>} : memref<2x96x512xf32, #tpu.memory_space<vmem>>, vector<16xf32>,
        tpu.vector_store %arg20[%swap3A_1057, %swap3A_1058, %swap3A_1059], %add3A_1055 {strides = array<i32>} : memref<2x96x512xf32, #tpu.memory_space<vmem>>, vector<16xf32>,
      }
      %scan3A_706 = arith.constant 96 : i32
      %dma_wait3A_707 = arith.constant 1 : i32
      %dma_wait3A_708 = arith.constant 1 : i32
      %dma_wait3A_709 = arith.constant 0 : i32
      %dma_wait3A_710 = arith.constant 0 : i32
      %dma_wait3A_711 = tpu.memref_slice %arg20[%dma_wait3A_708, %dma_wait3A_709, %dma_wait3A_710] : memref<2x96x512xf32, #tpu.memory_space<vmem>> -> memref<1x96x128xf32, #tpu.memory_space<vmem>>
      %dma_wait3A_712 = tpu.memref_squeeze %dma_wait3A_711 : memref<1x96x128xf32, #tpu.memory_space<vmem>> -> memref<96x128xf32, #tpu.memory_space<vmem>>
      %dma_wait3A_713 = arith.constant 0 : i32
      %dma_wait3A_714 = tpu.memref_slice %arg15[%dma_wait3A_707, %dma_wait3A_713] : memref<2x96xi32, #tpu.memory_space<vmem>> -> memref<1x96xi32, #tpu.memory_space<vmem>>
      %dma_wait3A_715 = tpu.memref_squeeze %dma_wait3A_714 : memref<1x96xi32, #tpu.memory_space<vmem>> -> memref<96xi32, #tpu.memory_space<vmem>>
      %dma_wait3A_716 = arith.constant 0 : i32
      %dma_wait3A_717 = arith.constant 0 : i32
      %dma_wait3A_718 = tpu.memref_slice %arg2[%dma_wait3A_716, %dma_wait3A_717] : memref<10000x128xf32, #tpu.memory_space<hbm>> -> memref<10000x128xf32, #tpu.memory_space<hbm>>
      tpu.wait_indirect_dma semaphore(%arg21 : memref<!tpu.dma_semaphore, #tpu.memory_space<semaphore_mem>>) src(%dma_wait3A_718 : memref<10000x128xf32, #tpu.memory_space<hbm>>) dst(%dma_wait3A_712 : memref<96x128xf32, #tpu.memory_space<vmem>>)
      %dma_wait3A_719 = arith.constant 1 : i32
      %dma_wait3A_720 = arith.constant 1 : i32
      %dma_wait3A_721 = arith.constant 0 : i32
      %dma_wait3A_722 = arith.constant 128 : i32
      %dma_wait3A_723 = tpu.memref_slice %arg20[%dma_wait3A_720, %dma_wait3A_721, %dma_wait3A_722] : memref<2x96x512xf32, #tpu.memory_space<vmem>> -> memref<1x96x128xf32, #tpu.memory_space<vmem>>
      %dma_wait3A_724 = tpu.memref_squeeze %dma_wait3A_723 : memref<1x96x128xf32, #tpu.memory_space<vmem>> -> memref<96x128xf32, #tpu.memory_space<vmem>>
      %dma_wait3A_725 = arith.constant 0 : i32
      %dma_wait3A_726 = tpu.memref_slice %arg16[%dma_wait3A_719, %dma_wait3A_725] : memref<2x96xi32, #tpu.memory_space<vmem>> -> memref<1x96xi32, #tpu.memory_space<vmem>>
      %dma_wait3A_727 = tpu.memref_squeeze %dma_wait3A_726 : memref<1x96xi32, #tpu.memory_space<vmem>> -> memref<96xi32, #tpu.memory_space<vmem>>
      %dma_wait3A_728 = arith.constant 0 : i32
      %dma_wait3A_729 = arith.constant 0 : i32
      %dma_wait3A_730 = tpu.memref_slice %arg2[%dma_wait3A_728, %dma_wait3A_729] : memref<10000x128xf32, #tpu.memory_space<hbm>> -> memref<10000x128xf32, #tpu.memory_space<hbm>>
      tpu.wait_indirect_dma semaphore(%arg21 : memref<!tpu.dma_semaphore, #tpu.memory_space<semaphore_mem>>) src(%dma_wait3A_730 : memref<10000x128xf32, #tpu.memory_space<hbm>>) dst(%dma_wait3A_724 : memref<96x128xf32, #tpu.memory_space<vmem>>)
      %dma_wait3A_731 = arith.constant 1 : i32
      %dma_wait3A_732 = arith.constant 1 : i32
      %dma_wait3A_733 = arith.constant 0 : i32
      %dma_wait3A_734 = arith.constant 384 : i32
      %dma_wait3A_735 = tpu.memref_slice %arg20[%dma_wait3A_732, %dma_wait3A_733, %dma_wait3A_734] : memref<2x96x512xf32, #tpu.memory_space<vmem>> -> memref<1x96x128xf32, #tpu.memory_space<vmem>>
      %dma_wait3A_736 = tpu.memref_squeeze %dma_wait3A_735 : memref<1x96x128xf32, #tpu.memory_space<vmem>> -> memref<96x128xf32, #tpu.memory_space<vmem>>
      %dma_wait3A_737 = arith.constant 0 : i32
      %dma_wait3A_738 = tpu.memref_slice %arg17[%dma_wait3A_731, %dma_wait3A_737] : memref<2x96xi32, #tpu.memory_space<vmem>> -> memref<1x96xi32, #tpu.memory_space<vmem>>
      %dma_wait3A_739 = tpu.memref_squeeze %dma_wait3A_738 : memref<1x96xi32, #tpu.memory_space<vmem>> -> memref<96xi32, #tpu.memory_space<vmem>>
      %dma_wait3A_740 = arith.constant 0 : i32
      %dma_wait3A_741 = arith.constant 0 : i32
      %dma_wait3A_742 = tpu.memref_slice %arg7[%dma_wait3A_740, %dma_wait3A_741] : memref<320000x128xf32, #tpu.memory_space<hbm>> -> memref<320000x128xf32, #tpu.memory_space<hbm>>
      tpu.wait_indirect_dma semaphore(%arg21 : memref<!tpu.dma_semaphore, #tpu.memory_space<semaphore_mem>>) src(%dma_wait3A_742 : memref<320000x128xf32, #tpu.memory_space<hbm>>) dst(%dma_wait3A_736 : memref<96x128xf32, #tpu.memory_space<vmem>>)
      %dma_start3A_743 = arith.constant 1 : i32
      %dma_start3A_744 = arith.constant 0 : i32
      %dma_start3A_745 = arith.constant 0 : i32
      %dma_start3A_746 = tpu.memref_slice %arg20[%dma_start3A_743, %dma_start3A_744, %dma_start3A_745] : memref<2x96x512xf32, #tpu.memory_space<vmem>> -> memref<1x96x512xf32, #tpu.memory_space<vmem>>
      %dma_start3A_747 = tpu.memref_squeeze %dma_start3A_746 : memref<1x96x512xf32, #tpu.memory_space<vmem>> -> memref<96x512xf32, #tpu.memory_space<vmem>>
      %dma_start3A_748 = arith.constant 0 : i32
      %dma_start3A_749 = tpu.memref_slice %arg11[%add3A_522, %dma_start3A_748] : memref<320000x512xf32, #tpu.memory_space<hbm>> -> memref<96x512xf32, #tpu.memory_space<hbm>>
      %dma_start3A_750 = arith.constant 0 : i32
      %dma_start3A_751 = tpu.memref_slice %arg11[%add3A_522, %dma_start3A_750] : memref<320000x512xf32, #tpu.memory_space<hbm>> -> memref<96x512xf32, #tpu.memory_space<hbm>>
      %dma_start3A_752 = arith.constant 0 : i32
      %dma_start3A_753 = arith.constant 0 : i32
      %dma_start3A_754 = tpu.memref_slice %arg20[%dma_start3A_743, %dma_start3A_752, %dma_start3A_753] : memref<2x96x512xf32, #tpu.memory_space<vmem>> -> memref<1x96x512xf32, #tpu.memory_space<vmem>>
      %dma_start3A_755 = tpu.memref_squeeze %dma_start3A_754 : memref<1x96x512xf32, #tpu.memory_space<vmem>> -> memref<96x512xf32, #tpu.memory_space<vmem>>
      tpu.enqueue_dma source(%dma_start3A_755 : memref<96x512xf32, #tpu.memory_space<vmem>>) target(%dma_start3A_751 : memref<96x512xf32, #tpu.memory_space<hbm>>) target_semaphore(%arg25 : memref<!tpu.dma_semaphore, #tpu.memory_space<semaphore_mem>>)
    }
    %scan3A_75 = arith.constant 52 : i32
    %dma_wait3A = arith.constant 0 : i32
    %dma_wait3A_76 = arith.constant 0 : i32
    %dma_wait3A_77 = arith.constant 0 : i32
    %dma_wait3A_78 = tpu.memref_slice %arg20[%dma_wait3A, %dma_wait3A_76, %dma_wait3A_77] : memref<2x96x512xf32, #tpu.memory_space<vmem>> -> memref<1x96x512xf32, #tpu.memory_space<vmem>>
    %dma_wait3A_79 = tpu.memref_squeeze %dma_wait3A_78 : memref<1x96x512xf32, #tpu.memory_space<vmem>> -> memref<96x512xf32, #tpu.memory_space<vmem>>
    %dma_wait3A_80 = arith.constant 0 : i32
    %dma_wait3A_81 = arith.constant 0 : i32
    %dma_wait3A_82 = tpu.memref_slice %arg11[%dma_wait3A_80, %dma_wait3A_81] : memref<320000x512xf32, #tpu.memory_space<hbm>> -> memref<96x512xf32, #tpu.memory_space<hbm>>
    %dma_wait3A_83 = arith.constant 0 : i32
    %dma_wait3A_84 = arith.constant 0 : i32
    %dma_wait3A_85 = tpu.memref_slice %arg11[%dma_wait3A_83, %dma_wait3A_84] : memref<320000x512xf32, #tpu.memory_space<hbm>> -> memref<96x512xf32, #tpu.memory_space<hbm>>
    %dma_wait3A_86 = arith.constant 0 : i32
    %dma_wait3A_87 = arith.constant 0 : i32
    %dma_wait3A_88 = tpu.memref_slice %arg20[%dma_wait3A, %dma_wait3A_86, %dma_wait3A_87] : memref<2x96x512xf32, #tpu.memory_space<vmem>> -> memref<1x96x512xf32, #tpu.memory_space<vmem>>
    %dma_wait3A_89 = tpu.memref_squeeze %dma_wait3A_88 : memref<1x96x512xf32, #tpu.memory_space<vmem>> -> memref<96x512xf32, #tpu.memory_space<vmem>>
    tpu.wait_dma2 semaphore(%arg24 : memref<!tpu.dma_semaphore, #tpu.memory_space<semaphore_mem>>) src(%dma_wait3A_89 : memref<96x512xf32, #tpu.memory_space<vmem>>) dst(%dma_wait3A_85 : memref<96x512xf32, #tpu.memory_space<hbm>>)
    %mul3A_90 = arith.constant 104 : i32
    %mul3A_91 = arith.constant 96 : i32
    %mul3A_92 = arith.muli %mul3A_90, %mul3A_91 : i32
    %add3A_93 = arith.addi %mul3A_2, %mul3A_92 : i32
    %dma_wait3A_94 = arith.constant 0 : i32
    %dma_wait3A_95 = arith.constant 0 : i32
    %dma_wait3A_96 = tpu.memref_slice %arg15[%dma_wait3A_94, %dma_wait3A_95] : memref<2x96xi32, #tpu.memory_space<vmem>> -> memref<1x16xi32, #tpu.memory_space<vmem>>
    %dma_wait3A_97 = tpu.memref_squeeze %dma_wait3A_96 : memref<1x16xi32, #tpu.memory_space<vmem>> -> memref<16xi32, #tpu.memory_space<vmem>>
    %dma_wait3A_98 = arith.constant 0 : i32
    %dma_wait3A_99 = tpu.memref_slice %arg4[%dma_wait3A_98] : memref<320000xi32, #tpu.memory_space<hbm>> -> memref<16xi32, #tpu.memory_space<hbm>>
    %dma_wait3A_100 = arith.constant 0 : i32
    %dma_wait3A_101 = tpu.memref_slice %arg15[%dma_wait3A_94, %dma_wait3A_100] : memref<2x96xi32, #tpu.memory_space<vmem>> -> memref<1x16xi32, #tpu.memory_space<vmem>>
    %dma_wait3A_102 = tpu.memref_squeeze %dma_wait3A_101 : memref<1x16xi32, #tpu.memory_space<vmem>> -> memref<16xi32, #tpu.memory_space<vmem>>
    %dma_wait3A_103 = arith.constant 0 : i32
    %dma_wait3A_104 = tpu.memref_slice %arg4[%dma_wait3A_103] : memref<320000xi32, #tpu.memory_space<hbm>> -> memref<16xi32, #tpu.memory_space<hbm>>
    tpu.wait_dma2 semaphore(%arg22 : memref<!tpu.dma_semaphore, #tpu.memory_space<semaphore_mem>>) src(%dma_wait3A_104 : memref<16xi32, #tpu.memory_space<hbm>>) dst(%dma_wait3A_102 : memref<16xi32, #tpu.memory_space<vmem>>)
    %dma_wait3A_105 = arith.constant 0 : i32
    %dma_wait3A_106 = arith.constant 0 : i32
    %dma_wait3A_107 = tpu.memref_slice %arg16[%dma_wait3A_105, %dma_wait3A_106] : memref<2x96xi32, #tpu.memory_space<vmem>> -> memref<1x16xi32, #tpu.memory_space<vmem>>
    %dma_wait3A_108 = tpu.memref_squeeze %dma_wait3A_107 : memref<1x16xi32, #tpu.memory_space<vmem>> -> memref<16xi32, #tpu.memory_space<vmem>>
    %dma_wait3A_109 = arith.constant 0 : i32
    %dma_wait3A_110 = tpu.memref_slice %arg4[%dma_wait3A_109] : memref<320000xi32, #tpu.memory_space<hbm>> -> memref<16xi32, #tpu.memory_space<hbm>>
    %dma_wait3A_111 = arith.constant 0 : i32
    %dma_wait3A_112 = tpu.memref_slice %arg16[%dma_wait3A_105, %dma_wait3A_111] : memref<2x96xi32, #tpu.memory_space<vmem>> -> memref<1x16xi32, #tpu.memory_space<vmem>>
    %dma_wait3A_113 = tpu.memref_squeeze %dma_wait3A_112 : memref<1x16xi32, #tpu.memory_space<vmem>> -> memref<16xi32, #tpu.memory_space<vmem>>
    %dma_wait3A_114 = arith.constant 0 : i32
    %dma_wait3A_115 = tpu.memref_slice %arg4[%dma_wait3A_114] : memref<320000xi32, #tpu.memory_space<hbm>> -> memref<16xi32, #tpu.memory_space<hbm>>
    tpu.wait_dma2 semaphore(%arg22 : memref<!tpu.dma_semaphore, #tpu.memory_space<semaphore_mem>>) src(%dma_wait3A_115 : memref<16xi32, #tpu.memory_space<hbm>>) dst(%dma_wait3A_113 : memref<16xi32, #tpu.memory_space<vmem>>)
    %dma_wait3A_116 = arith.constant 0 : i32
    %dma_wait3A_117 = arith.constant 0 : i32
    %dma_wait3A_118 = tpu.memref_slice %arg17[%dma_wait3A_116, %dma_wait3A_117] : memref<2x96xi32, #tpu.memory_space<vmem>> -> memref<1x16xi32, #tpu.memory_space<vmem>>
    %dma_wait3A_119 = tpu.memref_squeeze %dma_wait3A_118 : memref<1x16xi32, #tpu.memory_space<vmem>> -> memref<16xi32, #tpu.memory_space<vmem>>
    %dma_wait3A_120 = arith.constant 0 : i32
    %dma_wait3A_121 = tpu.memref_slice %arg4[%dma_wait3A_120] : memref<320000xi32, #tpu.memory_space<hbm>> -> memref<16xi32, #tpu.memory_space<hbm>>
    %dma_wait3A_122 = arith.constant 0 : i32
    %dma_wait3A_123 = tpu.memref_slice %arg17[%dma_wait3A_116, %dma_wait3A_122] : memref<2x96xi32, #tpu.memory_space<vmem>> -> memref<1x16xi32, #tpu.memory_space<vmem>>
    %dma_wait3A_124 = tpu.memref_squeeze %dma_wait3A_123 : memref<1x16xi32, #tpu.memory_space<vmem>> -> memref<16xi32, #tpu.memory_space<vmem>>
    %dma_wait3A_125 = arith.constant 0 : i32
    %dma_wait3A_126 = tpu.memref_slice %arg4[%dma_wait3A_125] : memref<320000xi32, #tpu.memory_space<hbm>> -> memref<16xi32, #tpu.memory_space<hbm>>
    tpu.wait_dma2 semaphore(%arg22 : memref<!tpu.dma_semaphore, #tpu.memory_space<semaphore_mem>>) src(%dma_wait3A_126 : memref<16xi32, #tpu.memory_space<hbm>>) dst(%dma_wait3A_124 : memref<16xi32, #tpu.memory_space<vmem>>)
    %dma_wait3A_127 = arith.constant 0 : i32
    %dma_wait3A_128 = arith.constant 0 : i32
    %dma_wait3A_129 = tpu.memref_slice %arg18[%dma_wait3A_127, %dma_wait3A_128] : memref<2x96xf32, #tpu.memory_space<vmem>> -> memref<1x16xf32, #tpu.memory_space<vmem>>
    %dma_wait3A_130 = tpu.memref_squeeze %dma_wait3A_129 : memref<1x16xf32, #tpu.memory_space<vmem>> -> memref<16xf32, #tpu.memory_space<vmem>>
    %dma_wait3A_131 = arith.constant 0 : i32
    %dma_wait3A_132 = tpu.memref_slice %arg6[%dma_wait3A_131] : memref<320000xf32, #tpu.memory_space<hbm>> -> memref<16xf32, #tpu.memory_space<hbm>>
    %dma_wait3A_133 = arith.constant 0 : i32
    %dma_wait3A_134 = tpu.memref_slice %arg18[%dma_wait3A_127, %dma_wait3A_133] : memref<2x96xf32, #tpu.memory_space<vmem>> -> memref<1x16xf32, #tpu.memory_space<vmem>>
    %dma_wait3A_135 = tpu.memref_squeeze %dma_wait3A_134 : memref<1x16xf32, #tpu.memory_space<vmem>> -> memref<16xf32, #tpu.memory_space<vmem>>
    %dma_wait3A_136 = arith.constant 0 : i32
    %dma_wait3A_137 = tpu.memref_slice %arg6[%dma_wait3A_136] : memref<320000xf32, #tpu.memory_space<hbm>> -> memref<16xf32, #tpu.memory_space<hbm>>
    tpu.wait_dma2 semaphore(%arg22 : memref<!tpu.dma_semaphore, #tpu.memory_space<semaphore_mem>>) src(%dma_wait3A_137 : memref<16xf32, #tpu.memory_space<hbm>>) dst(%dma_wait3A_135 : memref<16xf32, #tpu.memory_space<vmem>>)
    %dma_start3A_138 = arith.constant 0 : i32
    %dma_start3A_139 = arith.constant 0 : i32
    %dma_start3A_140 = arith.constant 0 : i32
    %dma_start3A_141 = arith.constant 0 : i32
    %dma_start3A_142 = tpu.memref_slice %arg20[%dma_start3A_139, %dma_start3A_140, %dma_start3A_141] : memref<2x96x512xf32, #tpu.memory_space<vmem>> -> memref<1x16x128xf32, #tpu.memory_space<vmem>>
    %dma_start3A_143 = tpu.memref_squeeze %dma_start3A_142 : memref<1x16x128xf32, #tpu.memory_space<vmem>> -> memref<16x128xf32, #tpu.memory_space<vmem>>
    %dma_start3A_144 = arith.constant 0 : i32
    %dma_start3A_145 = tpu.memref_slice %arg15[%dma_start3A_138, %dma_start3A_144] : memref<2x96xi32, #tpu.memory_space<vmem>> -> memref<1x16xi32, #tpu.memory_space<vmem>>
    %dma_start3A_146 = tpu.memref_squeeze %dma_start3A_145 : memref<1x16xi32, #tpu.memory_space<vmem>> -> memref<16xi32, #tpu.memory_space<vmem>>
    %dma_start3A_147 = arith.constant 0 : i32
    %dma_start3A_148 = arith.constant 0 : i32
    %dma_start3A_149 = tpu.memref_slice %arg2[%dma_start3A_147, %dma_start3A_148] : memref<10000x128xf32, #tpu.memory_space<hbm>> -> memref<10000x128xf32, #tpu.memory_space<hbm>>
    tpu.enqueue_indirect_dma source(%dma_start3A_149 : memref<10000x128xf32, #tpu.memory_space<hbm>>) target(%dma_start3A_143 : memref<16x128xf32, #tpu.memory_space<vmem>>) offsets(%dma_start3A_146 : memref<16xi32, #tpu.memory_space<vmem>>) semaphore(%arg21 : memref<!tpu.dma_semaphore, #tpu.memory_space<semaphore_mem>>)
    %dma_start3A_150 = arith.constant 0 : i32
    %dma_start3A_151 = arith.constant 0 : i32
    %dma_start3A_152 = arith.constant 0 : i32
    %dma_start3A_153 = arith.constant 128 : i32
    %dma_start3A_154 = tpu.memref_slice %arg20[%dma_start3A_151, %dma_start3A_152, %dma_start3A_153] : memref<2x96x512xf32, #tpu.memory_space<vmem>> -> memref<1x16x128xf32, #tpu.memory_space<vmem>>
    %dma_start3A_155 = tpu.memref_squeeze %dma_start3A_154 : memref<1x16x128xf32, #tpu.memory_space<vmem>> -> memref<16x128xf32, #tpu.memory_space<vmem>>
    %dma_start3A_156 = arith.constant 0 : i32
    %dma_start3A_157 = tpu.memref_slice %arg16[%dma_start3A_150, %dma_start3A_156] : memref<2x96xi32, #tpu.memory_space<vmem>> -> memref<1x16xi32, #tpu.memory_space<vmem>>
    %dma_start3A_158 = tpu.memref_squeeze %dma_start3A_157 : memref<1x16xi32, #tpu.memory_space<vmem>> -> memref<16xi32, #tpu.memory_space<vmem>>
    %dma_start3A_159 = arith.constant 0 : i32
    %dma_start3A_160 = arith.constant 0 : i32
    %dma_start3A_161 = tpu.memref_slice %arg2[%dma_start3A_159, %dma_start3A_160] : memref<10000x128xf32, #tpu.memory_space<hbm>> -> memref<10000x128xf32, #tpu.memory_space<hbm>>
    tpu.enqueue_indirect_dma source(%dma_start3A_161 : memref<10000x128xf32, #tpu.memory_space<hbm>>) target(%dma_start3A_155 : memref<16x128xf32, #tpu.memory_space<vmem>>) offsets(%dma_start3A_158 : memref<16xi32, #tpu.memory_space<vmem>>) semaphore(%arg21 : memref<!tpu.dma_semaphore, #tpu.memory_space<semaphore_mem>>)
    %dma_start3A_162 = arith.constant 0 : i32
    %dma_start3A_163 = arith.constant 0 : i32
    %dma_start3A_164 = arith.constant 0 : i32
    %dma_start3A_165 = arith.constant 384 : i32
    %dma_start3A_166 = tpu.memref_slice %arg20[%dma_start3A_163, %dma_start3A_164, %dma_start3A_165] : memref<2x96x512xf32, #tpu.memory_space<vmem>> -> memref<1x16x128xf32, #tpu.memory_space<vmem>>
    %dma_start3A_167 = tpu.memref_squeeze %dma_start3A_166 : memref<1x16x128xf32, #tpu.memory_space<vmem>> -> memref<16x128xf32, #tpu.memory_space<vmem>>
    %dma_start3A_168 = arith.constant 0 : i32
    %dma_start3A_169 = tpu.memref_slice %arg17[%dma_start3A_162, %dma_start3A_168] : memref<2x96xi32, #tpu.memory_space<vmem>> -> memref<1x16xi32, #tpu.memory_space<vmem>>
    %dma_start3A_170 = tpu.memref_squeeze %dma_start3A_169 : memref<1x16xi32, #tpu.memory_space<vmem>> -> memref<16xi32, #tpu.memory_space<vmem>>
    %dma_start3A_171 = arith.constant 0 : i32
    %dma_start3A_172 = arith.constant 0 : i32
    %dma_start3A_173 = tpu.memref_slice %arg7[%dma_start3A_171, %dma_start3A_172] : memref<320000x128xf32, #tpu.memory_space<hbm>> -> memref<320000x128xf32, #tpu.memory_space<hbm>>
    tpu.enqueue_indirect_dma source(%dma_start3A_173 : memref<320000x128xf32, #tpu.memory_space<hbm>>) target(%dma_start3A_167 : memref<16x128xf32, #tpu.memory_space<vmem>>) offsets(%dma_start3A_170 : memref<16xi32, #tpu.memory_space<vmem>>) semaphore(%arg21 : memref<!tpu.dma_semaphore, #tpu.memory_space<semaphore_mem>>)
    %get3A_174 = arith.constant 0 : i32
    %get3A_175 = arith.index_cast %get3A_174 : i32 to index
    %get3A_176 = arith.constant 0 : index
    %get3A_177 = tpu.vector_load %arg15[%get3A_175, %get3A_176] {strides = array<i32>} : memref<2x96xi32, #tpu.memory_space<vmem>>, vector<16xi32>,
    %gather3A = tpu.vector_load_idx %arg12[%get3A_177] : memref<10000xf32, #tpu.memory_space<vmem>>[vector<16xi32>], vector<16xf32>,
    %get3A_178 = arith.constant 0 : i32
    %get3A_179 = arith.index_cast %get3A_178 : i32 to index
    %get3A_180 = arith.constant 0 : index
    %get3A_181 = tpu.vector_load %arg18[%get3A_179, %get3A_180] {strides = array<i32>} : memref<2x96xf32, #tpu.memory_space<vmem>>, vector<16xf32>,
    %sub3A = arith.subf %get3A_181, %gather3A : vector<16xf32>
    %swap3A = arith.constant 0 : i32
    %swap3A_182 = arith.index_cast %swap3A : i32 to index
    %swap3A_183 = arith.constant 0 : index
    %swap3A_184 = tpu.vector_load %arg19[%swap3A_182, %swap3A_183] {strides = array<i32>} : memref<2x96xf32, #tpu.memory_space<vmem>>, vector<16xf32>,
    tpu.vector_store %arg19[%swap3A_182, %swap3A_183], %sub3A {strides = array<i32>} : memref<2x96xf32, #tpu.memory_space<vmem>>, vector<16xf32>,
    %scan3A_185 = arith.constant 0 : i32
    %scan3A_186 = arith.constant 0 : i32
    %scan3A_187 = arith.constant 16 : i32
    %scan3A_188 = arith.addi %scan3A_186, %scan3A_187 : i32
    %scan3A_189 = arith.constant 1 : i32
    scf.for %scan3A_270 = %scan3A_186 to %scan3A_188 step %scan3A_189  : i32 {
      %broadcast_in_dim3A = arith.constant 0 : i32
      %broadcast_in_dim3A_271 = vector.broadcast %broadcast_in_dim3A : i32 to vector<16xi32>
      %add3A_272 = vector.broadcast %scan3A_270 : i32 to vector<16xi32>
      %add3A_273 = arith.addi %broadcast_in_dim3A_271, %add3A_272 : vector<16xi32>
      %gather3A_274 = arith.constant 0 : i32
      %gather3A_275 = arith.constant 0 : i32
      %gather3A_276 = tpu.memref_slice %arg19[%gather3A_274, %gather3A_275] : memref<2x96xf32, #tpu.memory_space<vmem>> -> memref<1x96xf32, #tpu.memory_space<vmem>>
      %gather3A_277 = tpu.memref_squeeze %gather3A_276 : memref<1x96xf32, #tpu.memory_space<vmem>> -> memref<96xf32, #tpu.memory_space<vmem>>
      %gather3A_278 = tpu.vector_load_idx %gather3A_277[%add3A_273] : memref<96xf32, #tpu.memory_space<vmem>>[vector<16xi32>], vector<16xf32>,
      %mul3A_279 = arith.mulf %gather3A_278, %get3A_3 : vector<16xf32>
      %add3A_280 = arith.addf %mul3A_279, %get3A_19 : vector<16xf32>
      %add3A_281 = arith.constant 0x4B400000 : f32
      %add3A_282 = vector.broadcast %add3A_281 : f32 to vector<16xf32>
      %add3A_283 = arith.addf %add3A_280, %add3A_282 : vector<16xf32>
      %sub3A_284 = arith.constant 0x4B400000 : f32
      %sub3A_285 = vector.broadcast %sub3A_284 : f32 to vector<16xf32>
      %sub3A_286 = arith.subf %add3A_283, %sub3A_285 : vector<16xf32>
      %sub3A_287 = arith.subf %add3A_280, %sub3A_286 : vector<16xf32>
      %mul3A_288 = arith.mulf %sub3A_287, %sub3A_287 : vector<16xf32>
      %mul3A_289 = arith.constant -21.2686958 : f32
      %mul3A_290 = vector.broadcast %mul3A_289 : f32 to vector<16xf32>
      %mul3A_291 = arith.mulf %mul3A_290, %mul3A_288 : vector<16xf32>
      %add3A_292 = arith.constant 58.9307289 : f32
      %add3A_293 = vector.broadcast %add3A_292 : f32 to vector<16xf32>
      %add3A_294 = arith.addf %mul3A_291, %add3A_293 : vector<16xf32>
      %mul3A_295 = arith.mulf %add3A_294, %mul3A_288 : vector<16xf32>
      %add3A_296 = arith.constant -85.3066635 : f32
      %add3A_297 = vector.broadcast %add3A_296 : f32 to vector<16xf32>
      %add3A_298 = arith.addf %mul3A_295, %add3A_297 : vector<16xf32>
      %mul3A_299 = arith.mulf %add3A_298, %mul3A_288 : vector<16xf32>
      %add3A_300 = arith.constant 64.9322586 : f32
      %add3A_301 = vector.broadcast %add3A_300 : f32 to vector<16xf32>
      %add3A_302 = arith.addf %mul3A_299, %add3A_301 : vector<16xf32>
      %mul3A_303 = arith.mulf %add3A_302, %mul3A_288 : vector<16xf32>
      %add3A_304 = arith.constant -19.7391109 : f32
      %add3A_305 = vector.broadcast %add3A_304 : f32 to vector<16xf32>
      %add3A_306 = arith.addf %mul3A_303, %add3A_305 : vector<16xf32>
      %mul3A_307 = arith.mulf %add3A_306, %mul3A_288 : vector<16xf32>
      %add3A_308 = arith.constant 1.000000e+00 : f32
      %add3A_309 = vector.broadcast %add3A_308 : f32 to vector<16xf32>
      %add3A_310 = arith.addf %mul3A_307, %add3A_309 : vector<16xf32>
      %swap3A_311 = arith.constant 0 : i32
      %swap3A_312 = arith.index_cast %swap3A_311 : i32 to index
      %swap3A_313 = arith.index_cast %scan3A_270 : i32 to index
      %swap3A_314 = arith.constant 256 : index
      %swap3A_315 = tpu.vector_load %arg20[%swap3A_312, %swap3A_313, %swap3A_314] {strides = array<i32>} : memref<2x96x512xf32, #tpu.memory_space<vmem>>, vector<16xf32>,
      tpu.vector_store %arg20[%swap3A_312, %swap3A_313, %swap3A_314], %add3A_310 {strides = array<i32>} : memref<2x96x512xf32, #tpu.memory_space<vmem>>, vector<16xf32>,
      %mul3A_316 = arith.mulf %gather3A_278, %get3A_5 : vector<16xf32>
      %add3A_317 = arith.addf %mul3A_316, %get3A_21 : vector<16xf32>
      %add3A_318 = arith.constant 0x4B400000 : f32
      %add3A_319 = vector.broadcast %add3A_318 : f32 to vector<16xf32>
      %add3A_320 = arith.addf %add3A_317, %add3A_319 : vector<16xf32>
      %sub3A_321 = arith.constant 0x4B400000 : f32
      %sub3A_322 = vector.broadcast %sub3A_321 : f32 to vector<16xf32>
      %sub3A_323 = arith.subf %add3A_320, %sub3A_322 : vector<16xf32>
      %sub3A_324 = arith.subf %add3A_317, %sub3A_323 : vector<16xf32>
      %mul3A_325 = arith.mulf %sub3A_324, %sub3A_324 : vector<16xf32>
      %mul3A_326 = arith.constant -21.2686958 : f32
      %mul3A_327 = vector.broadcast %mul3A_326 : f32 to vector<16xf32>
      %mul3A_328 = arith.mulf %mul3A_327, %mul3A_325 : vector<16xf32>
      %add3A_329 = arith.constant 58.9307289 : f32
      %add3A_330 = vector.broadcast %add3A_329 : f32 to vector<16xf32>
      %add3A_331 = arith.addf %mul3A_328, %add3A_330 : vector<16xf32>
      %mul3A_332 = arith.mulf %add3A_331, %mul3A_325 : vector<16xf32>
      %add3A_333 = arith.constant -85.3066635 : f32
      %add3A_334 = vector.broadcast %add3A_333 : f32 to vector<16xf32>
      %add3A_335 = arith.addf %mul3A_332, %add3A_334 : vector<16xf32>
      %mul3A_336 = arith.mulf %add3A_335, %mul3A_325 : vector<16xf32>
      %add3A_337 = arith.constant 64.9322586 : f32
      %add3A_338 = vector.broadcast %add3A_337 : f32 to vector<16xf32>
      %add3A_339 = arith.addf %mul3A_336, %add3A_338 : vector<16xf32>
      %mul3A_340 = arith.mulf %add3A_339, %mul3A_325 : vector<16xf32>
      %add3A_341 = arith.constant -19.7391109 : f32
      %add3A_342 = vector.broadcast %add3A_341 : f32 to vector<16xf32>
      %add3A_343 = arith.addf %mul3A_340, %add3A_342 : vector<16xf32>
      %mul3A_344 = arith.mulf %add3A_343, %mul3A_325 : vector<16xf32>
      %add3A_345 = arith.constant 1.000000e+00 : f32
      %add3A_346 = vector.broadcast %add3A_345 : f32 to vector<16xf32>
      %add3A_347 = arith.addf %mul3A_344, %add3A_346 : vector<16xf32>
      %swap3A_348 = arith.constant 0 : i32
      %swap3A_349 = arith.index_cast %swap3A_348 : i32 to index
      %swap3A_350 = arith.index_cast %scan3A_270 : i32 to index
      %swap3A_351 = arith.constant 272 : index
      %swap3A_352 = tpu.vector_load %arg20[%swap3A_349, %swap3A_350, %swap3A_351] {strides = array<i32>} : memref<2x96x512xf32, #tpu.memory_space<vmem>>, vector<16xf32>,
      tpu.vector_store %arg20[%swap3A_349, %swap3A_350, %swap3A_351], %add3A_347 {strides = array<i32>} : memref<2x96x512xf32, #tpu.memory_space<vmem>>, vector<16xf32>,
      %mul3A_353 = arith.mulf %gather3A_278, %get3A_7 : vector<16xf32>
      %add3A_354 = arith.addf %mul3A_353, %get3A_23 : vector<16xf32>
      %add3A_355 = arith.constant 0x4B400000 : f32
      %add3A_356 = vector.broadcast %add3A_355 : f32 to vector<16xf32>
      %add3A_357 = arith.addf %add3A_354, %add3A_356 : vector<16xf32>
      %sub3A_358 = arith.constant 0x4B400000 : f32
      %sub3A_359 = vector.broadcast %sub3A_358 : f32 to vector<16xf32>
      %sub3A_360 = arith.subf %add3A_357, %sub3A_359 : vector<16xf32>
      %sub3A_361 = arith.subf %add3A_354, %sub3A_360 : vector<16xf32>
      %mul3A_362 = arith.mulf %sub3A_361, %sub3A_361 : vector<16xf32>
      %mul3A_363 = arith.constant -21.2686958 : f32
      %mul3A_364 = vector.broadcast %mul3A_363 : f32 to vector<16xf32>
      %mul3A_365 = arith.mulf %mul3A_364, %mul3A_362 : vector<16xf32>
      %add3A_366 = arith.constant 58.9307289 : f32
      %add3A_367 = vector.broadcast %add3A_366 : f32 to vector<16xf32>
      %add3A_368 = arith.addf %mul3A_365, %add3A_367 : vector<16xf32>
      %mul3A_369 = arith.mulf %add3A_368, %mul3A_362 : vector<16xf32>
      %add3A_370 = arith.constant -85.3066635 : f32
      %add3A_371 = vector.broadcast %add3A_370 : f32 to vector<16xf32>
      %add3A_372 = arith.addf %mul3A_369, %add3A_371 : vector<16xf32>
      %mul3A_373 = arith.mulf %add3A_372, %mul3A_362 : vector<16xf32>
      %add3A_374 = arith.constant 64.9322586 : f32
      %add3A_375 = vector.broadcast %add3A_374 : f32 to vector<16xf32>
      %add3A_376 = arith.addf %mul3A_373, %add3A_375 : vector<16xf32>
      %mul3A_377 = arith.mulf %add3A_376, %mul3A_362 : vector<16xf32>
      %add3A_378 = arith.constant -19.7391109 : f32
      %add3A_379 = vector.broadcast %add3A_378 : f32 to vector<16xf32>
      %add3A_380 = arith.addf %mul3A_377, %add3A_379 : vector<16xf32>
      %mul3A_381 = arith.mulf %add3A_380, %mul3A_362 : vector<16xf32>
      %add3A_382 = arith.constant 1.000000e+00 : f32
      %add3A_383 = vector.broadcast %add3A_382 : f32 to vector<16xf32>
      %add3A_384 = arith.addf %mul3A_381, %add3A_383 : vector<16xf32>
      %swap3A_385 = arith.constant 0 : i32
      %swap3A_386 = arith.index_cast %swap3A_385 : i32 to index
      %swap3A_387 = arith.index_cast %scan3A_270 : i32 to index
      %swap3A_388 = arith.constant 288 : index
      %swap3A_389 = tpu.vector_load %arg20[%swap3A_386, %swap3A_387, %swap3A_388] {strides = array<i32>} : memref<2x96x512xf32, #tpu.memory_space<vmem>>, vector<16xf32>,
      tpu.vector_store %arg20[%swap3A_386, %swap3A_387, %swap3A_388], %add3A_384 {strides = array<i32>} : memref<2x96x512xf32, #tpu.memory_space<vmem>>, vector<16xf32>,
      %mul3A_390 = arith.mulf %gather3A_278, %get3A_9 : vector<16xf32>
      %add3A_391 = arith.addf %mul3A_390, %get3A_25 : vector<16xf32>
      %add3A_392 = arith.constant 0x4B400000 : f32
      %add3A_393 = vector.broadcast %add3A_392 : f32 to vector<16xf32>
      %add3A_394 = arith.addf %add3A_391, %add3A_393 : vector<16xf32>
      %sub3A_395 = arith.constant 0x4B400000 : f32
      %sub3A_396 = vector.broadcast %sub3A_395 : f32 to vector<16xf32>
      %sub3A_397 = arith.subf %add3A_394, %sub3A_396 : vector<16xf32>
      %sub3A_398 = arith.subf %add3A_391, %sub3A_397 : vector<16xf32>
      %mul3A_399 = arith.mulf %sub3A_398, %sub3A_398 : vector<16xf32>
      %mul3A_400 = arith.constant -21.2686958 : f32
      %mul3A_401 = vector.broadcast %mul3A_400 : f32 to vector<16xf32>
      %mul3A_402 = arith.mulf %mul3A_401, %mul3A_399 : vector<16xf32>
      %add3A_403 = arith.constant 58.9307289 : f32
      %add3A_404 = vector.broadcast %add3A_403 : f32 to vector<16xf32>
      %add3A_405 = arith.addf %mul3A_402, %add3A_404 : vector<16xf32>
      %mul3A_406 = arith.mulf %add3A_405, %mul3A_399 : vector<16xf32>
      %add3A_407 = arith.constant -85.3066635 : f32
      %add3A_408 = vector.broadcast %add3A_407 : f32 to vector<16xf32>
      %add3A_409 = arith.addf %mul3A_406, %add3A_408 : vector<16xf32>
      %mul3A_410 = arith.mulf %add3A_409, %mul3A_399 : vector<16xf32>
      %add3A_411 = arith.constant 64.9322586 : f32
      %add3A_412 = vector.broadcast %add3A_411 : f32 to vector<16xf32>
      %add3A_413 = arith.addf %mul3A_410, %add3A_412 : vector<16xf32>
      %mul3A_414 = arith.mulf %add3A_413, %mul3A_399 : vector<16xf32>
      %add3A_415 = arith.constant -19.7391109 : f32
      %add3A_416 = vector.broadcast %add3A_415 : f32 to vector<16xf32>
      %add3A_417 = arith.addf %mul3A_414, %add3A_416 : vector<16xf32>
      %mul3A_418 = arith.mulf %add3A_417, %mul3A_399 : vector<16xf32>
      %add3A_419 = arith.constant 1.000000e+00 : f32
      %add3A_420 = vector.broadcast %add3A_419 : f32 to vector<16xf32>
      %add3A_421 = arith.addf %mul3A_418, %add3A_420 : vector<16xf32>
      %swap3A_422 = arith.constant 0 : i32
      %swap3A_423 = arith.index_cast %swap3A_422 : i32 to index
      %swap3A_424 = arith.index_cast %scan3A_270 : i32 to index
      %swap3A_425 = arith.constant 304 : index
      %swap3A_426 = tpu.vector_load %arg20[%swap3A_423, %swap3A_424, %swap3A_425] {strides = array<i32>} : memref<2x96x512xf32, #tpu.memory_space<vmem>>, vector<16xf32>,
      tpu.vector_store %arg20[%swap3A_423, %swap3A_424, %swap3A_425], %add3A_421 {strides = array<i32>} : memref<2x96x512xf32, #tpu.memory_space<vmem>>, vector<16xf32>,
      %mul3A_427 = arith.mulf %gather3A_278, %get3A_11 : vector<16xf32>
      %add3A_428 = arith.addf %mul3A_427, %get3A_27 : vector<16xf32>
      %add3A_429 = arith.constant 0x4B400000 : f32
      %add3A_430 = vector.broadcast %add3A_429 : f32 to vector<16xf32>
      %add3A_431 = arith.addf %add3A_428, %add3A_430 : vector<16xf32>
      %sub3A_432 = arith.constant 0x4B400000 : f32
      %sub3A_433 = vector.broadcast %sub3A_432 : f32 to vector<16xf32>
      %sub3A_434 = arith.subf %add3A_431, %sub3A_433 : vector<16xf32>
      %sub3A_435 = arith.subf %add3A_428, %sub3A_434 : vector<16xf32>
      %mul3A_436 = arith.mulf %sub3A_435, %sub3A_435 : vector<16xf32>
      %mul3A_437 = arith.constant -21.2686958 : f32
      %mul3A_438 = vector.broadcast %mul3A_437 : f32 to vector<16xf32>
      %mul3A_439 = arith.mulf %mul3A_438, %mul3A_436 : vector<16xf32>
      %add3A_440 = arith.constant 58.9307289 : f32
      %add3A_441 = vector.broadcast %add3A_440 : f32 to vector<16xf32>
      %add3A_442 = arith.addf %mul3A_439, %add3A_441 : vector<16xf32>
      %mul3A_443 = arith.mulf %add3A_442, %mul3A_436 : vector<16xf32>
      %add3A_444 = arith.constant -85.3066635 : f32
      %add3A_445 = vector.broadcast %add3A_444 : f32 to vector<16xf32>
      %add3A_446 = arith.addf %mul3A_443, %add3A_445 : vector<16xf32>
      %mul3A_447 = arith.mulf %add3A_446, %mul3A_436 : vector<16xf32>
      %add3A_448 = arith.constant 64.9322586 : f32
      %add3A_449 = vector.broadcast %add3A_448 : f32 to vector<16xf32>
      %add3A_450 = arith.addf %mul3A_447, %add3A_449 : vector<16xf32>
      %mul3A_451 = arith.mulf %add3A_450, %mul3A_436 : vector<16xf32>
      %add3A_452 = arith.constant -19.7391109 : f32
      %add3A_453 = vector.broadcast %add3A_452 : f32 to vector<16xf32>
      %add3A_454 = arith.addf %mul3A_451, %add3A_453 : vector<16xf32>
      %mul3A_455 = arith.mulf %add3A_454, %mul3A_436 : vector<16xf32>
      %add3A_456 = arith.constant 1.000000e+00 : f32
      %add3A_457 = vector.broadcast %add3A_456 : f32 to vector<16xf32>
      %add3A_458 = arith.addf %mul3A_455, %add3A_457 : vector<16xf32>
      %swap3A_459 = arith.constant 0 : i32
      %swap3A_460 = arith.index_cast %swap3A_459 : i32 to index
      %swap3A_461 = arith.index_cast %scan3A_270 : i32 to index
      %swap3A_462 = arith.constant 320 : index
      %swap3A_463 = tpu.vector_load %arg20[%swap3A_460, %swap3A_461, %swap3A_462] {strides = array<i32>} : memref<2x96x512xf32, #tpu.memory_space<vmem>>, vector<16xf32>,
      tpu.vector_store %arg20[%swap3A_460, %swap3A_461, %swap3A_462], %add3A_458 {strides = array<i32>} : memref<2x96x512xf32, #tpu.memory_space<vmem>>, vector<16xf32>,
      %mul3A_464 = arith.mulf %gather3A_278, %get3A_13 : vector<16xf32>
      %add3A_465 = arith.addf %mul3A_464, %get3A_29 : vector<16xf32>
      %add3A_466 = arith.constant 0x4B400000 : f32
      %add3A_467 = vector.broadcast %add3A_466 : f32 to vector<16xf32>
      %add3A_468 = arith.addf %add3A_465, %add3A_467 : vector<16xf32>
      %sub3A_469 = arith.constant 0x4B400000 : f32
      %sub3A_470 = vector.broadcast %sub3A_469 : f32 to vector<16xf32>
      %sub3A_471 = arith.subf %add3A_468, %sub3A_470 : vector<16xf32>
      %sub3A_472 = arith.subf %add3A_465, %sub3A_471 : vector<16xf32>
      %mul3A_473 = arith.mulf %sub3A_472, %sub3A_472 : vector<16xf32>
      %mul3A_474 = arith.constant -21.2686958 : f32
      %mul3A_475 = vector.broadcast %mul3A_474 : f32 to vector<16xf32>
      %mul3A_476 = arith.mulf %mul3A_475, %mul3A_473 : vector<16xf32>
      %add3A_477 = arith.constant 58.9307289 : f32
      %add3A_478 = vector.broadcast %add3A_477 : f32 to vector<16xf32>
      %add3A_479 = arith.addf %mul3A_476, %add3A_478 : vector<16xf32>
      %mul3A_480 = arith.mulf %add3A_479, %mul3A_473 : vector<16xf32>
      %add3A_481 = arith.constant -85.3066635 : f32
      %add3A_482 = vector.broadcast %add3A_481 : f32 to vector<16xf32>
      %add3A_483 = arith.addf %mul3A_480, %add3A_482 : vector<16xf32>
      %mul3A_484 = arith.mulf %add3A_483, %mul3A_473 : vector<16xf32>
      %add3A_485 = arith.constant 64.9322586 : f32
      %add3A_486 = vector.broadcast %add3A_485 : f32 to vector<16xf32>
      %add3A_487 = arith.addf %mul3A_484, %add3A_486 : vector<16xf32>
      %mul3A_488 = arith.mulf %add3A_487, %mul3A_473 : vector<16xf32>
      %add3A_489 = arith.constant -19.7391109 : f32
      %add3A_490 = vector.broadcast %add3A_489 : f32 to vector<16xf32>
      %add3A_491 = arith.addf %mul3A_488, %add3A_490 : vector<16xf32>
      %mul3A_492 = arith.mulf %add3A_491, %mul3A_473 : vector<16xf32>
      %add3A_493 = arith.constant 1.000000e+00 : f32
      %add3A_494 = vector.broadcast %add3A_493 : f32 to vector<16xf32>
      %add3A_495 = arith.addf %mul3A_492, %add3A_494 : vector<16xf32>
      %swap3A_496 = arith.constant 0 : i32
      %swap3A_497 = arith.index_cast %swap3A_496 : i32 to index
      %swap3A_498 = arith.index_cast %scan3A_270 : i32 to index
      %swap3A_499 = arith.constant 336 : index
      %swap3A_500 = tpu.vector_load %arg20[%swap3A_497, %swap3A_498, %swap3A_499] {strides = array<i32>} : memref<2x96x512xf32, #tpu.memory_space<vmem>>, vector<16xf32>,
      tpu.vector_store %arg20[%swap3A_497, %swap3A_498, %swap3A_499], %add3A_495 {strides = array<i32>} : memref<2x96x512xf32, #tpu.memory_space<vmem>>, vector<16xf32>,
      %mul3A_501 = arith.mulf %gather3A_278, %get3A_15 : vector<16xf32>
      %add3A_502 = arith.addf %mul3A_501, %get3A_31 : vector<16xf32>
      %add3A_503 = arith.constant 0x4B400000 : f32
      %add3A_504 = vector.broadcast %add3A_503 : f32 to vector<16xf32>
      %add3A_505 = arith.addf %add3A_502, %add3A_504 : vector<16xf32>
      %sub3A_506 = arith.constant 0x4B400000 : f32
      %sub3A_507 = vector.broadcast %sub3A_506 : f32 to vector<16xf32>
      %sub3A_508 = arith.subf %add3A_505, %sub3A_507 : vector<16xf32>
      %sub3A_509 = arith.subf %add3A_502, %sub3A_508 : vector<16xf32>
      %mul3A_510 = arith.mulf %sub3A_509, %sub3A_509 : vector<16xf32>
      %mul3A_511 = arith.constant -21.2686958 : f32
      %mul3A_512 = vector.broadcast %mul3A_511 : f32 to vector<16xf32>
      %mul3A_513 = arith.mulf %mul3A_512, %mul3A_510 : vector<16xf32>
      %add3A_514 = arith.constant 58.9307289 : f32
      %add3A_515 = vector.broadcast %add3A_514 : f32 to vector<16xf32>
      %add3A_516 = arith.addf %mul3A_513, %add3A_515 : vector<16xf32>
      %mul3A_517 = arith.mulf %add3A_516, %mul3A_510 : vector<16xf32>
      %add3A_518 = arith.constant -85.3066635 : f32
      %add3A_519 = vector.broadcast %add3A_518 : f32 to vector<16xf32>
      %add3A_520 = arith.addf %mul3A_517, %add3A_519 : vector<16xf32>
      %mul3A_521 = arith.mulf %add3A_520, %mul3A_510 : vector<16xf32>
      %add3A_522 = arith.constant 64.9322586 : f32
      %add3A_523 = vector.broadcast %add3A_522 : f32 to vector<16xf32>
      %add3A_524 = arith.addf %mul3A_521, %add3A_523 : vector<16xf32>
      %mul3A_525 = arith.mulf %add3A_524, %mul3A_510 : vector<16xf32>
      %add3A_526 = arith.constant -19.7391109 : f32
      %add3A_527 = vector.broadcast %add3A_526 : f32 to vector<16xf32>
      %add3A_528 = arith.addf %mul3A_525, %add3A_527 : vector<16xf32>
      %mul3A_529 = arith.mulf %add3A_528, %mul3A_510 : vector<16xf32>
      %add3A_530 = arith.constant 1.000000e+00 : f32
      %add3A_531 = vector.broadcast %add3A_530 : f32 to vector<16xf32>
      %add3A_532 = arith.addf %mul3A_529, %add3A_531 : vector<16xf32>
      %swap3A_533 = arith.constant 0 : i32
      %swap3A_534 = arith.index_cast %swap3A_533 : i32 to index
      %swap3A_535 = arith.index_cast %scan3A_270 : i32 to index
      %swap3A_536 = arith.constant 352 : index
      %swap3A_537 = tpu.vector_load %arg20[%swap3A_534, %swap3A_535, %swap3A_536] {strides = array<i32>} : memref<2x96x512xf32, #tpu.memory_space<vmem>>, vector<16xf32>,
      tpu.vector_store %arg20[%swap3A_534, %swap3A_535, %swap3A_536], %add3A_532 {strides = array<i32>} : memref<2x96x512xf32, #tpu.memory_space<vmem>>, vector<16xf32>,
      %mul3A_538 = arith.mulf %gather3A_278, %get3A_17 : vector<16xf32>
      %add3A_539 = arith.addf %mul3A_538, %get3A_33 : vector<16xf32>
      %add3A_540 = arith.constant 0x4B400000 : f32
      %add3A_541 = vector.broadcast %add3A_540 : f32 to vector<16xf32>
      %add3A_542 = arith.addf %add3A_539, %add3A_541 : vector<16xf32>
      %sub3A_543 = arith.constant 0x4B400000 : f32
      %sub3A_544 = vector.broadcast %sub3A_543 : f32 to vector<16xf32>
      %sub3A_545 = arith.subf %add3A_542, %sub3A_544 : vector<16xf32>
      %sub3A_546 = arith.subf %add3A_539, %sub3A_545 : vector<16xf32>
      %mul3A_547 = arith.mulf %sub3A_546, %sub3A_546 : vector<16xf32>
      %mul3A_548 = arith.constant -21.2686958 : f32
      %mul3A_549 = vector.broadcast %mul3A_548 : f32 to vector<16xf32>
      %mul3A_550 = arith.mulf %mul3A_549, %mul3A_547 : vector<16xf32>
      %add3A_551 = arith.constant 58.9307289 : f32
      %add3A_552 = vector.broadcast %add3A_551 : f32 to vector<16xf32>
      %add3A_553 = arith.addf %mul3A_550, %add3A_552 : vector<16xf32>
      %mul3A_554 = arith.mulf %add3A_553, %mul3A_547 : vector<16xf32>
      %add3A_555 = arith.constant -85.3066635 : f32
      %add3A_556 = vector.broadcast %add3A_555 : f32 to vector<16xf32>
      %add3A_557 = arith.addf %mul3A_554, %add3A_556 : vector<16xf32>
      %mul3A_558 = arith.mulf %add3A_557, %mul3A_547 : vector<16xf32>
      %add3A_559 = arith.constant 64.9322586 : f32
      %add3A_560 = vector.broadcast %add3A_559 : f32 to vector<16xf32>
      %add3A_561 = arith.addf %mul3A_558, %add3A_560 : vector<16xf32>
      %mul3A_562 = arith.mulf %add3A_561, %mul3A_547 : vector<16xf32>
      %add3A_563 = arith.constant -19.7391109 : f32
      %add3A_564 = vector.broadcast %add3A_563 : f32 to vector<16xf32>
      %add3A_565 = arith.addf %mul3A_562, %add3A_564 : vector<16xf32>
      %mul3A_566 = arith.mulf %add3A_565, %mul3A_547 : vector<16xf32>
      %add3A_567 = arith.constant 1.000000e+00 : f32
      %add3A_568 = vector.broadcast %add3A_567 : f32 to vector<16xf32>
      %add3A_569 = arith.addf %mul3A_566, %add3A_568 : vector<16xf32>
      %swap3A_570 = arith.constant 0 : i32
      %swap3A_571 = arith.index_cast %swap3A_570 : i32 to index
      %swap3A_572 = arith.index_cast %scan3A_270 : i32 to index
      %swap3A_573 = arith.constant 368 : index
      %swap3A_574 = tpu.vector_load %arg20[%swap3A_571, %swap3A_572, %swap3A_573] {strides = array<i32>} : memref<2x96x512xf32, #tpu.memory_space<vmem>>, vector<16xf32>,
      tpu.vector_store %arg20[%swap3A_571, %swap3A_572, %swap3A_573], %add3A_569 {strides = array<i32>} : memref<2x96x512xf32, #tpu.memory_space<vmem>>, vector<16xf32>,
    }
    %scan3A_190 = arith.constant 16 : i32
    %dma_wait3A_191 = arith.constant 0 : i32
    %dma_wait3A_192 = arith.constant 0 : i32
    %dma_wait3A_193 = arith.constant 0 : i32
    %dma_wait3A_194 = arith.constant 0 : i32
    %dma_wait3A_195 = tpu.memref_slice %arg20[%dma_wait3A_192, %dma_wait3A_193, %dma_wait3A_194] : memref<2x96x512xf32, #tpu.memory_space<vmem>> -> memref<1x16x128xf32, #tpu.memory_space<vmem>>
    %dma_wait3A_196 = tpu.memref_squeeze %dma_wait3A_195 : memref<1x16x128xf32, #tpu.memory_space<vmem>> -> memref<16x128xf32, #tpu.memory_space<vmem>>
    %dma_wait3A_197 = arith.constant 0 : i32
    %dma_wait3A_198 = tpu.memref_slice %arg15[%dma_wait3A_191, %dma_wait3A_197] : memref<2x96xi32, #tpu.memory_space<vmem>> -> memref<1x16xi32, #tpu.memory_space<vmem>>
    %dma_wait3A_199 = tpu.memref_squeeze %dma_wait3A_198 : memref<1x16xi32, #tpu.memory_space<vmem>> -> memref<16xi32, #tpu.memory_space<vmem>>
    %dma_wait3A_200 = arith.constant 0 : i32
    %dma_wait3A_201 = arith.constant 0 : i32
    %dma_wait3A_202 = tpu.memref_slice %arg2[%dma_wait3A_200, %dma_wait3A_201] : memref<10000x128xf32, #tpu.memory_space<hbm>> -> memref<10000x128xf32, #tpu.memory_space<hbm>>
    tpu.wait_indirect_dma semaphore(%arg21 : memref<!tpu.dma_semaphore, #tpu.memory_space<semaphore_mem>>) src(%dma_wait3A_202 : memref<10000x128xf32, #tpu.memory_space<hbm>>) dst(%dma_wait3A_196 : memref<16x128xf32, #tpu.memory_space<vmem>>)
    %dma_wait3A_203 = arith.constant 0 : i32
    %dma_wait3A_204 = arith.constant 0 : i32
    %dma_wait3A_205 = arith.constant 0 : i32
    %dma_wait3A_206 = arith.constant 128 : i32
    %dma_wait3A_207 = tpu.memref_slice %arg20[%dma_wait3A_204, %dma_wait3A_205, %dma_wait3A_206] : memref<2x96x512xf32, #tpu.memory_space<vmem>> -> memref<1x16x128xf32, #tpu.memory_space<vmem>>
    %dma_wait3A_208 = tpu.memref_squeeze %dma_wait3A_207 : memref<1x16x128xf32, #tpu.memory_space<vmem>> -> memref<16x128xf32, #tpu.memory_space<vmem>>
    %dma_wait3A_209 = arith.constant 0 : i32
    %dma_wait3A_210 = tpu.memref_slice %arg16[%dma_wait3A_203, %dma_wait3A_209] : memref<2x96xi32, #tpu.memory_space<vmem>> -> memref<1x16xi32, #tpu.memory_space<vmem>>
    %dma_wait3A_211 = tpu.memref_squeeze %dma_wait3A_210 : memref<1x16xi32, #tpu.memory_space<vmem>> -> memref<16xi32, #tpu.memory_space<vmem>>
    %dma_wait3A_212 = arith.constant 0 : i32
    %dma_wait3A_213 = arith.constant 0 : i32
    %dma_wait3A_214 = tpu.memref_slice %arg2[%dma_wait3A_212, %dma_wait3A_213] : memref<10000x128xf32, #tpu.memory_space<hbm>> -> memref<10000x128xf32, #tpu.memory_space<hbm>>
    tpu.wait_indirect_dma semaphore(%arg21 : memref<!tpu.dma_semaphore, #tpu.memory_space<semaphore_mem>>) src(%dma_wait3A_214 : memref<10000x128xf32, #tpu.memory_space<hbm>>) dst(%dma_wait3A_208 : memref<16x128xf32, #tpu.memory_space<vmem>>)
    %dma_wait3A_215 = arith.constant 0 : i32
    %dma_wait3A_216 = arith.constant 0 : i32
    %dma_wait3A_217 = arith.constant 0 : i32
    %dma_wait3A_218 = arith.constant 384 : i32
    %dma_wait3A_219 = tpu.memref_slice %arg20[%dma_wait3A_216, %dma_wait3A_217, %dma_wait3A_218] : memref<2x96x512xf32, #tpu.memory_space<vmem>> -> memref<1x16x128xf32, #tpu.memory_space<vmem>>
    %dma_wait3A_220 = tpu.memref_squeeze %dma_wait3A_219 : memref<1x16x128xf32, #tpu.memory_space<vmem>> -> memref<16x128xf32, #tpu.memory_space<vmem>>
    %dma_wait3A_221 = arith.constant 0 : i32
    %dma_wait3A_222 = tpu.memref_slice %arg17[%dma_wait3A_215, %dma_wait3A_221] : memref<2x96xi32, #tpu.memory_space<vmem>> -> memref<1x16xi32, #tpu.memory_space<vmem>>
    %dma_wait3A_223 = tpu.memref_squeeze %dma_wait3A_222 : memref<1x16xi32, #tpu.memory_space<vmem>> -> memref<16xi32, #tpu.memory_space<vmem>>
    %dma_wait3A_224 = arith.constant 0 : i32
    %dma_wait3A_225 = arith.constant 0 : i32
    %dma_wait3A_226 = tpu.memref_slice %arg7[%dma_wait3A_224, %dma_wait3A_225] : memref<320000x128xf32, #tpu.memory_space<hbm>> -> memref<320000x128xf32, #tpu.memory_space<hbm>>
    tpu.wait_indirect_dma semaphore(%arg21 : memref<!tpu.dma_semaphore, #tpu.memory_space<semaphore_mem>>) src(%dma_wait3A_226 : memref<320000x128xf32, #tpu.memory_space<hbm>>) dst(%dma_wait3A_220 : memref<16x128xf32, #tpu.memory_space<vmem>>)
    %dma_start3A_227 = arith.constant 0 : i32
    %dma_start3A_228 = arith.constant 0 : i32
    %dma_start3A_229 = arith.constant 0 : i32
    %dma_start3A_230 = tpu.memref_slice %arg20[%dma_start3A_227, %dma_start3A_228, %dma_start3A_229] : memref<2x96x512xf32, #tpu.memory_space<vmem>> -> memref<1x16x512xf32, #tpu.memory_space<vmem>>
    %dma_start3A_231 = tpu.memref_squeeze %dma_start3A_230 : memref<1x16x512xf32, #tpu.memory_space<vmem>> -> memref<16x512xf32, #tpu.memory_space<vmem>>
    %dma_start3A_232 = arith.constant 0 : i32
    %dma_start3A_233 = tpu.memref_slice %arg11[%add3A_93, %dma_start3A_232] : memref<320000x512xf32, #tpu.memory_space<hbm>> -> memref<16x512xf32, #tpu.memory_space<hbm>>
    %dma_start3A_234 = arith.constant 0 : i32
    %dma_start3A_235 = tpu.memref_slice %arg11[%add3A_93, %dma_start3A_234] : memref<320000x512xf32, #tpu.memory_space<hbm>> -> memref<16x512xf32, #tpu.memory_space<hbm>>
    %dma_start3A_236 = arith.constant 0 : i32
    %dma_start3A_237 = arith.constant 0 : i32
    %dma_start3A_238 = tpu.memref_slice %arg20[%dma_start3A_227, %dma_start3A_236, %dma_start3A_237] : memref<2x96x512xf32, #tpu.memory_space<vmem>> -> memref<1x16x512xf32, #tpu.memory_space<vmem>>
    %dma_start3A_239 = tpu.memref_squeeze %dma_start3A_238 : memref<1x16x512xf32, #tpu.memory_space<vmem>> -> memref<16x512xf32, #tpu.memory_space<vmem>>
    tpu.enqueue_dma source(%dma_start3A_239 : memref<16x512xf32, #tpu.memory_space<vmem>>) target(%dma_start3A_235 : memref<16x512xf32, #tpu.memory_space<hbm>>) target_semaphore(%arg24 : memref<!tpu.dma_semaphore, #tpu.memory_space<semaphore_mem>>)
    %dma_wait3A_240 = arith.constant 1 : i32
    %dma_wait3A_241 = arith.constant 0 : i32
    %dma_wait3A_242 = arith.constant 0 : i32
    %dma_wait3A_243 = tpu.memref_slice %arg20[%dma_wait3A_240, %dma_wait3A_241, %dma_wait3A_242] : memref<2x96x512xf32, #tpu.memory_space<vmem>> -> memref<1x96x512xf32, #tpu.memory_space<vmem>>
    %dma_wait3A_244 = tpu.memref_squeeze %dma_wait3A_243 : memref<1x96x512xf32, #tpu.memory_space<vmem>> -> memref<96x512xf32, #tpu.memory_space<vmem>>
    %dma_wait3A_245 = arith.constant 0 : i32
    %dma_wait3A_246 = arith.constant 0 : i32
    %dma_wait3A_247 = tpu.memref_slice %arg11[%dma_wait3A_245, %dma_wait3A_246] : memref<320000x512xf32, #tpu.memory_space<hbm>> -> memref<96x512xf32, #tpu.memory_space<hbm>>
    %dma_wait3A_248 = arith.constant 0 : i32
    %dma_wait3A_249 = arith.constant 0 : i32
    %dma_wait3A_250 = tpu.memref_slice %arg11[%dma_wait3A_248, %dma_wait3A_249] : memref<320000x512xf32, #tpu.memory_space<hbm>> -> memref<96x512xf32, #tpu.memory_space<hbm>>
    %dma_wait3A_251 = arith.constant 0 : i32
    %dma_wait3A_252 = arith.constant 0 : i32
    %dma_wait3A_253 = tpu.memref_slice %arg20[%dma_wait3A_240, %dma_wait3A_251, %dma_wait3A_252] : memref<2x96x512xf32, #tpu.memory_space<vmem>> -> memref<1x96x512xf32, #tpu.memory_space<vmem>>
    %dma_wait3A_254 = tpu.memref_squeeze %dma_wait3A_253 : memref<1x96x512xf32, #tpu.memory_space<vmem>> -> memref<96x512xf32, #tpu.memory_space<vmem>>
    tpu.wait_dma2 semaphore(%arg25 : memref<!tpu.dma_semaphore, #tpu.memory_space<semaphore_mem>>) src(%dma_wait3A_254 : memref<96x512xf32, #tpu.memory_space<vmem>>) dst(%dma_wait3A_250 : memref<96x512xf32, #tpu.memory_space<hbm>>)
    %dma_wait3A_255 = arith.constant 0 : i32
    %dma_wait3A_256 = arith.constant 0 : i32
    %dma_wait3A_257 = arith.constant 0 : i32
    %dma_wait3A_258 = tpu.memref_slice %arg20[%dma_wait3A_255, %dma_wait3A_256, %dma_wait3A_257] : memref<2x96x512xf32, #tpu.memory_space<vmem>> -> memref<1x16x512xf32, #tpu.memory_space<vmem>>
    %dma_wait3A_259 = tpu.memref_squeeze %dma_wait3A_258 : memref<1x16x512xf32, #tpu.memory_space<vmem>> -> memref<16x512xf32, #tpu.memory_space<vmem>>
    %dma_wait3A_260 = arith.constant 0 : i32
    %dma_wait3A_261 = arith.constant 0 : i32
    %dma_wait3A_262 = tpu.memref_slice %arg11[%dma_wait3A_260, %dma_wait3A_261] : memref<320000x512xf32, #tpu.memory_space<hbm>> -> memref<16x512xf32, #tpu.memory_space<hbm>>
    %dma_wait3A_263 = arith.constant 0 : i32
    %dma_wait3A_264 = arith.constant 0 : i32
    %dma_wait3A_265 = tpu.memref_slice %arg11[%dma_wait3A_263, %dma_wait3A_264] : memref<320000x512xf32, #tpu.memory_space<hbm>> -> memref<16x512xf32, #tpu.memory_space<hbm>>
    %dma_wait3A_266 = arith.constant 0 : i32
    %dma_wait3A_267 = arith.constant 0 : i32
    %dma_wait3A_268 = tpu.memref_slice %arg20[%dma_wait3A_255, %dma_wait3A_266, %dma_wait3A_267] : memref<2x96x512xf32, #tpu.memory_space<vmem>> -> memref<1x16x512xf32, #tpu.memory_space<vmem>>
    %dma_wait3A_269 = tpu.memref_squeeze %dma_wait3A_268 : memref<1x16x512xf32, #tpu.memory_space<vmem>> -> memref<16x512xf32, #tpu.memory_space<vmem>>
    tpu.wait_dma2 semaphore(%arg24 : memref<!tpu.dma_semaphore, #tpu.memory_space<semaphore_mem>>) src(%dma_wait3A_269 : memref<16x512xf32, #tpu.memory_space<vmem>>) dst(%dma_wait3A_265 : memref<16x512xf32, #tpu.memory_space<hbm>>)
    return
  }
}

</mosaic_0001>

<sc_bundles>
// kernel: kernel.3.cloned.1.call-start
scs
__scs_entry_jumppad:
0x0: {  	(pc) =	sbr.rel $0x88, $3  }
0x1: {  	(tag) =	ssettag $0x0;
	lr =	simm.s32 $0x1  }
0x2: {  	[smem:$0x3F98] =	sst lr;
	_ =	strace $0xD0000000  }
0x3: {  	_ = 	snop  }
0x4: {  	_ = 	snop  }
0x5: {  	_ = 	snop  }
0x6: {  	_ = 	snop  }
0x7: {  	_ = 	snop  }
__scs_overlays_trampoline_lowered:
0x8: {  	[smem:$0x3FA7] =	sst s0  }
0x9: {  	[smem:$0x3FA8] =	sst s1  }
0xa: {  	[smem:$0x3FA9] =	sst s2  }
0xb: {  	[smem:$0x3FAA] =	sst s3  }
0xc: {  	[smem:$0x3FAB] =	sst s4  }
0xd: {  	[smem:$0x3FAC] =	sst s5  }
0xe: {  	[smem:$0x3FAD] =	sst s6  }
0xf: {  	[smem:$0x3FAE] =	sst s7  }
0x10: {  	[smem:$0x3FAF] =	sst s8  }
0x11: {  	[smem:$0x3FB0] =	sst s9;
	s0 =	simm.s32 @!p0 $0x0  }
0x12: {  	s1 =	sld [smem:$0x3F96];
	s0 =	simm.s32 @p0 $0x1  }
0x13: {  	[smem:$0x3FB1] =	sst s0;
	s0 =	simm.s32 @!p1 $0x0  }
0x14: {  	s2 =	sld [smem:$0x3F95];
	s0 =	simm.s32 @p1 $0x1  }
0x15: {  	[smem:$0x3FB2] =	sst s0;
	s0 =	simm.s32 @!p2 $0x0  }
0x16: {  	s3 =	sld [smem:$0x3FDB];
	s0 =	simm.s32 @p2 $0x1  }
0x17: {  	s4 =	simm.s32 $0x1BF5;
	[smem:$0x3FB4] =	sst s0  }
0x18: {  	s0 =	sld [smem:$0x3F97];
	_ =	swait.ge [sflag:s4], $0x0  }
0x19: {  	s7 =	sld [smem:$0x3F98]  }
0x1a: {  	s8 =	sadd.s32 $0xFFFFE003, lr  }
0x1b: {  	s9 =	sadd.s32 $0xFFFFFEF7, lr;
	s5 =	simm.s32 $0xFFFFFFFF;
	p2 =	slt.u32 s8, $0xFFFFF086  }
0x1c: {  	p1 =	slt.u32 s9, $0xF7A;
	s5 =	simm.s32 @!p2 $0x0  }
0x1d: {  	s5 =	simm.s32 @p1 $0x1;
	p0 =	seq.s32 s7, s2  }
0x1e: {  	s7 =	smul.u32 @!p0 $0xF7A, s2;
	p2 =	seq.s32 @!p0 s5, $0x0  }
0x1f: {  	s9 =	smul.u32 $0xF7A, s1;
	s8 =	simm.s32 @!p0 $0x1BF5;
	p2 =	por !p2, p0  }
0x20: {  	[sflag:s8] =	ssyncset.s32 @!p0 $0xFFFFF086;
	s6 =	sadd.s32 @!p0 s3, s7;
	s7 =	simm.s32 @!p0 $0x108  }
0x21: {  	s3 =	sadd.s32 s3, s9;
	s6 =	sadd.s32 @!p0 $0x88, s6;
	s7 =	simm.s32 @p2 $0x1082  }
0x22: {  	[simem:s7], [sflag:s8] =	dma.local @!p0 [hbm:s6], $0xF7A  }
0x23: {  	s9 =	sor.u32 $0xD0000000, s2;
	s6 =	simm.s32 $0x108;
	_ =	swait.ge @!p0 [sflag:s8], $0x0  }
0x24: {  	s3 =	sadd.s32 $0x88, s3;
	s6 =	simm.s32 @!p1 $0x1082;
	[sflag:s4] =	ssyncset.s32 $0xFFFFF086  }
0x25: {  	[simem:s6], [sflag:s4] =	dma.local [hbm:s3], $0xF7A  }
0x26: {  	[smem:$0x3F98] =	sst s1;
	(tag) =	ssettag s2;
	_ =	strace s9  }
0x27: {  	s1 =	sld [smem:$0x3FA8]  }
0x28: {  	s2 =	sld [smem:$0x3FA9]  }
0x29: {  	s4 =	sld [smem:$0x3FAB]  }
0x2a: {  	p0 =	seq.s32 s5, $0x0;
	s5 =	sld [smem:$0x3FAC]  }
0x2b: {  	s6 =	sld [smem:$0x3FAD]  }
0x2c: {  	s7 =	sld [smem:$0x3FAE]  }
0x2d: {  	s3 =	simm.s32 $0x108;
	s8 =	sld [smem:$0x3FAF]  }
0x2e: {  	s3 =	simm.s32 @!p0 $0x1082;
	s9 =	sld [smem:$0x3FB0]  }
0x2f: {  	lr =	sadd.s32 s0, s3;
	s0 =	sld [smem:$0x3FA7]  }
0x30: {  	s3 =	sld [smem:$0x3FAA]  }
0x31: {  	[smem:$0x3FB3] =	sst s10  }
0x32: {  	s10 =	sld [smem:$0x3FB1];
	_ =	sdelay $0x3  }
0x33: {  	p0 =	seq.s32 s10, $0x1;
	s10 =	sld [smem:$0x3FB3];
	_ =	sdelay $0x3  }
0x34: {  	[smem:$0x3FB3] =	sst s10  }
0x35: {  	s10 =	sld [smem:$0x3FB2];
	_ =	sdelay $0x3  }
0x36: {  	p1 =	seq.s32 s10, $0x1;
	s10 =	sld [smem:$0x3FB3];
	_ =	sdelay $0x3  }
0x37: {  	[smem:$0x3FB3] =	sst s10  }
0x38: {  	s10 =	sld [smem:$0x3FB4]  }
0x39: {  	_ = 	snop;
	(pc) =	sbr.ind lr, $3  }
0x3a: {  	_ = 	snop  }
0x3b: {  	_ = 	snop  }
0x3c: {  	p2 =	seq.s32 s10, $0x1;
	s10 =	sld [smem:$0x3FB3]  }
0x3d: {  	_ =	shalt  }
0x3e: {  	_ =	shalt  }
0x3f: {  	_ =	shalt  }
0x40: {  	_ =	shalt  }
0x41: {  	_ =	shalt  }
0x42: {  	_ =	shalt  }
0x43: {  	_ =	shalt  }
0x44: {  	_ =	shalt  }
0x45: {  	_ =	shalt  }
0x46: {  	_ =	shalt  }
0x47: {  	_ =	shalt  }
0x48: {  	_ =	shalt  }
0x49: {  	_ =	shalt  }
0x4a: {  	_ =	shalt  }
0x4b: {  	_ =	shalt  }
0x4c: {  	_ =	shalt  }
0x4d: {  	_ =	shalt  }
0x4e: {  	_ =	shalt  }
0x4f: {  	_ =	shalt  }
0x50: {  	_ =	shalt  }
0x51: {  	_ =	shalt  }
0x52: {  	_ =	shalt  }
0x53: {  	_ =	shalt  }
0x54: {  	_ =	shalt  }
0x55: {  	_ =	shalt  }
0x56: {  	_ =	shalt  }
0x57: {  	_ =	shalt  }
0x58: {  	_ =	shalt  }
0x59: {  	_ =	shalt  }
0x5a: {  	_ =	shalt  }
0x5b: {  	_ =	shalt  }
0x5c: {  	_ =	shalt  }
0x5d: {  	_ =	shalt  }
0x5e: {  	_ =	shalt  }
0x5f: {  	_ =	shalt  }
0x60: {  	_ =	shalt  }
0x61: {  	_ =	shalt  }
0x62: {  	_ =	shalt  }
0x63: {  	_ =	shalt  }
0x64: {  	_ =	shalt  }
0x65: {  	_ =	shalt  }
0x66: {  	_ =	shalt  }
0x67: {  	_ =	shalt  }
0x68: {  	_ =	shalt  }
0x69: {  	_ =	shalt  }
0x6a: {  	_ =	shalt  }
0x6b: {  	_ =	shalt  }
0x6c: {  	_ =	shalt  }
0x6d: {  	_ =	shalt  }
0x6e: {  	_ =	shalt  }
0x6f: {  	_ =	shalt  }
0x70: {  	_ =	shalt  }
0x71: {  	_ =	shalt  }
0x72: {  	_ =	shalt  }
0x73: {  	_ =	shalt  }
0x74: {  	_ =	shalt  }
0x75: {  	_ =	shalt  }
0x76: {  	_ =	shalt  }
0x77: {  	_ =	shalt  }
0x78: {  	_ =	shalt  }
0x79: {  	_ =	shalt  }
0x7a: {  	_ =	shalt  }
0x7b: {  	_ =	shalt  }
0x7c: {  	_ =	shalt  }
0x7d: {  	_ =	shalt  }
0x7e: {  	_ =	shalt  }
0x7f: {  	_ =	shalt  }
0x80: {  	_ =	shalt  }
0x81: {  	_ =	shalt  }
0x82: {  	_ =	shalt  }
0x83: {  	_ =	shalt  }
0x84: {  	_ =	shalt  }
0x85: {  	_ =	shalt  }
0x86: {  	_ =	shalt  }
0x87: {  	_ =	shalt  }
.Lfunc_end0:
.L_simem_size_0:
called_computation_lowered:
.L_overlay_start_0:
0x88: {  	s2 =	sld [smem:$0x3FD9]  }
0x89: {  	s3 =	sld [smem:$0x3FFE];
	_ =	sdelay $0x1  }
0x8a: {  	s1 =	srdreg.scid  }
0x8b: {  	s0 =	sand.u32 $0x1, s1  }
0x8c: {  	s17 =	sshll.u32 s0, $0xA;
	s2 =	sadd.s32 s3, s2  }
0x8d: {  	s2 =	sadd.s32 s2, s17  }
0x8e: {  	[smem:$0x3FBF] =	sst s2  }
0x8f: {  	_ = 	snop  }
0x90: {  	s2 =	sld [smem:$0x3FC9]  }
0x91: {  	s18 =	sld [smem:$0x3FC8]  }
0x92: {  	s4 =	sld [smem:$0x3FC7]  }
0x93: {  	s5 =	sld [smem:$0x3FC6]  }
0x94: {  	s6 =	sld [smem:$0x3FC5]  }
0x95: {  	s7 =	sld [smem:$0x3FC4]  }
0x96: {  	s8 =	sld [smem:$0x3FC3]  }
0x97: {  	s9 =	sld [smem:$0x3FD0];
	(tm) =	ssettm $0x1  }
0x98: {  	s10 =	sld [smem:$0x3FFB];
	_ =	sdelay $0x3  }
0x99: {  	_ =	strace s10  }
0x9a: {  	s10 =	sld [smem:$0x3FFC];
	_ =	sdelay $0x3  }
0x9b: {  	_ =	strace s10  }
0x9c: {  	s10 =	sld [smem:$0x3FFD];
	_ =	sdelay $0x3  }
0x9d: {  	_ =	strace s10  }
0x9e: {  	_ =	strace $0x8FFFFFFF  }
0x9f: {  	s19 =	sld [smem:$0x3FDB];
	_ =	sdelay $0x1  }
0xa0: {  	s11 =	simm.s32 $_scs_section_size  }
0xa1: {  	s12 =	simm.s32 $_size__tile_overlayer_lowered;
	s13 =	simm.s32 $_tile_overlayer_lowered  }
0xa2: {  	s22 =	simm.s32 $0x1BFF;
	s21 =	sshll.u32 s13, $0x1;
	s10 =	sadd.s32 s11, s19  }
0xa3: {  	s14 =	simm.s32 $0x0;
	s20 =	sshll.u32 s12, $0x1;
	s12 =	sadd.s32 s21, s10  }
0xa4: {  	[timem:s14], [sflag:s22] =	dma.local [hbm:s12], s20  }
0xa5: {  	_ =	swait.ge [sflag:s22], s20  }
0xa6: {  	s11 =	ssub.s32 $0x0, s20;
	[sflag:s22] =	ssyncset.done $0x0  }
0xa7: {  	[sflag:s22] =	ssyncadd.s32 s11;
	_ =	sdelay $0x1  }
0xa8: {  	s23 =	simm.s32 $0x1B8B  }
0xa9: {  	_ =	swait.ge [sflag:s23], $0x1  }
0xaa: {  	[sflag:s23] =	ssyncset.done $0x0  }
0xab: {  	s25 =	simm.s32 $0x1B8E;
	s24 =	sld [smem:$0x3FFE];
	[sflag:s23] =	ssyncadd.s32 $0xFFFFFFFF  }
0xac: {  	s26 =	simm.s32 $execute0_lowered;
	[smem:$0x3FD2] =	sst s25  }
0xad: {  	s12 =	sshll.u32 s26, $0x1;
	_ =	strace $0x80000046;
	[dreg:$0x1] =	wrdreg $0xFFFFFFFF  }
0xae: {  	s28 =	simm.s32 $_size_execute0_lowered;
	s10 =	sadd.s32 s10, s12;
	[dreg:$0x0] =	wrdreg $0x0  }
0xaf: {  	s12 =	sshll.u32 s28, $0x1;
	[dreg:$0x2] =	wrdreg s10  }
0xb0: {  	[dreg:$0x3] =	wrdreg s12  }
0xb1: {  	[dreg:$0x4] =	wrdreg $0xC0  }
0xb2: {  	_ =	task [dreg:s14], $0x5FFFF  }
0xb3: {  	[dreg:$0x1] =	wrdreg $0xFFFFFFFF  }
0xb4: {  	[dreg:$0x0] =	wrdreg $0x60  }
0xb5: {  	[dreg:$0x2] =	wrdreg s2  }
0xb6: {  	[dreg:$0x3] =	wrdreg s18  }
0xb7: {  	[dreg:$0x4] =	wrdreg s4  }
0xb8: {  	[dreg:$0x5] =	wrdreg s5  }
0xb9: {  	[dreg:$0x6] =	wrdreg s6  }
0xba: {  	[dreg:$0x7] =	wrdreg s7  }
0xbb: {  	[dreg:$0x8] =	wrdreg s8  }
0xbc: {  	[dreg:$0x9] =	wrdreg s24  }
0xbd: {  	[dreg:$0xa] =	wrdreg s9  }
0xbe: {  	[dreg:$0xb] =	wrdreg $0x9  }
0xbf: {  	_ =	task.clear_ibuf [dreg:s14], $0xCFFFF;
	_ =	strace $0x90000046  }
0xc0: {  	s29 =	simm.s32 $0x9;
	_ =	strace $0x80000048  }
0xc1: {  	_ =	swait.ge [sflag:s29], $0x1  }
0xc2: {  	[sflag:s29] =	ssyncadd.s32 $0xFFFFFFFF  }
0xc3: {  	_ =	strace $0x90000048  }
0xc4: {  	_ =	sfence  }
0xc5: {  	s30 =	sld [smem:$0x0];
	_ =	sdelay $0x2  }
0xc6: {  	s31 =	sshll.u32 s1, $0xD;
	s1 =	sshrl.u32 s1, $0x2  }
0xc7: {  	s3 =	sand.u32 $0x4000, s31;
	s1 =	sadd.s32 s1, s30  }
0xc8: {  	s0 =	sor.u32 s3, s0;
	s1 =	sshll.u32 s1, $0x11  }
0xc9: {  	s0 =	sor.u32 s1, s0  }
0xca: {  	s0 =	sadd.s32 $0x8F2B, s0  }
0xcb: {  	[sflag:s0] =	ssyncadd.remote.s32 $0x1  }
0xcc: {  	_ =	sfence.sel $0xFFFF  }
0xcd: {  	[dreg:$0x0] =	wrdreg $0xFFFFFFFF;
	(pc) =	sbr.abs _section_cstart, $3  }
0xce: {  	[dreg:$0x1] =	wrdreg $0xFFFFFFFF  }
0xcf: {  	_ =	task.clear_ibuf [dreg:s14], $0x2FFFF;
	_ =	strace $0x9FFFFFFF  }
0xd0: {  	(tm) =	ssettm $0x7FFFFFFF  }
0xd1: {  	_ =	shalt  }
tec
execute0_lowered:
.L_overlay_start_1:
0x0: {  	(tag) =	ssettag $0x1  }
0x1: {  	s0 =	rddreg [dreg:$0x0]  }
0x2: {  	s29 =	rddreg [dreg:$0x2]  }
0x3: {  	s2 =	rddreg [dreg:$0x3]  }
0x4: {  	s3 =	rddreg [dreg:$0x4]  }
0x5: {  	s6 =	rddreg [dreg:$0x5]  }
0x6: {  	s9 =	rddreg [dreg:$0x6]  }
0x7: {  	s1 =	rddreg [dreg:$0x7]  }
0x8: {  	s5 =	srdreg.scid;
	s4 =	stileid.u32  }
0x9: {  	s14 =	rddreg [dreg:$0x8];
	s10 =	simm.s32 $0x0;
	s30 =	simm.s32 $0x2C80  }
0xa: {  	s31 =	simm.s32 $0x1;
	s5 =	sand.u32 $0x1, s5;
	s8 =	sshll.u32 s4, $0x1  }
0xb: {  	[smem:$0x7FF] =	sst s10;
	s16 =	sadd.s32 $0x800, s1;
	s1 =	sadd.s32 $0x600, s1  }
0xc: {  	s7 =	smov.u32 s2;
	s18 =	smov.u32 s9;
	s8 =	sor.u32 s5, s8  }
0xd: {  	_ =	strace $0x80000047;
	s5 =	ssub.s32 $0x2, s5;
	[dreg:$0xa] =	wrdreg s16  }
0xe: {  	[dreg:$0xb] =	wrdreg s1;
	s11 =	smul.u32 $0x2710, s8;
	s12 =	sshrl.u32 s5, $0x1  }
0xf: {  	s22 =	smul.u32 $0x4E2000, s8;
	s8 =	simm.s32 $0x3;
	s17 =	ssub.s32 s5, s12  }
0x10: {  	s12 =	simm.s32 $0xED80;
	s13 =	sshrl.u32 s11, $0x3;
	s24 =	sadd.s32 $0x60, s11  }
0x11: {  	s5 =	sshrl.u32 s22, $0x3;
	s1 =	smax.u32 s17, $0x1;
	[dreg:$0x10] =	wrdreg s24  }
0x12: {  	s17 =	simm.s32 $0x2D00;
	s19 =	sadd.s32 s29, s13;
	[dreg:$0x13] =	wrdreg s1  }
0x13: {  	s20 =	sadd.s32 s2, s13;
	s21 =	sadd.s32 s9, s13;
	[dreg:$0xc] =	wrdreg s19  }
0x14: {  	s23 =	sadd.s32 s3, s13;
	s25 =	sadd.s32 $0x4E0, s13;
	[dreg:$0xd] =	wrdreg s20  }
0x15: {  	s5 =	sadd.s32 s14, s5;
	s1 =	simm.s32 $0x2D80;
	[dreg:$0xe] =	wrdreg s21  }
0x16: {  	[dreg:$0xf] =	wrdreg s23;
	s26 =	sadd.s32 s29, s25;
	s20 =	sadd.s32 s2, s25  }
0x17: {  	v2 =	vlaneseq.u32;
	s21 =	sadd.s32 s9, s25;
	s9 =	smov.u32 s3;
	s22 =	sadd.s32 s3, s25  }
0x18: {  	vm0 =	vmmov $0xff;
	v1 =	vshrl.u32 v2, $0x3;
	s19 =	smov.u32 s14;
	s28 =	sadd.s32 $0x9C000, s5;
	[dreg:$0x11] =	wrdreg s26  }
0x19: {  	v0 =	vand.u32 $0x7, v2;
	v2 =	vor.u32 $0x8, v2;
	v1 =	vmul.u32 $0x8, v1;
	s5 =	simm.s32 $0x2;
	s3 =	simm.s32 $0x0;
	[dreg:$0x12] =	wrdreg s28  }
.LBB2_1:
0x1a: {  	[dreg:$0x14] =	wrdreg s3  }
0x1b: {  	s2 =	rddreg [dreg:$0x1];
	s26 =	simm.s32 $0x6  }
0x1c: {  	[tilespmem:s10], [sflag:$0x6] =	stream.linear.gather [hbm4b:s2+s10], $0x2780, $0x38;
	[tilespmem:$0x1AD80] =	vst v63  }
0x1d: {  	_ =	swait.ge [sflag:s26], $0x2780  }
0x1e: {  	[sflag:s26] =	ssyncset.done $0x0  }
0x1f: {  	s4 =	simm.s32 $0x2780;
	s28 =	rddreg [dreg:$0xa];
	[sflag:s26] =	ssyncadd.s32 $0xFFFFD880  }
0x20: {  	[tilespmem:s4], [sflag:$0x6] =	stream.linear.gather [hbm4b:s28+s10], $0x80, $0x38;
	[tilespmem:$0x1AD80] =	vst v63  }
0x21: {  	_ =	swait.ge [sflag:s26], $0x80  }
0x22: {  	[sflag:s26] =	ssyncset.done $0x0  }
0x23: {  	s13 =	simm.s32 $0x2800;
	s4 =	rddreg [dreg:$0xb];
	[sflag:s26] =	ssyncadd.s32 $0xFFFFFF80  }
0x24: {  	[tilespmem:s13], [sflag:$0x6] =	stream.linear.gather [hbm4b:s4+s10], $0x80, $0x38;
	[tilespmem:$0x1AD80] =	vst v63  }
0x25: {  	_ =	swait.ge [sflag:s26], $0x80  }
0x26: {  	[sflag:s26] =	ssyncset.done $0x0  }
0x27: {  	[sflag:s26] =	ssyncadd.s32 $0xFFFFFF80  }
0x28: {  	v3 =	vld [tilespmem:$0x2780]  }
0x29: {  	v4 =	vld [tilespmem:$0x2790]  }
0x2a: {  	v5 =	vld [tilespmem:$0x27A0]  }
0x2b: {  	v6 =	vld [tilespmem:$0x27B0]  }
0x2c: {  	v7 =	vld [tilespmem:$0x27C0]  }
0x2d: {  	v8 =	vld [tilespmem:$0x27D0]  }
0x2e: {  	v9 =	vld [tilespmem:$0x27E0]  }
0x2f: {  	v10 =	vld [tilespmem:$0x27F0]  }
0x30: {  	v11 =	vld [tilespmem:$0x2800]  }
0x31: {  	v12 =	vld [tilespmem:$0x2810]  }
0x32: {  	v13 =	vld [tilespmem:$0x2820]  }
0x33: {  	v14 =	vld [tilespmem:$0x2830]  }
0x34: {  	v15 =	vld [tilespmem:$0x2840]  }
0x35: {  	v16 =	vld [tilespmem:$0x2850]  }
0x36: {  	s15 =	simm.s32 $0x2880;
	s14 =	rddreg [dreg:$0xc];
	v17 =	vld [tilespmem:$0x2860]  }
0x37: {  	v18 =	vld [tilespmem:$0x2870];
	[tilespmem:s15], [sflag:$0x2] =	stream.linear.gather [hbm4b:s14+s10], $0x60, $0x38  }
0x38: {  	s23 =	simm.s32 $0x2980;
	s16 =	rddreg [dreg:$0xd]  }
0x39: {  	[tilespmem:s23], [sflag:$0x2] =	stream.linear.gather [hbm4b:s16+s10], $0x60, $0x38;
	[tilespmem:$0x1AD80] =	vst v63  }
0x3a: {  	s25 =	simm.s32 $0x2A80;
	s24 =	rddreg [dreg:$0xe]  }
0x3b: {  	[tilespmem:s25], [sflag:$0x2] =	stream.linear.gather [hbm4b:s24+s10], $0x60, $0x38;
	[tilespmem:$0x1AD80] =	vst v63  }
0x3c: {  	s28 =	simm.s32 $0x2B80;
	s13 =	simm.s32 $0x0;
	s26 =	rddreg [dreg:$0xf]  }
0x3d: {  	[tilespmem:s28], [sflag:$0x2] =	stream.linear.gather [hbm4b:s26+s10], $0x60, $0x38;
	[tilespmem:$0x1AD80] =	vst v63  }
.LBB2_2:
0x3e: {  	p0 =	seq.s32 s13, $0x0  }
0x3f: {  	s14 =	simm.s32 @!p0 $0x4  }
0x40: {  	_ =	swait.ge @!p0 [sflag:s14], $0xC000  }
0x41: {  	[sflag:s14] =	ssyncset.done @!p0 $0x0  }
0x42: {  	[sflag:s14] =	ssyncadd.s32 @!p0 $0xFFFF4000  }
0x43: {  	_ =	swait.ge [sflag:s5], $0x60  }
0x44: {  	[sflag:s5] =	ssyncset.done $0x0  }
0x45: {  	[sflag:s5] =	ssyncadd.s32 $0xFFFFFFA0  }
0x46: {  	_ =	swait.ge [sflag:s5], $0x60  }
0x47: {  	[sflag:s5] =	ssyncset.done $0x0  }
0x48: {  	[sflag:s5] =	ssyncadd.s32 $0xFFFFFFA0  }
0x49: {  	_ =	swait.ge [sflag:s5], $0x60  }
0x4a: {  	[sflag:s5] =	ssyncset.done $0x0  }
0x4b: {  	[sflag:s5] =	ssyncadd.s32 $0xFFFFFFA0  }
0x4c: {  	_ =	swait.ge [sflag:s5], $0x60  }
0x4d: {  	[sflag:s5] =	ssyncset.done $0x0  }
0x4e: {  	[sflag:s5] =	ssyncadd.s32 $0xFFFFFFA0  }
0x4f: {  	v19 =	vld [tilespmem:$0x2880];
	_ =	sdelay $0x4  }
0x50: {  	v20 =	vperm.xlane v19, v0;
	_ =	sdelay $0x1  }
0x51: {  	v19 =	vperm.xlane v19, v2;
	v20 =	vadd.s32 v1, v20;
	_ =	sdelay $0x1  }
0x52: {  	v19 =	vadd.s32 v1, v19;
	_ =	sdelay $0x1  }
0x53: {  	s14 =	simm.s32 $0x0  }
0x54: {  	[tilespmem:s1], [sflag:$0x1] =	stream.indirect_vreg.gather [hbm4b:s0+s14], $0x80, v20, vm0, $0xb8;
	[tilespmem:$0x1AD80] =	vst v63  }
0x55: {  	s2 =	simm.s32 $0x3D80  }
0x56: {  	[tilespmem:s2], [sflag:$0x1] =	stream.indirect_vreg.gather [hbm4b:s0+s14], $0x80, v19, vm0, $0xb8;
	[tilespmem:$0x1AD80] =	vst v63  }
0x57: {  	v19 =	vld [tilespmem:$0x2890];
	_ =	sdelay $0x4  }
0x58: {  	v20 =	vperm.xlane v19, v0;
	_ =	sdelay $0x1  }
0x59: {  	v19 =	vperm.xlane v19, v2;
	v20 =	vadd.s32 v1, v20;
	_ =	sdelay $0x1  }
0x5a: {  	v19 =	vadd.s32 v1, v19;
	_ =	sdelay $0x1  }
0x5b: {  	s4 =	simm.s32 $0x4D80  }
0x5c: {  	[tilespmem:s4], [sflag:$0x1] =	stream.indirect_vreg.gather [hbm4b:s0+s14], $0x80, v20, vm0, $0xb8;
	[tilespmem:$0x1AD80] =	vst v63  }
0x5d: {  	s15 =	simm.s32 $0x5D80  }
0x5e: {  	[tilespmem:s15], [sflag:$0x1] =	stream.indirect_vreg.gather [hbm4b:s0+s14], $0x80, v19, vm0, $0xb8;
	[tilespmem:$0x1AD80] =	vst v63  }
0x5f: {  	v19 =	vld [tilespmem:$0x28A0];
	_ =	sdelay $0x4  }
0x60: {  	v20 =	vperm.xlane v19, v0;
	_ =	sdelay $0x1  }
0x61: {  	v19 =	vperm.xlane v19, v2;
	v20 =	vadd.s32 v1, v20;
	_ =	sdelay $0x1  }
0x62: {  	v19 =	vadd.s32 v1, v19;
	_ =	sdelay $0x1  }
0x63: {  	s16 =	simm.s32 $0x6D80  }
0x64: {  	[tilespmem:s16], [sflag:$0x1] =	stream.indirect_vreg.gather [hbm4b:s0+s14], $0x80, v20, vm0, $0xb8;
	[tilespmem:$0x1AD80] =	vst v63  }
0x65: {  	s23 =	simm.s32 $0x7D80  }
0x66: {  	[tilespmem:s23], [sflag:$0x1] =	stream.indirect_vreg.gather [hbm4b:s0+s14], $0x80, v19, vm0, $0xb8;
	[tilespmem:$0x1AD80] =	vst v63  }
0x67: {  	v19 =	vld [tilespmem:$0x28B0];
	_ =	sdelay $0x4  }
0x68: {  	v20 =	vperm.xlane v19, v0;
	_ =	sdelay $0x1  }
0x69: {  	v19 =	vperm.xlane v19, v2;
	v20 =	vadd.s32 v1, v20;
	_ =	sdelay $0x1  }
0x6a: {  	v19 =	vadd.s32 v1, v19;
	_ =	sdelay $0x1  }
0x6b: {  	s24 =	simm.s32 $0x8D80  }
0x6c: {  	[tilespmem:s24], [sflag:$0x1] =	stream.indirect_vreg.gather [hbm4b:s0+s14], $0x80, v20, vm0, $0xb8;
	[tilespmem:$0x1AD80] =	vst v63  }
0x6d: {  	s25 =	simm.s32 $0x9D80  }
0x6e: {  	[tilespmem:s25], [sflag:$0x1] =	stream.indirect_vreg.gather [hbm4b:s0+s14], $0x80, v19, vm0, $0xb8;
	[tilespmem:$0x1AD80] =	vst v63  }
0x6f: {  	v19 =	vld [tilespmem:$0x28C0];
	_ =	sdelay $0x4  }
0x70: {  	v20 =	vperm.xlane v19, v0;
	_ =	sdelay $0x1  }
0x71: {  	v19 =	vperm.xlane v19, v2;
	v20 =	vadd.s32 v1, v20;
	_ =	sdelay $0x1  }
0x72: {  	v19 =	vadd.s32 v1, v19;
	_ =	sdelay $0x1  }
0x73: {  	s26 =	simm.s32 $0xAD80  }
0x74: {  	[tilespmem:s26], [sflag:$0x1] =	stream.indirect_vreg.gather [hbm4b:s0+s14], $0x80, v20, vm0, $0xb8;
	[tilespmem:$0x1AD80] =	vst v63  }
0x75: {  	s28 =	simm.s32 $0xBD80  }
0x76: {  	[tilespmem:s28], [sflag:$0x1] =	stream.indirect_vreg.gather [hbm4b:s0+s14], $0x80, v19, vm0, $0xb8;
	[tilespmem:$0x1AD80] =	vst v63  }
0x77: {  	v19 =	vld [tilespmem:$0x28D0];
	_ =	sdelay $0x4  }
0x78: {  	v20 =	vperm.xlane v19, v0;
	_ =	sdelay $0x1  }
0x79: {  	v19 =	vperm.xlane v19, v2;
	v20 =	vadd.s32 v1, v20;
	_ =	sdelay $0x1  }
0x7a: {  	v19 =	vadd.s32 v1, v19;
	_ =	sdelay $0x1  }
0x7b: {  	s3 =	simm.s32 $0xCD80  }
0x7c: {  	[tilespmem:s3], [sflag:$0x1] =	stream.indirect_vreg.gather [hbm4b:s0+s14], $0x80, v20, vm0, $0xb8;
	[tilespmem:$0x1AD80] =	vst v63  }
0x7d: {  	s4 =	simm.s32 $0xDD80  }
0x7e: {  	[tilespmem:s4], [sflag:$0x1] =	stream.indirect_vreg.gather [hbm4b:s0+s14], $0x80, v19, vm0, $0xb8;
	[tilespmem:$0x1AD80] =	vst v63  }
0x7f: {  	v19 =	vld [tilespmem:$0x2980];
	_ =	sdelay $0x4  }
0x80: {  	v20 =	vperm.xlane v19, v0;
	_ =	sdelay $0x1  }
0x81: {  	v19 =	vperm.xlane v19, v2;
	v20 =	vadd.s32 v1, v20;
	_ =	sdelay $0x1  }
0x82: {  	v19 =	vadd.s32 v1, v19;
	_ =	sdelay $0x1  }
0x83: {  	s15 =	simm.s32 $0x3180  }
0x84: {  	[tilespmem:s15], [sflag:$0x1] =	stream.indirect_vreg.gather [hbm4b:s0+s14], $0x80, v20, vm0, $0xb8;
	[tilespmem:$0x1AD80] =	vst v63  }
0x85: {  	s16 =	simm.s32 $0x4180  }
0x86: {  	[tilespmem:s16], [sflag:$0x1] =	stream.indirect_vreg.gather [hbm4b:s0+s14], $0x80, v19, vm0, $0xb8;
	[tilespmem:$0x1AD80] =	vst v63  }
0x87: {  	v19 =	vld [tilespmem:$0x2990];
	_ =	sdelay $0x4  }
0x88: {  	v20 =	vperm.xlane v19, v0;
	_ =	sdelay $0x1  }
0x89: {  	v19 =	vperm.xlane v19, v2;
	v20 =	vadd.s32 v1, v20;
	_ =	sdelay $0x1  }
0x8a: {  	v19 =	vadd.s32 v1, v19;
	_ =	sdelay $0x1  }
0x8b: {  	s23 =	simm.s32 $0x5180  }
0x8c: {  	[tilespmem:s23], [sflag:$0x1] =	stream.indirect_vreg.gather [hbm4b:s0+s14], $0x80, v20, vm0, $0xb8;
	[tilespmem:$0x1AD80] =	vst v63  }
0x8d: {  	s24 =	simm.s32 $0x6180  }
0x8e: {  	[tilespmem:s24], [sflag:$0x1] =	stream.indirect_vreg.gather [hbm4b:s0+s14], $0x80, v19, vm0, $0xb8;
	[tilespmem:$0x1AD80] =	vst v63  }
0x8f: {  	v19 =	vld [tilespmem:$0x29A0];
	_ =	sdelay $0x4  }
0x90: {  	v20 =	vperm.xlane v19, v0;
	_ =	sdelay $0x1  }
0x91: {  	v19 =	vperm.xlane v19, v2;
	v20 =	vadd.s32 v1, v20;
	_ =	sdelay $0x1  }
0x92: {  	v19 =	vadd.s32 v1, v19;
	_ =	sdelay $0x1  }
0x93: {  	s25 =	simm.s32 $0x7180  }
0x94: {  	[tilespmem:s25], [sflag:$0x1] =	stream.indirect_vreg.gather [hbm4b:s0+s14], $0x80, v20, vm0, $0xb8;
	[tilespmem:$0x1AD80] =	vst v63  }
0x95: {  	s26 =	simm.s32 $0x8180  }
0x96: {  	[tilespmem:s26], [sflag:$0x1] =	stream.indirect_vreg.gather [hbm4b:s0+s14], $0x80, v19, vm0, $0xb8;
	[tilespmem:$0x1AD80] =	vst v63  }
0x97: {  	v19 =	vld [tilespmem:$0x29B0];
	_ =	sdelay $0x4  }
0x98: {  	v20 =	vperm.xlane v19, v0;
	_ =	sdelay $0x1  }
0x99: {  	v19 =	vperm.xlane v19, v2;
	v20 =	vadd.s32 v1, v20;
	_ =	sdelay $0x1  }
0x9a: {  	v19 =	vadd.s32 v1, v19;
	_ =	sdelay $0x1  }
0x9b: {  	s28 =	simm.s32 $0x9180  }
0x9c: {  	[tilespmem:s28], [sflag:$0x1] =	stream.indirect_vreg.gather [hbm4b:s0+s14], $0x80, v20, vm0, $0xb8;
	[tilespmem:$0x1AD80] =	vst v63  }
0x9d: {  	s3 =	simm.s32 $0xA180  }
0x9e: {  	[tilespmem:s3], [sflag:$0x1] =	stream.indirect_vreg.gather [hbm4b:s0+s14], $0x80, v19, vm0, $0xb8;
	[tilespmem:$0x1AD80] =	vst v63  }
0x9f: {  	v19 =	vld [tilespmem:$0x29C0];
	_ =	sdelay $0x4  }
0xa0: {  	v20 =	vperm.xlane v19, v0;
	_ =	sdelay $0x1  }
0xa1: {  	v19 =	vperm.xlane v19, v2;
	v20 =	vadd.s32 v1, v20;
	_ =	sdelay $0x1  }
0xa2: {  	v19 =	vadd.s32 v1, v19;
	_ =	sdelay $0x1  }
0xa3: {  	s4 =	simm.s32 $0xB180  }
0xa4: {  	[tilespmem:s4], [sflag:$0x1] =	stream.indirect_vreg.gather [hbm4b:s0+s14], $0x80, v20, vm0, $0xb8;
	[tilespmem:$0x1AD80] =	vst v63  }
0xa5: {  	s15 =	simm.s32 $0xC180  }
0xa6: {  	[tilespmem:s15], [sflag:$0x1] =	stream.indirect_vreg.gather [hbm4b:s0+s14], $0x80, v19, vm0, $0xb8;
	[tilespmem:$0x1AD80] =	vst v63  }
0xa7: {  	v19 =	vld [tilespmem:$0x29D0];
	_ =	sdelay $0x4  }
0xa8: {  	v20 =	vperm.xlane v19, v0;
	_ =	sdelay $0x1  }
0xa9: {  	v19 =	vperm.xlane v19, v2;
	v20 =	vadd.s32 v1, v20;
	_ =	sdelay $0x1  }
0xaa: {  	v19 =	vadd.s32 v1, v19;
	_ =	sdelay $0x1  }
0xab: {  	s16 =	simm.s32 $0xD180  }
0xac: {  	[tilespmem:s16], [sflag:$0x1] =	stream.indirect_vreg.gather [hbm4b:s0+s14], $0x80, v20, vm0, $0xb8;
	[tilespmem:$0x1AD80] =	vst v63  }
0xad: {  	s23 =	simm.s32 $0xE180  }
0xae: {  	[tilespmem:s23], [sflag:$0x1] =	stream.indirect_vreg.gather [hbm4b:s0+s14], $0x80, v19, vm0, $0xb8;
	[tilespmem:$0x1AD80] =	vst v63  }
0xaf: {  	v19 =	vld [tilespmem:$0x2A80];
	_ =	sdelay $0x4  }
0xb0: {  	v20 =	vperm.xlane v19, v0;
	_ =	sdelay $0x1  }
0xb1: {  	v19 =	vperm.xlane v19, v2;
	v20 =	vadd.s32 v1, v20;
	_ =	sdelay $0x1  }
0xb2: {  	v19 =	vadd.s32 v1, v19;
	_ =	sdelay $0x1  }
0xb3: {  	s24 =	simm.s32 $0x3980  }
0xb4: {  	[tilespmem:s24], [sflag:$0x1] =	stream.indirect_vreg.gather [hbm4b:s6+s14], $0x80, v20, vm0, $0xb8;
	[tilespmem:$0x1AD80] =	vst v63  }
0xb5: {  	s25 =	simm.s32 $0x4980  }
0xb6: {  	[tilespmem:s25], [sflag:$0x1] =	stream.indirect_vreg.gather [hbm4b:s6+s14], $0x80, v19, vm0, $0xb8;
	[tilespmem:$0x1AD80] =	vst v63  }
0xb7: {  	v19 =	vld [tilespmem:$0x2A90];
	_ =	sdelay $0x4  }
0xb8: {  	v20 =	vperm.xlane v19, v0;
	_ =	sdelay $0x1  }
0xb9: {  	v19 =	vperm.xlane v19, v2;
	v20 =	vadd.s32 v1, v20;
	_ =	sdelay $0x1  }
0xba: {  	v19 =	vadd.s32 v1, v19;
	_ =	sdelay $0x1  }
0xbb: {  	s26 =	simm.s32 $0x5980  }
0xbc: {  	[tilespmem:s26], [sflag:$0x1] =	stream.indirect_vreg.gather [hbm4b:s6+s14], $0x80, v20, vm0, $0xb8;
	[tilespmem:$0x1AD80] =	vst v63  }
0xbd: {  	s28 =	simm.s32 $0x6980  }
0xbe: {  	[tilespmem:s28], [sflag:$0x1] =	stream.indirect_vreg.gather [hbm4b:s6+s14], $0x80, v19, vm0, $0xb8;
	[tilespmem:$0x1AD80] =	vst v63  }
0xbf: {  	v19 =	vld [tilespmem:$0x2AA0];
	_ =	sdelay $0x4  }
0xc0: {  	v20 =	vperm.xlane v19, v0;
	_ =	sdelay $0x1  }
0xc1: {  	v19 =	vperm.xlane v19, v2;
	v20 =	vadd.s32 v1, v20;
	_ =	sdelay $0x1  }
0xc2: {  	v19 =	vadd.s32 v1, v19;
	_ =	sdelay $0x1  }
0xc3: {  	s3 =	simm.s32 $0x7980  }
0xc4: {  	[tilespmem:s3], [sflag:$0x1] =	stream.indirect_vreg.gather [hbm4b:s6+s14], $0x80, v20, vm0, $0xb8;
	[tilespmem:$0x1AD80] =	vst v63  }
0xc5: {  	s4 =	simm.s32 $0x8980  }
0xc6: {  	[tilespmem:s4], [sflag:$0x1] =	stream.indirect_vreg.gather [hbm4b:s6+s14], $0x80, v19, vm0, $0xb8;
	[tilespmem:$0x1AD80] =	vst v63  }
0xc7: {  	v19 =	vld [tilespmem:$0x2AB0];
	_ =	sdelay $0x4  }
0xc8: {  	v20 =	vperm.xlane v19, v0;
	_ =	sdelay $0x1  }
0xc9: {  	v19 =	vperm.xlane v19, v2;
	v20 =	vadd.s32 v1, v20;
	_ =	sdelay $0x1  }
0xca: {  	v19 =	vadd.s32 v1, v19;
	_ =	sdelay $0x1  }
0xcb: {  	s15 =	simm.s32 $0x9980  }
0xcc: {  	[tilespmem:s15], [sflag:$0x1] =	stream.indirect_vreg.gather [hbm4b:s6+s14], $0x80, v20, vm0, $0xb8;
	[tilespmem:$0x1AD80] =	vst v63  }
0xcd: {  	s16 =	simm.s32 $0xA980  }
0xce: {  	[tilespmem:s16], [sflag:$0x1] =	stream.indirect_vreg.gather [hbm4b:s6+s14], $0x80, v19, vm0, $0xb8;
	[tilespmem:$0x1AD80] =	vst v63  }
0xcf: {  	v19 =	vld [tilespmem:$0x2AC0];
	_ =	sdelay $0x4  }
0xd0: {  	v20 =	vperm.xlane v19, v0;
	_ =	sdelay $0x1  }
0xd1: {  	v19 =	vperm.xlane v19, v2;
	v20 =	vadd.s32 v1, v20;
	_ =	sdelay $0x1  }
0xd2: {  	v19 =	vadd.s32 v1, v19;
	_ =	sdelay $0x1  }
0xd3: {  	s23 =	simm.s32 $0xB980  }
0xd4: {  	[tilespmem:s23], [sflag:$0x1] =	stream.indirect_vreg.gather [hbm4b:s6+s14], $0x80, v20, vm0, $0xb8;
	[tilespmem:$0x1AD80] =	vst v63  }
0xd5: {  	s24 =	simm.s32 $0xC980  }
0xd6: {  	[tilespmem:s24], [sflag:$0x1] =	stream.indirect_vreg.gather [hbm4b:s6+s14], $0x80, v19, vm0, $0xb8;
	[tilespmem:$0x1AD80] =	vst v63  }
0xd7: {  	v19 =	vld [tilespmem:$0x2AD0];
	_ =	sdelay $0x4  }
0xd8: {  	v20 =	vperm.xlane v19, v0;
	_ =	sdelay $0x1  }
0xd9: {  	v19 =	vperm.xlane v19, v2;
	v20 =	vadd.s32 v1, v20;
	_ =	sdelay $0x1  }
0xda: {  	s15 =	smul.u32 $0xC0, s13;
	v19 =	vadd.s32 v1, v19  }
0xdb: {  	s28 =	rddreg [dreg:$0x10]  }
0xdc: {  	s25 =	simm.s32 $0xD980;
	s23 =	sadd.s32 s15, s28  }
0xdd: {  	[tilespmem:s25], [sflag:$0x1] =	stream.indirect_vreg.gather [hbm4b:s6+s14], $0x80, v20, vm0, $0xb8;
	[tilespmem:$0x1AD80] =	vst v63  }
0xde: {  	s26 =	simm.s32 $0xE980;
	s16 =	sshrl.u32 s23, $0x3  }
0xdf: {  	[tilespmem:s26], [sflag:$0x1] =	stream.indirect_vreg.gather [hbm4b:s6+s14], $0x80, v19, vm0, $0xb8;
	[tilespmem:$0x1AD80] =	vst v63  }
0xe0: {  	s4 =	smov.u32 s29;
	s24 =	sadd.s32 s29, s16;
	s29 =	simm.s32 $0x2900  }
0xe1: {  	[tilespmem:s29], [sflag:$0x3] =	stream.linear.gather [hbm4b:s24+s14], $0x60, $0x38;
	[tilespmem:$0x1AD80] =	vst v63  }
0xe2: {  	s3 =	sadd.s32 s7, s16;
	s25 =	simm.s32 $0x2A00  }
0xe3: {  	[tilespmem:s25], [sflag:$0x3] =	stream.linear.gather [hbm4b:s3+s14], $0x60, $0x38;
	[tilespmem:$0x1AD80] =	vst v63  }
0xe4: {  	s28 =	simm.s32 $0x2B00;
	s26 =	sadd.s32 s18, s16  }
0xe5: {  	[tilespmem:s28], [sflag:$0x3] =	stream.linear.gather [hbm4b:s26+s14], $0x60, $0x38;
	[tilespmem:$0x1AD80] =	vst v63  }
0xe6: {  	s16 =	sadd.s32 s9, s16;
	s29 =	simm.s32 $0x2C00  }
0xe7: {  	[tilespmem:s29], [sflag:$0x3] =	stream.linear.gather [hbm4b:s16+s14], $0x60, $0x38;
	[tilespmem:$0x1AD80] =	vst v63  }
0xe8: {  	v19 =	vld [tilespmem:$0x2880];
	_ =	sdelay $0x5  }
0xe9: {  	v20 =	vld [tilespmem:$0x2B80]  }
0xea: {  	v21 =	vld [tilespmem:$0x2890]  }
0xeb: {  	v19 =	vld.idx.msk [tilespmem:v19+s14+$0x0], $0xffff;
	_ =	sdelay $0x4  }
0xec: {  	v19 =	vsub.f32 v20, v19;
	_ =	sdelay $0x1  }
0xed: {  	v20 =	vld [tilespmem:$0x2B90];
	[tilespmem:$0x2C80] =	vst v19  }
0xee: {  	v19 =	vld.idx.msk [tilespmem:v21+s14+$0x0], $0xffff  }
0xef: {  	v21 =	vld [tilespmem:$0x28A0];
	_ =	sdelay $0x4  }
0xf0: {  	v19 =	vsub.f32 v20, v19;
	_ =	sdelay $0x1  }
0xf1: {  	v20 =	vld [tilespmem:$0x2BA0];
	[tilespmem:$0x2C90] =	vst v19  }
0xf2: {  	v19 =	vld.idx.msk [tilespmem:v21+s14+$0x0], $0xffff  }
0xf3: {  	v21 =	vld [tilespmem:$0x28B0];
	_ =	sdelay $0x4  }
0xf4: {  	v19 =	vsub.f32 v20, v19;
	_ =	sdelay $0x1  }
0xf5: {  	v20 =	vld [tilespmem:$0x2BB0];
	[tilespmem:$0x2CA0] =	vst v19  }
0xf6: {  	v19 =	vld.idx.msk [tilespmem:v21+s14+$0x0], $0xffff  }
0xf7: {  	v21 =	vld [tilespmem:$0x28C0];
	_ =	sdelay $0x4  }
0xf8: {  	v19 =	vsub.f32 v20, v19;
	_ =	sdelay $0x1  }
0xf9: {  	v20 =	vld [tilespmem:$0x2BC0];
	[tilespmem:$0x2CB0] =	vst v19  }
0xfa: {  	v19 =	vld.idx.msk [tilespmem:v21+s14+$0x0], $0xffff  }
0xfb: {  	v21 =	vld [tilespmem:$0x28D0];
	_ =	sdelay $0x4  }
0xfc: {  	v19 =	vsub.f32 v20, v19;
	_ =	sdelay $0x1  }
0xfd: {  	v20 =	vld [tilespmem:$0x2BD0];
	[tilespmem:$0x2CC0] =	vst v19  }
0xfe: {  	v19 =	vld.idx.msk [tilespmem:v21+s14+$0x0], $0xffff;
	_ =	sdelay $0x2  }
0xff: {  	v21 =	vmov s14;
	_ =	sdelay $0x1  }
0x100: {  	v19 =	vsub.f32 v20, v19;
	_ =	sdelay $0x1  }
0x101: {  	[tilespmem:$0x2CD0] =	vst v19  }
0x102: {  	v19 =	vld.idx.msk [tilespmem:v21+s30+$0x0], $0xffff;
	_ =	sdelay $0x4  }
0x103: {  	v20 =	vmul.f32 v19, v3  }
0x104: {  	v21 =	vmul.f32 v19, v10;
	v22 =	vmul.f32 v19, v4  }
0x105: {  	v23 =	vmul.f32 v19, v5;
	v24 =	vmul.f32 v19, v9  }
0x106: {  	v25 =	vmul.f32 v19, v7;
	v20 =	vadd.f32 v20, v11;
	v21 =	vadd.f32 v21, v18  }
0x107: {  	v27 =	vmul.f32 v19, v6;
	v22 =	vadd.f32 v22, v12;
	v23 =	vadd.f32 v23, v13  }
0x108: {  	v19 =	vmul.f32 v19, v8;
	v24 =	vadd.f32 v24, v17;
	v25 =	vadd.f32 v25, v15  }
0x109: {  	v27 =	vadd.f32 v27, v14;
	v26 =	vadd.f32 $1.258291200e+07, v20  }
0x10a: {  	v29 =	vadd.f32 v19, v16;
	v28 =	vadd.f32 $1.258291200e+07, v23  }
0x10b: {  	v30 =	vadd.f32 $1.258291200e+07, v24;
	v26 =	vadd.f32 $-1.258291200e+07, v26  }
0x10c: {  	v31 =	vadd.f32 $1.258291200e+07, v22;
	v28 =	vadd.f32 $-1.258291200e+07, v28  }
0x10d: {  	v30 =	vadd.f32 $-1.258291200e+07, v30;
	v19 =	vsub.f32 v20, v26  }
0x10e: {  	v23 =	vsub.f32 v23, v28;
	v28 =	vadd.f32 $1.258291200e+07, v27  }
0x10f: {  	v20 =	vadd.f32 $1.258291200e+07, v25;
	v26 =	vadd.f32 $1.258291200e+07, v21;
	v19 =	vmul.f32 v19, v19  }
0x110: {  	v34 =	vmul.f32 v23, v23;
	v23 =	vadd.f32 $1.258291200e+07, v29;
	v28 =	vadd.f32 $-1.258291200e+07, v28  }
0x111: {  	v26 =	vadd.f32 $-1.258291200e+07, v26;
	v35 =	vadd.f32 $-1.258291200e+07, v20  }
0x112: {  	v32 =	vmul.f32 $2.126869580e+01, v19;
	v33 =	vmul.f32 $2.126869580e+01, v34;
	v23 =	vadd.f32 $-1.258291200e+07, v23  }
0x113: {  	v27 =	vsub.f32 v27, v28;
	v21 =	vsub.f32 v21, v26  }
0x114: {  	v32 =	vsub.f32 $5.893072890e+01, v32;
	v20 =	vsub.f32 $5.893072890e+01, v33  }
0x115: {  	v29 =	vsub.f32 v29, v23;
	v23 =	vsub.f32 v24, v30;
	v21 =	vmul.f32 v21, v21  }
0x116: {  	v30 =	vadd.f32 $-1.258291200e+07, v31;
	v28 =	vmul.f32 v32, v19;
	v24 =	vmul.f32 v20, v34  }
0x117: {  	v20 =	vmul.f32 v27, v27;
	v23 =	vmul.f32 v23, v23  }
0x118: {  	v27 =	vsub.f32 v25, v35;
	v25 =	vmul.f32 v29, v29;
	v29 =	vsub.f32 v22, v30  }
0x119: {  	v24 =	vadd.f32 $-8.530666350e+01, v24;
	v31 =	vmul.f32 $2.126869580e+01, v20;
	v30 =	vmul.f32 $2.126869580e+01, v23  }
0x11a: {  	v28 =	vadd.f32 $-8.530666350e+01, v28;
	v61 =	vmul.f32 $2.126869580e+01, v25;
	v22 =	vmul.f32 v27, v27  }
0x11b: {  	v26 =	vmul.f32 v24, v34;
	v31 =	vsub.f32 $5.893072890e+01, v31;
	v30 =	vsub.f32 $5.893072890e+01, v30  }
0x11c: {  	v27 =	vmul.f32 v28, v19;
	v24 =	vmul.f32 v29, v29;
	v28 =	vsub.f32 $5.893072890e+01, v61  }
0x11d: {  	v29 =	vmul.f32 v31, v20;
	v30 =	vmul.f32 v30, v23  }
0x11e: {  	v31 =	vmul.f32 $2.126869580e+01, v24;
	v26 =	vadd.f32 $6.493225860e+01, v26;
	v28 =	vmul.f32 v28, v25  }
0x11f: {  	v62 =	vmul.f32 $2.126869580e+01, v22;
	v29 =	vadd.f32 $-8.530666350e+01, v29;
	v30 =	vadd.f32 $-8.530666350e+01, v30  }
0x120: {  	v31 =	vsub.f32 $5.893072890e+01, v31;
	v26 =	vmul.f32 v26, v34;
	v28 =	vadd.f32 $-8.530666350e+01, v28  }
0x121: {  	v32 =	vsub.f32 $5.893072890e+01, v62;
	v63 =	vmul.f32 v29, v20;
	v29 =	vmul.f32 v30, v23  }
0x122: {  	v30 =	vmul.f32 v31, v24;
	v26 =	vadd.f32 $-1.973911090e+01, v26;
	v31 =	vmul.f32 v28, v25  }
0x123: {  	s24 =	simm.s32 $0x1;
	v33 =	vmul.f32 $2.126869580e+01, v21;
	v32 =	vmul.f32 v32, v22;
	v28 =	vadd.f32 $6.493225860e+01, v63  }
0x124: {  	s25 =	simm.s32 $0x0;
	s26 =	sand.u32 $0xF000, s14;
	s16 =	sand.u32 $0x380, s14;
	v30 =	vadd.f32 $-8.530666350e+01, v30;
	v26 =	vmul.f32 v26, v34;
	v31 =	vadd.f32 $6.493225860e+01, v31  }
.LBB2_3:
0x125: {  	p1 =	sne.s32 s24, $0x5F  }
0x126: {  	v32 =	vadd.f32 $-8.530666350e+01, v32;
	v33 =	vsub.f32 $5.893072890e+01, v33;
	s14 =	sadd.s32 $0x80, s14;
	s25 =	sadd.s32 $0x200, s25;
	s28 =	smov.u32 s24  }
0x127: {  	s24 =	sadd.s32 $0x1, s24;
	v29 =	vadd.f32 $6.493225860e+01, v29;
	s29 =	sand.u32 $0xF000, s25;
	s2 =	sand.u32 $0x380, s14;
	v30 =	vmul.f32 v30, v24;
	v31 =	vmul.f32 v31, v25  }
0x128: {  	v27 =	vadd.f32 $6.493225860e+01, v27;
	v32 =	vmul.f32 v32, v22;
	v33 =	vmul.f32 v33, v21  }
0x129: {  	v29 =	vmul.f32 v29, v23;
	v30 =	vadd.f32 $6.493225860e+01, v30;
	v31 =	vadd.f32 $-1.973911090e+01, v31  }
0x12a: {  	v27 =	vmul.f32 v27, v19;
	v32 =	vadd.f32 $6.493225860e+01, v32;
	v33 =	vadd.f32 $-8.530666350e+01, v33  }
0x12b: {  	v29 =	vadd.f32 $-1.973911090e+01, v29;
	v30 =	vmul.f32 v30, v24;
	v25 =	vmul.f32 v31, v25  }
0x12c: {  	v27 =	vadd.f32 $-1.973911090e+01, v27;
	v31 =	vmul.f32 v32, v22;
	v32 =	vmul.f32 v33, v21  }
0x12d: {  	v23 =	vmul.f32 v29, v23;
	v30 =	vadd.f32 $-1.973911090e+01, v30;
	v25 =	vadd.f32 $1.000000000e+00, v25  }
0x12e: {  	s3 =	sor.u32 s16, s26;
	v28 =	vmul.f32 v28, v20;
	s26 =	smov.u32 s29;
	s16 =	smov.u32 s2;
	v29 =	vadd.f32 $-1.973911090e+01, v31;
	v31 =	vadd.f32 $6.493225860e+01, v32  }
0x12f: {  	v19 =	vmul.f32 v27, v19;
	v23 =	vadd.f32 $1.000000000e+00, v23;
	v24 =	vmul.f32 v30, v24;
	[tilespmem:s3+$0x35D0] =	vst v25  }
0x130: {  	v25 =	vadd.f32 $-1.973911090e+01, v28;
	v22 =	vmul.f32 v29, v22;
	v27 =	vmul.f32 v31, v21  }
0x131: {  	v19 =	vadd.f32 $1.000000000e+00, v19;
	v24 =	vadd.f32 $1.000000000e+00, v24;
	[tilespmem:s3+$0x35E0] =	vst v23  }
0x132: {  	v20 =	vmul.f32 v25, v20;
	v22 =	vadd.f32 $1.000000000e+00, v22;
	v23 =	vadd.f32 $-1.973911090e+01, v27  }
0x133: {  	[tilespmem:s3+$0x3580] =	vst v19;
	v19 =	vadd.f32 $1.000000000e+00, v26  }
0x134: {  	v25 =	vmov s28;
	v20 =	vadd.f32 $1.000000000e+00, v20;
	[tilespmem:s3+$0x35C0] =	vst v22;
	v21 =	vmul.f32 v23, v21  }
0x135: {  	[tilespmem:s3+$0x3590] =	vst v24  }
0x136: {  	[tilespmem:s3+$0x35B0] =	vst v20;
	v20 =	vadd.f32 $1.000000000e+00, v21  }
0x137: {  	[tilespmem:s3+$0x35A0] =	vst v19  }
0x138: {  	[tilespmem:s3+$0x35F0] =	vst v20  }
0x139: {  	v19 =	vld.idx.msk [tilespmem:v25+s30+$0x0], $0xffff;
	_ =	sdelay $0x5  }
0x13a: {  	v20 =	vmul.f32 v19, v3;
	v21 =	vmul.f32 v19, v10  }
0x13b: {  	v22 =	vmul.f32 v19, v4;
	v23 =	vmul.f32 v19, v5  }
0x13c: {  	v24 =	vmul.f32 v19, v9;
	v20 =	vadd.f32 v20, v11;
	v21 =	vadd.f32 v21, v18  }
0x13d: {  	v25 =	vmul.f32 v19, v7;
	v22 =	vadd.f32 v22, v12;
	v23 =	vadd.f32 v23, v13  }
0x13e: {  	v27 =	vmul.f32 v19, v6;
	v24 =	vadd.f32 v24, v17;
	v26 =	vadd.f32 $1.258291200e+07, v20  }
0x13f: {  	v19 =	vmul.f32 v19, v8;
	v25 =	vadd.f32 v25, v15;
	v28 =	vadd.f32 $1.258291200e+07, v23  }
0x140: {  	v27 =	vadd.f32 v27, v14;
	v26 =	vadd.f32 $-1.258291200e+07, v26  }
0x141: {  	v29 =	vadd.f32 v19, v16;
	v28 =	vadd.f32 $-1.258291200e+07, v28  }
0x142: {  	v19 =	vsub.f32 v20, v26;
	v20 =	vadd.f32 $1.258291200e+07, v25  }
0x143: {  	v23 =	vsub.f32 v23, v28;
	v26 =	vadd.f32 $1.258291200e+07, v21  }
0x144: {  	v30 =	vadd.f32 $1.258291200e+07, v24;
	v28 =	vadd.f32 $1.258291200e+07, v27;
	v19 =	vmul.f32 v19, v19  }
0x145: {  	v31 =	vadd.f32 $1.258291200e+07, v22;
	v34 =	vmul.f32 v23, v23;
	v23 =	vadd.f32 $1.258291200e+07, v29  }
0x146: {  	v28 =	vadd.f32 $-1.258291200e+07, v28;
	v26 =	vadd.f32 $-1.258291200e+07, v26;
	v32 =	vmul.f32 $2.126869580e+01, v19  }
0x147: {  	v30 =	vadd.f32 $-1.258291200e+07, v30;
	v33 =	vmul.f32 $2.126869580e+01, v34;
	v23 =	vadd.f32 $-1.258291200e+07, v23  }
0x148: {  	v35 =	vadd.f32 $-1.258291200e+07, v20;
	v32 =	vsub.f32 $5.893072890e+01, v32  }
0x149: {  	v27 =	vsub.f32 v27, v28;
	v20 =	vsub.f32 $5.893072890e+01, v33  }
0x14a: {  	v29 =	vsub.f32 v29, v23;
	v23 =	vsub.f32 v24, v30;
	v28 =	vmul.f32 v32, v19  }
0x14b: {  	v24 =	vmul.f32 v20, v34;
	v20 =	vmul.f32 v27, v27;
	v27 =	vsub.f32 v25, v35  }
0x14c: {  	v30 =	vadd.f32 $-1.258291200e+07, v31;
	v23 =	vmul.f32 v23, v23;
	v28 =	vadd.f32 $-8.530666350e+01, v28  }
0x14d: {  	v25 =	vmul.f32 v29, v29;
	v24 =	vadd.f32 $-8.530666350e+01, v24;
	v31 =	vmul.f32 $2.126869580e+01, v20  }
0x14e: {  	v21 =	vsub.f32 v21, v26;
	v29 =	vsub.f32 v22, v30;
	v30 =	vmul.f32 $2.126869580e+01, v23  }
0x14f: {  	v32 =	vmul.f32 $2.126869580e+01, v25;
	v26 =	vmul.f32 v24, v34;
	v31 =	vsub.f32 $5.893072890e+01, v31  }
0x150: {  	v21 =	vmul.f32 v21, v21;
	v22 =	vmul.f32 v27, v27;
	v30 =	vsub.f32 $5.893072890e+01, v30  }
0x151: {  	v27 =	vmul.f32 v28, v19;
	v24 =	vmul.f32 v29, v29;
	v28 =	vsub.f32 $5.893072890e+01, v32  }
0x152: {  	v29 =	vmul.f32 v31, v20;
	v30 =	vmul.f32 v30, v23  }
0x153: {  	v31 =	vmul.f32 $2.126869580e+01, v24;
	v26 =	vadd.f32 $6.493225860e+01, v26;
	v28 =	vmul.f32 v28, v25  }
0x154: {  	v32 =	vmul.f32 $2.126869580e+01, v22;
	v29 =	vadd.f32 $-8.530666350e+01, v29;
	v30 =	vadd.f32 $-8.530666350e+01, v30  }
.Ltmp0:
0x155: {  	v31 =	vsub.f32 $5.893072890e+01, v31;
	v26 =	vmul.f32 v26, v34;
	v28 =	vadd.f32 $-8.530666350e+01, v28;
	(pc) =	sbr.rel @p1 .LBB2_3-.Ltmp0, $4  }
0x156: {  	v32 =	vsub.f32 $5.893072890e+01, v32;
	v33 =	vmul.f32 v29, v20;
	v29 =	vmul.f32 v30, v23  }
0x157: {  	v30 =	vmul.f32 v31, v24;
	v26 =	vadd.f32 $-1.973911090e+01, v26;
	v31 =	vmul.f32 v28, v25  }
0x158: {  	v32 =	vmul.f32 v32, v22;
	v28 =	vadd.f32 $6.493225860e+01, v33;
	v33 =	vmul.f32 $2.126869580e+01, v21  }
0x159: {  	v30 =	vadd.f32 $-8.530666350e+01, v30;
	v26 =	vmul.f32 v26, v34;
	v31 =	vadd.f32 $6.493225860e+01, v31  }
0x15a: {  	v32 =	vadd.f32 $-8.530666350e+01, v32  }
0x15b: {  	v33 =	vsub.f32 $5.893072890e+01, v33;
	v29 =	vadd.f32 $6.493225860e+01, v29;
	v30 =	vmul.f32 v30, v24  }
0x15c: {  	v27 =	vadd.f32 $6.493225860e+01, v27;
	v31 =	vmul.f32 v31, v25;
	v32 =	vmul.f32 v32, v22  }
0x15d: {  	v33 =	vmul.f32 v33, v21;
	v29 =	vmul.f32 v29, v23;
	v30 =	vadd.f32 $6.493225860e+01, v30  }
0x15e: {  	v27 =	vmul.f32 v27, v19;
	v31 =	vadd.f32 $-1.973911090e+01, v31;
	v32 =	vadd.f32 $6.493225860e+01, v32  }
0x15f: {  	v28 =	vmul.f32 v28, v20;
	v33 =	vadd.f32 $-8.530666350e+01, v33;
	v29 =	vadd.f32 $-1.973911090e+01, v29  }
0x160: {  	v27 =	vadd.f32 $-1.973911090e+01, v27;
	v30 =	vmul.f32 v30, v24;
	v25 =	vmul.f32 v31, v25  }
0x161: {  	v31 =	vmul.f32 v32, v22;
	v58 =	vmul.f32 v33, v21  }
0x162: {  	v23 =	vmul.f32 v29, v23;
	v19 =	vmul.f32 v27, v19;
	v27 =	vadd.f32 $-1.973911090e+01, v28  }
0x163: {  	v29 =	vadd.f32 $-1.973911090e+01, v31;
	v31 =	vadd.f32 $6.493225860e+01, v58  }
0x164: {  	v30 =	vadd.f32 $-1.973911090e+01, v30;
	v23 =	vadd.f32 $1.000000000e+00, v23  }
0x165: {  	s2 =	sor.u32 s16, s26;
	v19 =	vadd.f32 $1.000000000e+00, v19;
	v20 =	vmul.f32 v27, v20;
	v28 =	vmul.f32 v31, v21  }
0x166: {  	v25 =	vadd.f32 $1.000000000e+00, v25;
	v24 =	vmul.f32 v30, v24;
	[tilespmem:s2+$0x35E0] =	vst v23  }
0x167: {  	v22 =	vmul.f32 v29, v22;
	[tilespmem:s2+$0x3580] =	vst v19;
	v19 =	vadd.f32 $1.000000000e+00, v20;
	v23 =	vadd.f32 $-1.973911090e+01, v28  }
0x168: {  	[tilespmem:s2+$0x35D0] =	vst v25;
	v24 =	vadd.f32 $1.000000000e+00, v24  }
0x169: {  	v22 =	vadd.f32 $1.000000000e+00, v22;
	[tilespmem:s2+$0x35B0] =	vst v19;
	v20 =	vmul.f32 v23, v21  }
0x16a: {  	[tilespmem:s2+$0x3590] =	vst v24;
	v21 =	vadd.f32 $1.000000000e+00, v26  }
0x16b: {  	[tilespmem:s2+$0x35C0] =	vst v22;
	v19 =	vadd.f32 $1.000000000e+00, v20  }
0x16c: {  	[tilespmem:s2+$0x35A0] =	vst v21  }
0x16d: {  	[tilespmem:s2+$0x35F0] =	vst v19  }
0x16e: {  	_ =	swait.ge [sflag:s31], $0x3000  }
0x16f: {  	[sflag:s31] =	ssyncset.done $0x0  }
0x170: {  	[sflag:s31] =	ssyncadd.s32 $0xFFFFD000  }
0x171: {  	_ =	swait.ge [sflag:s31], $0x3000  }
0x172: {  	[sflag:s31] =	ssyncset.done $0x0  }
0x173: {  	[sflag:s31] =	ssyncadd.s32 $0xFFFFD000  }
0x174: {  	s25 =	sadd.s32 s11, s15;
	_ =	swait.ge [sflag:s31], $0x3000  }
0x175: {  	s2 =	sshll.u32 s25, $0x6;
	[sflag:s31] =	ssyncset.done $0x0  }
0x176: {  	s2 =	sadd.s32 s19, s2;
	[sflag:s31] =	ssyncadd.s32 $0xFFFFD000  }
0x177: {  	[hbm4b:s2+s10] =	stream.linear.scatter [tilespmem:s1], [sflag:$0x4], $0xC000, $0x38;
	[tilespmem:$0x1AD80] =	vst v63  }
0x178: {  	s2 =	simm.s32 @!p0 $0x5  }
0x179: {  	_ =	swait.ge @!p0 [sflag:s2], $0xC000  }
0x17a: {  	[sflag:s2] =	ssyncset.done @!p0 $0x0  }
0x17b: {  	[sflag:s2] =	ssyncadd.s32 @!p0 $0xFFFF4000  }
0x17c: {  	_ =	swait.ge [sflag:s8], $0x60  }
0x17d: {  	[sflag:s8] =	ssyncset.done $0x0  }
0x17e: {  	[sflag:s8] =	ssyncadd.s32 $0xFFFFFFA0  }
0x17f: {  	_ =	swait.ge [sflag:s8], $0x60  }
0x180: {  	[sflag:s8] =	ssyncset.done $0x0  }
0x181: {  	[sflag:s8] =	ssyncadd.s32 $0xFFFFFFA0  }
0x182: {  	_ =	swait.ge [sflag:s8], $0x60  }
0x183: {  	[sflag:s8] =	ssyncset.done $0x0  }
0x184: {  	[sflag:s8] =	ssyncadd.s32 $0xFFFFFFA0  }
0x185: {  	_ =	swait.ge [sflag:s8], $0x60  }
0x186: {  	[sflag:s8] =	ssyncset.done $0x0  }
0x187: {  	[sflag:s8] =	ssyncadd.s32 $0xFFFFFFA0  }
0x188: {  	v19 =	vld [tilespmem:$0x2900];
	_ =	sdelay $0x4  }
0x189: {  	v20 =	vperm.xlane v19, v0;
	_ =	sdelay $0x1  }
0x18a: {  	v19 =	vperm.xlane v19, v2;
	v20 =	vadd.s32 v1, v20;
	_ =	sdelay $0x1  }
0x18b: {  	v19 =	vadd.s32 v1, v19;
	_ =	sdelay $0x2  }
0x18c: {  	[tilespmem:s12], [sflag:$0x1] =	stream.indirect_vreg.gather [hbm4b:s0+s10], $0x80, v20, vm0, $0xb8;
	[tilespmem:$0x1AD80] =	vst v63  }
0x18d: {  	s26 =	simm.s32 $0xFD80  }
0x18e: {  	[tilespmem:s26], [sflag:$0x1] =	stream.indirect_vreg.gather [hbm4b:s0+s10], $0x80, v19, vm0, $0xb8;
	[tilespmem:$0x1AD80] =	vst v63  }
0x18f: {  	v19 =	vld [tilespmem:$0x2910];
	_ =	sdelay $0x4  }
0x190: {  	v20 =	vperm.xlane v19, v0;
	_ =	sdelay $0x1  }
0x191: {  	v19 =	vperm.xlane v19, v2;
	v20 =	vadd.s32 v1, v20;
	_ =	sdelay $0x1  }
0x192: {  	v19 =	vadd.s32 v1, v19;
	_ =	sdelay $0x1  }
0x193: {  	s28 =	simm.s32 $0x10D80  }
0x194: {  	[tilespmem:s28], [sflag:$0x1] =	stream.indirect_vreg.gather [hbm4b:s0+s10], $0x80, v20, vm0, $0xb8;
	[tilespmem:$0x1AD80] =	vst v63  }
0x195: {  	s3 =	simm.s32 $0x11D80  }
0x196: {  	[tilespmem:s3], [sflag:$0x1] =	stream.indirect_vreg.gather [hbm4b:s0+s10], $0x80, v19, vm0, $0xb8;
	[tilespmem:$0x1AD80] =	vst v63  }
0x197: {  	v19 =	vld [tilespmem:$0x2920];
	_ =	sdelay $0x4  }
0x198: {  	v20 =	vperm.xlane v19, v0;
	_ =	sdelay $0x1  }
0x199: {  	v19 =	vperm.xlane v19, v2;
	v20 =	vadd.s32 v1, v20;
	_ =	sdelay $0x1  }
0x19a: {  	v19 =	vadd.s32 v1, v19;
	_ =	sdelay $0x1  }
0x19b: {  	s14 =	simm.s32 $0x12D80  }
0x19c: {  	[tilespmem:s14], [sflag:$0x1] =	stream.indirect_vreg.gather [hbm4b:s0+s10], $0x80, v20, vm0, $0xb8;
	[tilespmem:$0x1AD80] =	vst v63  }
0x19d: {  	s15 =	simm.s32 $0x13D80  }
0x19e: {  	[tilespmem:s15], [sflag:$0x1] =	stream.indirect_vreg.gather [hbm4b:s0+s10], $0x80, v19, vm0, $0xb8;
	[tilespmem:$0x1AD80] =	vst v63  }
0x19f: {  	v19 =	vld [tilespmem:$0x2930];
	_ =	sdelay $0x4  }
0x1a0: {  	v20 =	vperm.xlane v19, v0;
	_ =	sdelay $0x1  }
0x1a1: {  	v19 =	vperm.xlane v19, v2;
	v20 =	vadd.s32 v1, v20;
	_ =	sdelay $0x1  }
0x1a2: {  	v19 =	vadd.s32 v1, v19;
	_ =	sdelay $0x1  }
0x1a3: {  	s16 =	simm.s32 $0x14D80  }
0x1a4: {  	[tilespmem:s16], [sflag:$0x1] =	stream.indirect_vreg.gather [hbm4b:s0+s10], $0x80, v20, vm0, $0xb8;
	[tilespmem:$0x1AD80] =	vst v63  }
0x1a5: {  	s24 =	simm.s32 $0x15D80  }
0x1a6: {  	[tilespmem:s24], [sflag:$0x1] =	stream.indirect_vreg.gather [hbm4b:s0+s10], $0x80, v19, vm0, $0xb8;
	[tilespmem:$0x1AD80] =	vst v63  }
0x1a7: {  	v19 =	vld [tilespmem:$0x2940];
	_ =	sdelay $0x4  }
0x1a8: {  	v20 =	vperm.xlane v19, v0;
	_ =	sdelay $0x1  }
0x1a9: {  	v19 =	vperm.xlane v19, v2;
	v20 =	vadd.s32 v1, v20;
	_ =	sdelay $0x1  }
0x1aa: {  	v19 =	vadd.s32 v1, v19;
	_ =	sdelay $0x1  }
0x1ab: {  	s25 =	simm.s32 $0x16D80  }
0x1ac: {  	[tilespmem:s25], [sflag:$0x1] =	stream.indirect_vreg.gather [hbm4b:s0+s10], $0x80, v20, vm0, $0xb8;
	[tilespmem:$0x1AD80] =	vst v63  }
0x1ad: {  	s26 =	simm.s32 $0x17D80  }
0x1ae: {  	[tilespmem:s26], [sflag:$0x1] =	stream.indirect_vreg.gather [hbm4b:s0+s10], $0x80, v19, vm0, $0xb8;
	[tilespmem:$0x1AD80] =	vst v63  }
0x1af: {  	v19 =	vld [tilespmem:$0x2950];
	_ =	sdelay $0x4  }
0x1b0: {  	v20 =	vperm.xlane v19, v0;
	_ =	sdelay $0x1  }
0x1b1: {  	v19 =	vperm.xlane v19, v2;
	v20 =	vadd.s32 v1, v20;
	_ =	sdelay $0x1  }
0x1b2: {  	v19 =	vadd.s32 v1, v19;
	_ =	sdelay $0x1  }
0x1b3: {  	s28 =	simm.s32 $0x18D80  }
0x1b4: {  	[tilespmem:s28], [sflag:$0x1] =	stream.indirect_vreg.gather [hbm4b:s0+s10], $0x80, v20, vm0, $0xb8;
	[tilespmem:$0x1AD80] =	vst v63  }
0x1b5: {  	s3 =	simm.s32 $0x19D80  }
0x1b6: {  	[tilespmem:s3], [sflag:$0x1] =	stream.indirect_vreg.gather [hbm4b:s0+s10], $0x80, v19, vm0, $0xb8;
	[tilespmem:$0x1AD80] =	vst v63  }
0x1b7: {  	v19 =	vld [tilespmem:$0x2A00];
	_ =	sdelay $0x4  }
0x1b8: {  	v20 =	vperm.xlane v19, v0;
	_ =	sdelay $0x1  }
0x1b9: {  	v19 =	vperm.xlane v19, v2;
	v20 =	vadd.s32 v1, v20;
	_ =	sdelay $0x1  }
0x1ba: {  	v19 =	vadd.s32 v1, v19;
	_ =	sdelay $0x1  }
0x1bb: {  	s14 =	simm.s32 $0xF180  }
0x1bc: {  	[tilespmem:s14], [sflag:$0x1] =	stream.indirect_vreg.gather [hbm4b:s0+s10], $0x80, v20, vm0, $0xb8;
	[tilespmem:$0x1AD80] =	vst v63  }
0x1bd: {  	s15 =	simm.s32 $0x10180  }
0x1be: {  	[tilespmem:s15], [sflag:$0x1] =	stream.indirect_vreg.gather [hbm4b:s0+s10], $0x80, v19, vm0, $0xb8;
	[tilespmem:$0x1AD80] =	vst v63  }
0x1bf: {  	v19 =	vld [tilespmem:$0x2A10];
	_ =	sdelay $0x4  }
0x1c0: {  	v20 =	vperm.xlane v19, v0;
	_ =	sdelay $0x1  }
0x1c1: {  	v19 =	vperm.xlane v19, v2;
	v20 =	vadd.s32 v1, v20;
	_ =	sdelay $0x1  }
0x1c2: {  	v19 =	vadd.s32 v1, v19;
	_ =	sdelay $0x1  }
0x1c3: {  	s16 =	simm.s32 $0x11180  }
0x1c4: {  	[tilespmem:s16], [sflag:$0x1] =	stream.indirect_vreg.gather [hbm4b:s0+s10], $0x80, v20, vm0, $0xb8;
	[tilespmem:$0x1AD80] =	vst v63  }
0x1c5: {  	s24 =	simm.s32 $0x12180  }
0x1c6: {  	[tilespmem:s24], [sflag:$0x1] =	stream.indirect_vreg.gather [hbm4b:s0+s10], $0x80, v19, vm0, $0xb8;
	[tilespmem:$0x1AD80] =	vst v63  }
0x1c7: {  	v19 =	vld [tilespmem:$0x2A20];
	_ =	sdelay $0x4  }
0x1c8: {  	v20 =	vperm.xlane v19, v0;
	_ =	sdelay $0x1  }
0x1c9: {  	v19 =	vperm.xlane v19, v2;
	v20 =	vadd.s32 v1, v20;
	_ =	sdelay $0x1  }
0x1ca: {  	v19 =	vadd.s32 v1, v19;
	_ =	sdelay $0x1  }
0x1cb: {  	s25 =	simm.s32 $0x13180  }
0x1cc: {  	[tilespmem:s25], [sflag:$0x1] =	stream.indirect_vreg.gather [hbm4b:s0+s10], $0x80, v20, vm0, $0xb8;
	[tilespmem:$0x1AD80] =	vst v63  }
0x1cd: {  	s26 =	simm.s32 $0x14180  }
0x1ce: {  	[tilespmem:s26], [sflag:$0x1] =	stream.indirect_vreg.gather [hbm4b:s0+s10], $0x80, v19, vm0, $0xb8;
	[tilespmem:$0x1AD80] =	vst v63  }
0x1cf: {  	v19 =	vld [tilespmem:$0x2A30];
	_ =	sdelay $0x4  }
0x1d0: {  	v20 =	vperm.xlane v19, v0;
	_ =	sdelay $0x1  }
0x1d1: {  	v19 =	vperm.xlane v19, v2;
	v20 =	vadd.s32 v1, v20;
	_ =	sdelay $0x1  }
0x1d2: {  	v19 =	vadd.s32 v1, v19;
	_ =	sdelay $0x1  }
0x1d3: {  	s28 =	simm.s32 $0x15180  }
0x1d4: {  	[tilespmem:s28], [sflag:$0x1] =	stream.indirect_vreg.gather [hbm4b:s0+s10], $0x80, v20, vm0, $0xb8;
	[tilespmem:$0x1AD80] =	vst v63  }
0x1d5: {  	s3 =	simm.s32 $0x16180  }
0x1d6: {  	[tilespmem:s3], [sflag:$0x1] =	stream.indirect_vreg.gather [hbm4b:s0+s10], $0x80, v19, vm0, $0xb8;
	[tilespmem:$0x1AD80] =	vst v63  }
0x1d7: {  	v19 =	vld [tilespmem:$0x2A40];
	_ =	sdelay $0x4  }
0x1d8: {  	v20 =	vperm.xlane v19, v0;
	_ =	sdelay $0x1  }
0x1d9: {  	v19 =	vperm.xlane v19, v2;
	v20 =	vadd.s32 v1, v20;
	_ =	sdelay $0x1  }
0x1da: {  	v19 =	vadd.s32 v1, v19;
	_ =	sdelay $0x1  }
0x1db: {  	s14 =	simm.s32 $0x17180  }
0x1dc: {  	[tilespmem:s14], [sflag:$0x1] =	stream.indirect_vreg.gather [hbm4b:s0+s10], $0x80, v20, vm0, $0xb8;
	[tilespmem:$0x1AD80] =	vst v63  }
0x1dd: {  	s15 =	simm.s32 $0x18180  }
0x1de: {  	[tilespmem:s15], [sflag:$0x1] =	stream.indirect_vreg.gather [hbm4b:s0+s10], $0x80, v19, vm0, $0xb8;
	[tilespmem:$0x1AD80] =	vst v63  }
0x1df: {  	v19 =	vld [tilespmem:$0x2A50];
	_ =	sdelay $0x4  }
0x1e0: {  	v20 =	vperm.xlane v19, v0;
	_ =	sdelay $0x1  }
0x1e1: {  	v19 =	vperm.xlane v19, v2;
	v20 =	vadd.s32 v1, v20;
	_ =	sdelay $0x1  }
0x1e2: {  	v19 =	vadd.s32 v1, v19;
	_ =	sdelay $0x1  }
0x1e3: {  	s16 =	simm.s32 $0x19180  }
0x1e4: {  	[tilespmem:s16], [sflag:$0x1] =	stream.indirect_vreg.gather [hbm4b:s0+s10], $0x80, v20, vm0, $0xb8;
	[tilespmem:$0x1AD80] =	vst v63  }
0x1e5: {  	s24 =	simm.s32 $0x1A180  }
0x1e6: {  	[tilespmem:s24], [sflag:$0x1] =	stream.indirect_vreg.gather [hbm4b:s0+s10], $0x80, v19, vm0, $0xb8;
	[tilespmem:$0x1AD80] =	vst v63  }
0x1e7: {  	v19 =	vld [tilespmem:$0x2B00];
	_ =	sdelay $0x4  }
0x1e8: {  	v20 =	vperm.xlane v19, v0;
	_ =	sdelay $0x1  }
0x1e9: {  	v19 =	vperm.xlane v19, v2;
	v20 =	vadd.s32 v1, v20;
	_ =	sdelay $0x1  }
0x1ea: {  	v19 =	vadd.s32 v1, v19;
	_ =	sdelay $0x1  }
0x1eb: {  	s25 =	simm.s32 $0xF980  }
0x1ec: {  	[tilespmem:s25], [sflag:$0x1] =	stream.indirect_vreg.gather [hbm4b:s6+s10], $0x80, v20, vm0, $0xb8;
	[tilespmem:$0x1AD80] =	vst v63  }
0x1ed: {  	s26 =	simm.s32 $0x10980  }
0x1ee: {  	[tilespmem:s26], [sflag:$0x1] =	stream.indirect_vreg.gather [hbm4b:s6+s10], $0x80, v19, vm0, $0xb8;
	[tilespmem:$0x1AD80] =	vst v63  }
0x1ef: {  	v19 =	vld [tilespmem:$0x2B10];
	_ =	sdelay $0x4  }
0x1f0: {  	v20 =	vperm.xlane v19, v0;
	_ =	sdelay $0x1  }
0x1f1: {  	v19 =	vperm.xlane v19, v2;
	v20 =	vadd.s32 v1, v20;
	_ =	sdelay $0x1  }
0x1f2: {  	v19 =	vadd.s32 v1, v19;
	_ =	sdelay $0x1  }
0x1f3: {  	s28 =	simm.s32 $0x11980  }
0x1f4: {  	[tilespmem:s28], [sflag:$0x1] =	stream.indirect_vreg.gather [hbm4b:s6+s10], $0x80, v20, vm0, $0xb8;
	[tilespmem:$0x1AD80] =	vst v63  }
0x1f5: {  	s3 =	simm.s32 $0x12980  }
0x1f6: {  	[tilespmem:s3], [sflag:$0x1] =	stream.indirect_vreg.gather [hbm4b:s6+s10], $0x80, v19, vm0, $0xb8;
	[tilespmem:$0x1AD80] =	vst v63  }
0x1f7: {  	v19 =	vld [tilespmem:$0x2B20];
	_ =	sdelay $0x4  }
0x1f8: {  	v20 =	vperm.xlane v19, v0;
	_ =	sdelay $0x1  }
0x1f9: {  	v19 =	vperm.xlane v19, v2;
	v20 =	vadd.s32 v1, v20;
	_ =	sdelay $0x1  }
0x1fa: {  	v19 =	vadd.s32 v1, v19;
	_ =	sdelay $0x1  }
0x1fb: {  	s14 =	simm.s32 $0x13980  }
0x1fc: {  	[tilespmem:s14], [sflag:$0x1] =	stream.indirect_vreg.gather [hbm4b:s6+s10], $0x80, v20, vm0, $0xb8;
	[tilespmem:$0x1AD80] =	vst v63  }
0x1fd: {  	s15 =	simm.s32 $0x14980  }
0x1fe: {  	[tilespmem:s15], [sflag:$0x1] =	stream.indirect_vreg.gather [hbm4b:s6+s10], $0x80, v19, vm0, $0xb8;
	[tilespmem:$0x1AD80] =	vst v63  }
0x1ff: {  	v19 =	vld [tilespmem:$0x2B30];
	_ =	sdelay $0x4  }
0x200: {  	v20 =	vperm.xlane v19, v0;
	_ =	sdelay $0x1  }
0x201: {  	v19 =	vperm.xlane v19, v2;
	v20 =	vadd.s32 v1, v20;
	_ =	sdelay $0x1  }
0x202: {  	v19 =	vadd.s32 v1, v19;
	_ =	sdelay $0x1  }
0x203: {  	s16 =	simm.s32 $0x15980  }
0x204: {  	[tilespmem:s16], [sflag:$0x1] =	stream.indirect_vreg.gather [hbm4b:s6+s10], $0x80, v20, vm0, $0xb8;
	[tilespmem:$0x1AD80] =	vst v63  }
0x205: {  	s24 =	simm.s32 $0x16980  }
0x206: {  	[tilespmem:s24], [sflag:$0x1] =	stream.indirect_vreg.gather [hbm4b:s6+s10], $0x80, v19, vm0, $0xb8;
	[tilespmem:$0x1AD80] =	vst v63  }
0x207: {  	v19 =	vld [tilespmem:$0x2B40];
	_ =	sdelay $0x4  }
0x208: {  	v20 =	vperm.xlane v19, v0;
	_ =	sdelay $0x1  }
0x209: {  	v19 =	vperm.xlane v19, v2;
	v20 =	vadd.s32 v1, v20;
	_ =	sdelay $0x1  }
0x20a: {  	v19 =	vadd.s32 v1, v19;
	_ =	sdelay $0x1  }
0x20b: {  	s25 =	simm.s32 $0x17980  }
0x20c: {  	[tilespmem:s25], [sflag:$0x1] =	stream.indirect_vreg.gather [hbm4b:s6+s10], $0x80, v20, vm0, $0xb8;
	[tilespmem:$0x1AD80] =	vst v63  }
0x20d: {  	s26 =	simm.s32 $0x18980  }
0x20e: {  	[tilespmem:s26], [sflag:$0x1] =	stream.indirect_vreg.gather [hbm4b:s6+s10], $0x80, v19, vm0, $0xb8;
	[tilespmem:$0x1AD80] =	vst v63  }
0x20f: {  	v19 =	vld [tilespmem:$0x2B50];
	_ =	sdelay $0x4  }
0x210: {  	v20 =	vperm.xlane v19, v0;
	_ =	sdelay $0x1  }
0x211: {  	v19 =	vperm.xlane v19, v2;
	v20 =	vadd.s32 v1, v20;
	_ =	sdelay $0x1  }
0x212: {  	v19 =	vadd.s32 v1, v19  }
0x213: {  	s28 =	sshll.u32 s13, $0x1  }
0x214: {  	p0 =	seq.s32 s13, $0x33;
	s2 =	sadd.s32 $0x2, s28;
	s3 =	simm.s32 $0x19980  }
0x215: {  	[tilespmem:s3], [sflag:$0x1] =	stream.indirect_vreg.gather [hbm4b:s6+s10], $0x80, v20, vm0, $0xb8;
	[tilespmem:$0x1AD80] =	vst v63  }
0x216: {  	s14 =	simm.s32 $0x1A980;
	s3 =	smul.u32 @!p0 $0x60, s2  }
0x217: {  	[tilespmem:s14], [sflag:$0x1] =	stream.indirect_vreg.gather [hbm4b:s6+s10], $0x80, v19, vm0, $0xb8;
	[tilespmem:$0x1AD80] =	vst v63  }
0x218: {  	s3 =	sadd.s32 @!p0 s11, s3  }
0x219: {  	s3 =	sshrl.u32 @!p0 s3, $0x3  }
0x21a: {  	s15 =	simm.s32 @!p0 $0x0;
	s16 =	simm.s32 @!p0 $0x2880;
	s14 =	sadd.s32 @!p0 s4, s3  }
0x21b: {  	[tilespmem:s16], [sflag:$0x2] =	stream.linear.gather @!p0 [hbm4b:s14+s15], $0x60, $0x38;
	[tilespmem:$0x1AD80] =	vst v63  }
0x21c: {  	s14 =	sadd.s32 @!p0 s7, s3;
	s16 =	simm.s32 @!p0 $0x2980  }
0x21d: {  	[tilespmem:s16], [sflag:$0x2] =	stream.linear.gather @!p0 [hbm4b:s14+s15], $0x60, $0x38;
	[tilespmem:$0x1AD80] =	vst v63  }
0x21e: {  	s14 =	sadd.s32 @!p0 s18, s3;
	s16 =	simm.s32 @!p0 $0x2A80  }
0x21f: {  	[tilespmem:s16], [sflag:$0x2] =	stream.linear.gather @!p0 [hbm4b:s14+s15], $0x60, $0x38;
	[tilespmem:$0x1AD80] =	vst v63  }
0x220: {  	s3 =	sadd.s32 @!p0 s9, s3;
	s14 =	simm.s32 @!p0 $0x2B80  }
0x221: {  	[tilespmem:s14], [sflag:$0x2] =	stream.linear.gather @!p0 [hbm4b:s3+s15], $0x60, $0x38;
	[tilespmem:$0x1AD80] =	vst v63  }
0x222: {  	s29 =	smov.u32 s4;
	p0 =	sne.s32 s2, $0x68  }
0x223: {  	s4 =	rddreg [dreg:$0x11];
	s2 =	simm.s32 @!p0 $0x0;
	s3 =	simm.s32 @!p0 $0x2880  }
0x224: {  	[tilespmem:s3], [sflag:$0x2] =	stream.linear.gather @!p0 [hbm4b:s4+s2], $0x10, $0x38;
	[tilespmem:$0x1AD80] =	vst v63  }
0x225: {  	s3 =	simm.s32 @!p0 $0x2980  }
0x226: {  	[tilespmem:s3], [sflag:$0x2] =	stream.linear.gather @!p0 [hbm4b:s20+s2], $0x10, $0x38;
	[tilespmem:$0x1AD80] =	vst v63  }
0x227: {  	s3 =	simm.s32 @!p0 $0x2A80  }
0x228: {  	[tilespmem:s3], [sflag:$0x2] =	stream.linear.gather @!p0 [hbm4b:s21+s2], $0x10, $0x38;
	[tilespmem:$0x1AD80] =	vst v63  }
0x229: {  	s3 =	simm.s32 @!p0 $0x2B80  }
0x22a: {  	[tilespmem:s3], [sflag:$0x2] =	stream.linear.gather @!p0 [hbm4b:s22+s2], $0x10, $0x38;
	[tilespmem:$0x1AD80] =	vst v63  }
0x22b: {  	v19 =	vld [tilespmem:$0x2900];
	_ =	sdelay $0x5  }
0x22c: {  	v20 =	vld [tilespmem:$0x2C00]  }
0x22d: {  	s14 =	simm.s32 $0x0;
	v21 =	vld [tilespmem:$0x2910]  }
0x22e: {  	v19 =	vld.idx.msk [tilespmem:v19+s14+$0x0], $0xffff;
	_ =	sdelay $0x4  }
0x22f: {  	v19 =	vsub.f32 v20, v19;
	_ =	sdelay $0x1  }
0x230: {  	v20 =	vld [tilespmem:$0x2C10];
	[tilespmem:$0x2D00] =	vst v19  }
0x231: {  	v19 =	vld.idx.msk [tilespmem:v21+s14+$0x0], $0xffff  }
0x232: {  	v21 =	vld [tilespmem:$0x2920];
	_ =	sdelay $0x4  }
0x233: {  	v19 =	vsub.f32 v20, v19;
	_ =	sdelay $0x1  }
0x234: {  	v20 =	vld [tilespmem:$0x2C20];
	[tilespmem:$0x2D10] =	vst v19  }
0x235: {  	v19 =	vld.idx.msk [tilespmem:v21+s14+$0x0], $0xffff  }
0x236: {  	v21 =	vld [tilespmem:$0x2930];
	_ =	sdelay $0x4  }
0x237: {  	v19 =	vsub.f32 v20, v19;
	_ =	sdelay $0x1  }
0x238: {  	v20 =	vld [tilespmem:$0x2C30];
	[tilespmem:$0x2D20] =	vst v19  }
0x239: {  	v19 =	vld.idx.msk [tilespmem:v21+s14+$0x0], $0xffff  }
0x23a: {  	v21 =	vld [tilespmem:$0x2940];
	_ =	sdelay $0x4  }
0x23b: {  	v19 =	vsub.f32 v20, v19;
	_ =	sdelay $0x1  }
0x23c: {  	v20 =	vld [tilespmem:$0x2C40];
	[tilespmem:$0x2D30] =	vst v19  }
0x23d: {  	v19 =	vld.idx.msk [tilespmem:v21+s14+$0x0], $0xffff  }
0x23e: {  	v21 =	vld [tilespmem:$0x2950];
	_ =	sdelay $0x4  }
0x23f: {  	v19 =	vsub.f32 v20, v19;
	_ =	sdelay $0x1  }
0x240: {  	v20 =	vld [tilespmem:$0x2C50];
	[tilespmem:$0x2D40] =	vst v19  }
0x241: {  	v19 =	vld.idx.msk [tilespmem:v21+s14+$0x0], $0xffff;
	_ =	sdelay $0x2  }
0x242: {  	v21 =	vmov s14;
	_ =	sdelay $0x1  }
0x243: {  	v19 =	vsub.f32 v20, v19;
	_ =	sdelay $0x1  }
0x244: {  	[tilespmem:$0x2D50] =	vst v19  }
0x245: {  	v19 =	vld.idx.msk [tilespmem:v21+s17+$0x0], $0xffff;
	_ =	sdelay $0x4  }
0x246: {  	v20 =	vmul.f32 v19, v3  }
0x247: {  	v21 =	vmul.f32 v19, v10;
	v22 =	vmul.f32 v19, v4  }
0x248: {  	v23 =	vmul.f32 v19, v5;
	v24 =	vmul.f32 v19, v9  }
0x249: {  	v25 =	vmul.f32 v19, v7;
	v20 =	vadd.f32 v20, v11;
	v21 =	vadd.f32 v21, v18  }
0x24a: {  	v27 =	vmul.f32 v19, v6;
	v22 =	vadd.f32 v22, v12;
	v23 =	vadd.f32 v23, v13  }
0x24b: {  	v19 =	vmul.f32 v19, v8;
	v24 =	vadd.f32 v24, v17;
	v25 =	vadd.f32 v25, v15  }
0x24c: {  	v27 =	vadd.f32 v27, v14;
	v26 =	vadd.f32 $1.258291200e+07, v20  }
0x24d: {  	v29 =	vadd.f32 v19, v16;
	v28 =	vadd.f32 $1.258291200e+07, v23  }
0x24e: {  	v30 =	vadd.f32 $1.258291200e+07, v24;
	v26 =	vadd.f32 $-1.258291200e+07, v26  }
0x24f: {  	v31 =	vadd.f32 $1.258291200e+07, v22;
	v28 =	vadd.f32 $-1.258291200e+07, v28  }
0x250: {  	v30 =	vadd.f32 $-1.258291200e+07, v30;
	v19 =	vsub.f32 v20, v26  }
0x251: {  	v23 =	vsub.f32 v23, v28;
	v28 =	vadd.f32 $1.258291200e+07, v27  }
0x252: {  	v20 =	vadd.f32 $1.258291200e+07, v25;
	v26 =	vadd.f32 $1.258291200e+07, v21;
	v19 =	vmul.f32 v19, v19  }
0x253: {  	v34 =	vmul.f32 v23, v23;
	v23 =	vadd.f32 $1.258291200e+07, v29;
	v28 =	vadd.f32 $-1.258291200e+07, v28  }
0x254: {  	v26 =	vadd.f32 $-1.258291200e+07, v26;
	v35 =	vadd.f32 $-1.258291200e+07, v20  }
0x255: {  	v59 =	vmul.f32 $2.126869580e+01, v19;
	v60 =	vmul.f32 $2.126869580e+01, v34;
	v23 =	vadd.f32 $-1.258291200e+07, v23  }
0x256: {  	v27 =	vsub.f32 v27, v28;
	v21 =	vsub.f32 v21, v26  }
0x257: {  	v32 =	vsub.f32 $5.893072890e+01, v59;
	v20 =	vsub.f32 $5.893072890e+01, v60  }
0x258: {  	v29 =	vsub.f32 v29, v23;
	v23 =	vsub.f32 v24, v30;
	v21 =	vmul.f32 v21, v21  }
0x259: {  	v30 =	vadd.f32 $-1.258291200e+07, v31;
	v28 =	vmul.f32 v32, v19;
	v24 =	vmul.f32 v20, v34  }
0x25a: {  	v20 =	vmul.f32 v27, v27;
	v23 =	vmul.f32 v23, v23  }
0x25b: {  	v27 =	vsub.f32 v25, v35;
	v25 =	vmul.f32 v29, v29;
	v29 =	vsub.f32 v22, v30  }
0x25c: {  	v24 =	vadd.f32 $-8.530666350e+01, v24;
	v31 =	vmul.f32 $2.126869580e+01, v20;
	v30 =	vmul.f32 $2.126869580e+01, v23  }
0x25d: {  	v28 =	vadd.f32 $-8.530666350e+01, v28;
	v61 =	vmul.f32 $2.126869580e+01, v25;
	v22 =	vmul.f32 v27, v27  }
0x25e: {  	v26 =	vmul.f32 v24, v34;
	v31 =	vsub.f32 $5.893072890e+01, v31;
	v30 =	vsub.f32 $5.893072890e+01, v30  }
0x25f: {  	v27 =	vmul.f32 v28, v19;
	v24 =	vmul.f32 v29, v29;
	v28 =	vsub.f32 $5.893072890e+01, v61  }
0x260: {  	v29 =	vmul.f32 v31, v20;
	v30 =	vmul.f32 v30, v23  }
0x261: {  	v31 =	vmul.f32 $2.126869580e+01, v24;
	v26 =	vadd.f32 $6.493225860e+01, v26;
	v28 =	vmul.f32 v28, v25  }
0x262: {  	v62 =	vmul.f32 $2.126869580e+01, v22;
	v29 =	vadd.f32 $-8.530666350e+01, v29;
	v30 =	vadd.f32 $-8.530666350e+01, v30  }
0x263: {  	v31 =	vsub.f32 $5.893072890e+01, v31;
	v26 =	vmul.f32 v26, v34;
	v28 =	vadd.f32 $-8.530666350e+01, v28  }
0x264: {  	v32 =	vsub.f32 $5.893072890e+01, v62;
	v63 =	vmul.f32 v29, v20;
	v29 =	vmul.f32 v30, v23  }
0x265: {  	v30 =	vmul.f32 v31, v24;
	v26 =	vadd.f32 $-1.973911090e+01, v26;
	v31 =	vmul.f32 v28, v25  }
0x266: {  	s24 =	simm.s32 $0x1;
	v33 =	vmul.f32 $2.126869580e+01, v21;
	v32 =	vmul.f32 v32, v22;
	v28 =	vadd.f32 $6.493225860e+01, v63  }
0x267: {  	s25 =	simm.s32 $0x0;
	s15 =	sand.u32 $0xF000, s14;
	s16 =	sand.u32 $0x380, s14;
	v30 =	vadd.f32 $-8.530666350e+01, v30;
	v26 =	vmul.f32 v26, v34;
	v31 =	vadd.f32 $6.493225860e+01, v31  }
.LBB2_5:
0x268: {  	p0 =	sne.s32 s24, $0x5F  }
0x269: {  	v32 =	vadd.f32 $-8.530666350e+01, v32;
	v33 =	vsub.f32 $5.893072890e+01, v33;
	s14 =	sadd.s32 $0x80, s14;
	s25 =	sadd.s32 $0x200, s25;
	s2 =	smov.u32 s24  }
0x26a: {  	s24 =	sadd.s32 $0x1, s24;
	v29 =	vadd.f32 $6.493225860e+01, v29;
	s3 =	sand.u32 $0xF000, s25;
	s26 =	sand.u32 $0x380, s14;
	v30 =	vmul.f32 v30, v24;
	v31 =	vmul.f32 v31, v25  }
0x26b: {  	v27 =	vadd.f32 $6.493225860e+01, v27;
	v32 =	vmul.f32 v32, v22;
	v33 =	vmul.f32 v33, v21  }
0x26c: {  	v29 =	vmul.f32 v29, v23;
	v30 =	vadd.f32 $6.493225860e+01, v30;
	v31 =	vadd.f32 $-1.973911090e+01, v31  }
0x26d: {  	v27 =	vmul.f32 v27, v19;
	v32 =	vadd.f32 $6.493225860e+01, v32;
	v33 =	vadd.f32 $-8.530666350e+01, v33  }
0x26e: {  	v29 =	vadd.f32 $-1.973911090e+01, v29;
	v30 =	vmul.f32 v30, v24;
	v25 =	vmul.f32 v31, v25  }
0x26f: {  	v27 =	vadd.f32 $-1.973911090e+01, v27;
	v31 =	vmul.f32 v32, v22;
	v32 =	vmul.f32 v33, v21  }
0x270: {  	v23 =	vmul.f32 v29, v23;
	v30 =	vadd.f32 $-1.973911090e+01, v30;
	v25 =	vadd.f32 $1.000000000e+00, v25  }
0x271: {  	s28 =	sor.u32 s16, s15;
	v28 =	vmul.f32 v28, v20;
	s15 =	smov.u32 s3;
	s16 =	smov.u32 s26;
	v29 =	vadd.f32 $-1.973911090e+01, v31;
	v31 =	vadd.f32 $6.493225860e+01, v32  }
0x272: {  	v19 =	vmul.f32 v27, v19;
	v23 =	vadd.f32 $1.000000000e+00, v23;
	v24 =	vmul.f32 v30, v24;
	[tilespmem:s28+$0xF5D0] =	vst v25  }
0x273: {  	v25 =	vadd.f32 $-1.973911090e+01, v28;
	v22 =	vmul.f32 v29, v22;
	v27 =	vmul.f32 v31, v21  }
0x274: {  	v19 =	vadd.f32 $1.000000000e+00, v19;
	v24 =	vadd.f32 $1.000000000e+00, v24;
	[tilespmem:s28+$0xF5E0] =	vst v23  }
0x275: {  	v20 =	vmul.f32 v25, v20;
	v22 =	vadd.f32 $1.000000000e+00, v22;
	v23 =	vadd.f32 $-1.973911090e+01, v27  }
0x276: {  	[tilespmem:s28+$0xF580] =	vst v19;
	v19 =	vadd.f32 $1.000000000e+00, v26  }
0x277: {  	v25 =	vmov s2;
	v20 =	vadd.f32 $1.000000000e+00, v20;
	[tilespmem:s28+$0xF5C0] =	vst v22;
	v21 =	vmul.f32 v23, v21  }
0x278: {  	[tilespmem:s28+$0xF590] =	vst v24  }
0x279: {  	[tilespmem:s28+$0xF5B0] =	vst v20;
	v20 =	vadd.f32 $1.000000000e+00, v21  }
0x27a: {  	[tilespmem:s28+$0xF5A0] =	vst v19  }
0x27b: {  	[tilespmem:s28+$0xF5F0] =	vst v20  }
0x27c: {  	v19 =	vld.idx.msk [tilespmem:v25+s17+$0x0], $0xffff;
	_ =	sdelay $0x5  }
0x27d: {  	v20 =	vmul.f32 v19, v3;
	v21 =	vmul.f32 v19, v10  }
0x27e: {  	v22 =	vmul.f32 v19, v4;
	v23 =	vmul.f32 v19, v5  }
0x27f: {  	v24 =	vmul.f32 v19, v9;
	v20 =	vadd.f32 v20, v11;
	v21 =	vadd.f32 v21, v18  }
0x280: {  	v25 =	vmul.f32 v19, v7;
	v22 =	vadd.f32 v22, v12;
	v23 =	vadd.f32 v23, v13  }
0x281: {  	v27 =	vmul.f32 v19, v6;
	v24 =	vadd.f32 v24, v17;
	v26 =	vadd.f32 $1.258291200e+07, v20  }
0x282: {  	v19 =	vmul.f32 v19, v8;
	v25 =	vadd.f32 v25, v15;
	v28 =	vadd.f32 $1.258291200e+07, v23  }
0x283: {  	v27 =	vadd.f32 v27, v14;
	v26 =	vadd.f32 $-1.258291200e+07, v26  }
0x284: {  	v29 =	vadd.f32 v19, v16;
	v28 =	vadd.f32 $-1.258291200e+07, v28  }
0x285: {  	v19 =	vsub.f32 v20, v26;
	v20 =	vadd.f32 $1.258291200e+07, v25  }
0x286: {  	v23 =	vsub.f32 v23, v28;
	v26 =	vadd.f32 $1.258291200e+07, v21  }
0x287: {  	v30 =	vadd.f32 $1.258291200e+07, v24;
	v28 =	vadd.f32 $1.258291200e+07, v27;
	v19 =	vmul.f32 v19, v19  }
0x288: {  	v31 =	vadd.f32 $1.258291200e+07, v22;
	v34 =	vmul.f32 v23, v23;
	v23 =	vadd.f32 $1.258291200e+07, v29  }
0x289: {  	v28 =	vadd.f32 $-1.258291200e+07, v28;
	v26 =	vadd.f32 $-1.258291200e+07, v26;
	v32 =	vmul.f32 $2.126869580e+01, v19  }
0x28a: {  	v30 =	vadd.f32 $-1.258291200e+07, v30;
	v33 =	vmul.f32 $2.126869580e+01, v34;
	v23 =	vadd.f32 $-1.258291200e+07, v23  }
0x28b: {  	v35 =	vadd.f32 $-1.258291200e+07, v20;
	v32 =	vsub.f32 $5.893072890e+01, v32  }
0x28c: {  	v27 =	vsub.f32 v27, v28;
	v20 =	vsub.f32 $5.893072890e+01, v33  }
0x28d: {  	v29 =	vsub.f32 v29, v23;
	v23 =	vsub.f32 v24, v30;
	v28 =	vmul.f32 v32, v19  }
0x28e: {  	v24 =	vmul.f32 v20, v34;
	v20 =	vmul.f32 v27, v27;
	v27 =	vsub.f32 v25, v35  }
0x28f: {  	v30 =	vadd.f32 $-1.258291200e+07, v31;
	v23 =	vmul.f32 v23, v23;
	v28 =	vadd.f32 $-8.530666350e+01, v28  }
0x290: {  	v25 =	vmul.f32 v29, v29;
	v24 =	vadd.f32 $-8.530666350e+01, v24;
	v31 =	vmul.f32 $2.126869580e+01, v20  }
0x291: {  	v21 =	vsub.f32 v21, v26;
	v29 =	vsub.f32 v22, v30;
	v30 =	vmul.f32 $2.126869580e+01, v23  }
0x292: {  	v32 =	vmul.f32 $2.126869580e+01, v25;
	v26 =	vmul.f32 v24, v34;
	v31 =	vsub.f32 $5.893072890e+01, v31  }
0x293: {  	v21 =	vmul.f32 v21, v21;
	v22 =	vmul.f32 v27, v27;
	v30 =	vsub.f32 $5.893072890e+01, v30  }
0x294: {  	v27 =	vmul.f32 v28, v19;
	v24 =	vmul.f32 v29, v29;
	v28 =	vsub.f32 $5.893072890e+01, v32  }
0x295: {  	v29 =	vmul.f32 v31, v20;
	v30 =	vmul.f32 v30, v23  }
0x296: {  	v31 =	vmul.f32 $2.126869580e+01, v24;
	v26 =	vadd.f32 $6.493225860e+01, v26;
	v28 =	vmul.f32 v28, v25  }
0x297: {  	v32 =	vmul.f32 $2.126869580e+01, v22;
	v29 =	vadd.f32 $-8.530666350e+01, v29;
	v30 =	vadd.f32 $-8.530666350e+01, v30  }
.Ltmp1:
0x298: {  	v31 =	vsub.f32 $5.893072890e+01, v31;
	v26 =	vmul.f32 v26, v34;
	v28 =	vadd.f32 $-8.530666350e+01, v28;
	(pc) =	sbr.rel @p0 .LBB2_5-.Ltmp1, $4  }
0x299: {  	v32 =	vsub.f32 $5.893072890e+01, v32;
	v33 =	vmul.f32 v29, v20;
	v29 =	vmul.f32 v30, v23  }
0x29a: {  	v30 =	vmul.f32 v31, v24;
	v26 =	vadd.f32 $-1.973911090e+01, v26;
	v31 =	vmul.f32 v28, v25  }
0x29b: {  	v32 =	vmul.f32 v32, v22;
	v28 =	vadd.f32 $6.493225860e+01, v33;
	v33 =	vmul.f32 $2.126869580e+01, v21  }
0x29c: {  	v30 =	vadd.f32 $-8.530666350e+01, v30;
	v26 =	vmul.f32 v26, v34;
	v31 =	vadd.f32 $6.493225860e+01, v31  }
0x29d: {  	v33 =	vsub.f32 $5.893072890e+01, v33  }
0x29e: {  	v32 =	vadd.f32 $-8.530666350e+01, v32  }
0x29f: {  	v29 =	vadd.f32 $6.493225860e+01, v29;
	v28 =	vmul.f32 v28, v20;
	v33 =	vmul.f32 v33, v21  }
0x2a0: {  	v27 =	vadd.f32 $6.493225860e+01, v27;
	v30 =	vmul.f32 v30, v24;
	v31 =	vmul.f32 v31, v25  }
0x2a1: {  	v63 =	vadd.f32 $1.000000000e+00, v26;
	v32 =	vmul.f32 v32, v22;
	v33 =	vadd.f32 $-8.530666350e+01, v33  }
0x2a2: {  	v29 =	vmul.f32 v29, v23;
	v27 =	vmul.f32 v27, v19;
	v30 =	vadd.f32 $6.493225860e+01, v30  }
0x2a3: {  	v31 =	vadd.f32 $-1.973911090e+01, v31;
	v32 =	vadd.f32 $6.493225860e+01, v32;
	v54 =	vmul.f32 v33, v21  }
0x2a4: {  	v29 =	vadd.f32 $-1.973911090e+01, v29;
	v27 =	vadd.f32 $-1.973911090e+01, v27;
	v30 =	vmul.f32 v30, v24  }
0x2a5: {  	v52 =	vmul.f32 v31, v25;
	v53 =	vmul.f32 v32, v22;
	v57 =	vadd.f32 $6.493225860e+01, v54  }
0x2a6: {  	v58 =	vadd.f32 $-1.973911090e+01, v28;
	v55 =	vmul.f32 v29, v23;
	v19 =	vmul.f32 v27, v19  }
0x2a7: {  	s2 =	sor.u32 s16, s15;
	v30 =	vadd.f32 $-1.973911090e+01, v30;
	v25 =	vadd.f32 $1.000000000e+00, v52;
	v60 =	vmul.f32 v57, v21  }
0x2a8: {  	[tilespmem:s2+$0xF5A0] =	vst v63;
	v20 =	vmul.f32 v58, v20;
	v56 =	vadd.f32 $-1.973911090e+01, v53;
	v19 =	vadd.f32 $1.000000000e+00, v19  }
0x2a9: {  	v23 =	vadd.f32 $1.000000000e+00, v55;
	v61 =	vmul.f32 v30, v24;
	[tilespmem:s2+$0xF5D0] =	vst v25;
	v62 =	vadd.f32 $-1.973911090e+01, v60  }
0x2aa: {  	v59 =	vmul.f32 v56, v22;
	[tilespmem:s2+$0xF580] =	vst v19;
	v19 =	vadd.f32 $1.000000000e+00, v20  }
0x2ab: {  	[tilespmem:s2+$0xF5E0] =	vst v23;
	v24 =	vadd.f32 $1.000000000e+00, v61;
	v20 =	vmul.f32 v62, v21  }
0x2ac: {  	v22 =	vadd.f32 $1.000000000e+00, v59;
	[tilespmem:s2+$0xF5B0] =	vst v19  }
0x2ad: {  	[tilespmem:s2+$0xF590] =	vst v24;
	v19 =	vadd.f32 $1.000000000e+00, v20  }
0x2ae: {  	[tilespmem:s2+$0xF5C0] =	vst v22  }
0x2af: {  	[tilespmem:s2+$0xF5F0] =	vst v19  }
0x2b0: {  	_ =	swait.ge [sflag:s31], $0x3000  }
0x2b1: {  	[sflag:s31] =	ssyncset.done $0x0  }
0x2b2: {  	[sflag:s31] =	ssyncadd.s32 $0xFFFFD000  }
0x2b3: {  	s13 =	sadd.s32 $0x1, s13;
	_ =	swait.ge [sflag:s31], $0x3000  }
0x2b4: {  	p0 =	sne.s32 s13, $0x34;
	[sflag:s31] =	ssyncset.done $0x0  }
.Ltmp2:
0x2b5: {  	[sflag:s31] =	ssyncadd.s32 $0xFFFFD000;
	(pc) =	sbr.rel @p0 .LBB2_2-.Ltmp2, $4  }
0x2b6: {  	_ =	swait.ge [sflag:s31], $0x3000  }
0x2b7: {  	s28 =	sshll.u32 s23, $0x6;
	[sflag:s31] =	ssyncset.done $0x0  }
0x2b8: {  	s2 =	sadd.s32 s19, s28;
	[sflag:s31] =	ssyncadd.s32 $0xFFFFD000  }
0x2b9: {  	[hbm4b:s2+s10] =	stream.linear.scatter [tilespmem:s12], [sflag:$0x5], $0xC000, $0x38;
	[tilespmem:$0x1AD80] =	vst v63  }
0x2ba: {  	s4 =	simm.s32 $0x4  }
0x2bb: {  	_ =	swait.ge [sflag:s4], $0xC000  }
0x2bc: {  	[sflag:s4] =	ssyncset.done $0x0  }
0x2bd: {  	[sflag:s4] =	ssyncadd.s32 $0xFFFF4000  }
0x2be: {  	_ =	swait.ge [sflag:s5], $0x10  }
0x2bf: {  	[sflag:s5] =	ssyncset.done $0x0  }
0x2c0: {  	[sflag:s5] =	ssyncadd.s32 $0xFFFFFFF0  }
0x2c1: {  	_ =	swait.ge [sflag:s5], $0x10  }
0x2c2: {  	[sflag:s5] =	ssyncset.done $0x0  }
0x2c3: {  	[sflag:s5] =	ssyncadd.s32 $0xFFFFFFF0  }
0x2c4: {  	_ =	swait.ge [sflag:s5], $0x10  }
0x2c5: {  	[sflag:s5] =	ssyncset.done $0x0  }
0x2c6: {  	[sflag:s5] =	ssyncadd.s32 $0xFFFFFFF0  }
0x2c7: {  	_ =	swait.ge [sflag:s5], $0x10  }
0x2c8: {  	[sflag:s5] =	ssyncset.done $0x0  }
0x2c9: {  	[sflag:s5] =	ssyncadd.s32 $0xFFFFFFF0  }
0x2ca: {  	v19 =	vld [tilespmem:$0x2880];
	_ =	sdelay $0x4  }
0x2cb: {  	v20 =	vperm.xlane v19, v0;
	_ =	sdelay $0x1  }
0x2cc: {  	v19 =	vperm.xlane v19, v2;
	v20 =	vadd.s32 v1, v20;
	_ =	sdelay $0x1  }
0x2cd: {  	v19 =	vadd.s32 v1, v19;
	_ =	sdelay $0x1  }
0x2ce: {  	s13 =	simm.s32 $0x0  }
0x2cf: {  	[tilespmem:s1], [sflag:$0x1] =	stream.indirect_vreg.gather [hbm4b:s0+s13], $0x80, v20, vm0, $0xb8;
	[tilespmem:$0x1AD80] =	vst v63  }
0x2d0: {  	s2 =	simm.s32 $0x3D80  }
0x2d1: {  	[tilespmem:s2], [sflag:$0x1] =	stream.indirect_vreg.gather [hbm4b:s0+s13], $0x80, v19, vm0, $0xb8;
	[tilespmem:$0x1AD80] =	vst v63  }
0x2d2: {  	v19 =	vld [tilespmem:$0x2980];
	_ =	sdelay $0x4  }
0x2d3: {  	v20 =	vperm.xlane v19, v0;
	_ =	sdelay $0x1  }
0x2d4: {  	v19 =	vperm.xlane v19, v2;
	v20 =	vadd.s32 v1, v20;
	_ =	sdelay $0x1  }
0x2d5: {  	v19 =	vadd.s32 v1, v19;
	_ =	sdelay $0x1  }
0x2d6: {  	s24 =	simm.s32 $0x3180  }
0x2d7: {  	[tilespmem:s24], [sflag:$0x1] =	stream.indirect_vreg.gather [hbm4b:s0+s13], $0x80, v20, vm0, $0xb8;
	[tilespmem:$0x1AD80] =	vst v63  }
0x2d8: {  	s25 =	simm.s32 $0x4180  }
0x2d9: {  	[tilespmem:s25], [sflag:$0x1] =	stream.indirect_vreg.gather [hbm4b:s0+s13], $0x80, v19, vm0, $0xb8;
	[tilespmem:$0x1AD80] =	vst v63  }
0x2da: {  	v19 =	vld [tilespmem:$0x2A80];
	_ =	sdelay $0x4  }
0x2db: {  	v20 =	vperm.xlane v19, v0;
	_ =	sdelay $0x1  }
0x2dc: {  	v19 =	vperm.xlane v19, v2;
	v20 =	vadd.s32 v1, v20;
	_ =	sdelay $0x1  }
0x2dd: {  	v19 =	vadd.s32 v1, v19;
	_ =	sdelay $0x1  }
0x2de: {  	s26 =	simm.s32 $0x3980  }
0x2df: {  	[tilespmem:s26], [sflag:$0x1] =	stream.indirect_vreg.gather [hbm4b:s6+s13], $0x80, v20, vm0, $0xb8;
	[tilespmem:$0x1AD80] =	vst v63  }
0x2e0: {  	s28 =	simm.s32 $0x4980  }
0x2e1: {  	[tilespmem:s28], [sflag:$0x1] =	stream.indirect_vreg.gather [hbm4b:s6+s13], $0x80, v19, vm0, $0xb8;
	[tilespmem:$0x1AD80] =	vst v63  }
0x2e2: {  	v19 =	vld [tilespmem:$0x2880];
	_ =	sdelay $0x6  }
0x2e3: {  	v20 =	vld [tilespmem:$0x2B80]  }
0x2e4: {  	v19 =	vld.idx.msk [tilespmem:v19+s13+$0x0], $0xffff;
	_ =	sdelay $0x2  }
0x2e5: {  	v21 =	vmov s13;
	_ =	sdelay $0x1  }
0x2e6: {  	v19 =	vsub.f32 v20, v19;
	_ =	sdelay $0x1  }
0x2e7: {  	[tilespmem:$0x2C80] =	vst v19  }
0x2e8: {  	v19 =	vld.idx.msk [tilespmem:v21+s30+$0x0], $0xffff;
	_ =	sdelay $0x4  }
0x2e9: {  	v20 =	vmul.f32 v19, v3  }
0x2ea: {  	v21 =	vmul.f32 v19, v10;
	v22 =	vmul.f32 v19, v4  }
0x2eb: {  	v23 =	vmul.f32 v19, v5;
	v24 =	vmul.f32 v19, v9  }
0x2ec: {  	v25 =	vmul.f32 v19, v7;
	v20 =	vadd.f32 v20, v11;
	v21 =	vadd.f32 v21, v18  }
0x2ed: {  	v27 =	vmul.f32 v19, v6;
	v22 =	vadd.f32 v22, v12;
	v23 =	vadd.f32 v23, v13  }
0x2ee: {  	v19 =	vmul.f32 v19, v8;
	v24 =	vadd.f32 v24, v17;
	v25 =	vadd.f32 v25, v15  }
0x2ef: {  	v27 =	vadd.f32 v27, v14;
	v26 =	vadd.f32 $1.258291200e+07, v20  }
0x2f0: {  	v29 =	vadd.f32 v19, v16;
	v28 =	vadd.f32 $1.258291200e+07, v23  }
0x2f1: {  	v30 =	vadd.f32 $1.258291200e+07, v24;
	v26 =	vadd.f32 $-1.258291200e+07, v26  }
0x2f2: {  	v31 =	vadd.f32 $1.258291200e+07, v22;
	v28 =	vadd.f32 $-1.258291200e+07, v28  }
0x2f3: {  	v30 =	vadd.f32 $-1.258291200e+07, v30;
	v19 =	vsub.f32 v20, v26  }
0x2f4: {  	v23 =	vsub.f32 v23, v28;
	v28 =	vadd.f32 $1.258291200e+07, v27  }
0x2f5: {  	v20 =	vadd.f32 $1.258291200e+07, v25;
	v26 =	vadd.f32 $1.258291200e+07, v21;
	v19 =	vmul.f32 v19, v19  }
0x2f6: {  	v34 =	vmul.f32 v23, v23;
	v23 =	vadd.f32 $1.258291200e+07, v29;
	v28 =	vadd.f32 $-1.258291200e+07, v28  }
0x2f7: {  	v26 =	vadd.f32 $-1.258291200e+07, v26;
	v35 =	vadd.f32 $-1.258291200e+07, v20  }
0x2f8: {  	v32 =	vmul.f32 $2.126869580e+01, v19;
	v33 =	vmul.f32 $2.126869580e+01, v34;
	v23 =	vadd.f32 $-1.258291200e+07, v23  }
0x2f9: {  	v27 =	vsub.f32 v27, v28;
	v21 =	vsub.f32 v21, v26  }
0x2fa: {  	v32 =	vsub.f32 $5.893072890e+01, v32;
	v20 =	vsub.f32 $5.893072890e+01, v33  }
0x2fb: {  	v29 =	vsub.f32 v29, v23;
	v23 =	vsub.f32 v24, v30;
	v21 =	vmul.f32 v21, v21  }
0x2fc: {  	v30 =	vadd.f32 $-1.258291200e+07, v31;
	v28 =	vmul.f32 v32, v19;
	v24 =	vmul.f32 v20, v34  }
0x2fd: {  	v20 =	vmul.f32 v27, v27;
	v23 =	vmul.f32 v23, v23  }
0x2fe: {  	v27 =	vsub.f32 v25, v35;
	v25 =	vmul.f32 v29, v29;
	v29 =	vsub.f32 v22, v30  }
0x2ff: {  	v24 =	vadd.f32 $-8.530666350e+01, v24;
	v31 =	vmul.f32 $2.126869580e+01, v20;
	v30 =	vmul.f32 $2.126869580e+01, v23  }
0x300: {  	v28 =	vadd.f32 $-8.530666350e+01, v28;
	v61 =	vmul.f32 $2.126869580e+01, v25;
	v22 =	vmul.f32 v27, v27  }
0x301: {  	v26 =	vmul.f32 v24, v34;
	v31 =	vsub.f32 $5.893072890e+01, v31;
	v30 =	vsub.f32 $5.893072890e+01, v30  }
0x302: {  	v27 =	vmul.f32 v28, v19;
	v24 =	vmul.f32 v29, v29;
	v28 =	vsub.f32 $5.893072890e+01, v61  }
0x303: {  	v29 =	vmul.f32 v31, v20;
	v30 =	vmul.f32 v30, v23  }
0x304: {  	v31 =	vmul.f32 $2.126869580e+01, v24;
	v26 =	vadd.f32 $6.493225860e+01, v26;
	v28 =	vmul.f32 v28, v25  }
0x305: {  	v62 =	vmul.f32 $2.126869580e+01, v22;
	v29 =	vadd.f32 $-8.530666350e+01, v29;
	v30 =	vadd.f32 $-8.530666350e+01, v30  }
0x306: {  	v31 =	vsub.f32 $5.893072890e+01, v31;
	v26 =	vmul.f32 v26, v34;
	v28 =	vadd.f32 $-8.530666350e+01, v28  }
0x307: {  	v32 =	vsub.f32 $5.893072890e+01, v62;
	v63 =	vmul.f32 v29, v20;
	v29 =	vmul.f32 v30, v23  }
0x308: {  	v30 =	vmul.f32 v31, v24;
	v26 =	vadd.f32 $-1.973911090e+01, v26;
	v31 =	vmul.f32 v28, v25  }
0x309: {  	s16 =	simm.s32 $0x1;
	v33 =	vmul.f32 $2.126869580e+01, v21;
	v32 =	vmul.f32 v32, v22;
	v28 =	vadd.f32 $6.493225860e+01, v63  }
0x30a: {  	s23 =	simm.s32 $0x0;
	s14 =	sand.u32 $0x1000, s13;
	s15 =	sand.u32 $0x380, s13;
	v30 =	vadd.f32 $-8.530666350e+01, v30;
	v26 =	vmul.f32 v26, v34;
	v31 =	vadd.f32 $6.493225860e+01, v31  }
.LBB2_8:
0x30b: {  	p0 =	sne.s32 s16, $0xF  }
0x30c: {  	v32 =	vadd.f32 $-8.530666350e+01, v32;
	v33 =	vsub.f32 $5.893072890e+01, v33;
	s13 =	sadd.s32 $0x80, s13;
	s23 =	sadd.s32 $0x200, s23;
	s2 =	smov.u32 s16  }
0x30d: {  	s16 =	sadd.s32 $0x1, s16;
	v29 =	vadd.f32 $6.493225860e+01, v29;
	s3 =	sand.u32 $0x1000, s23;
	s24 =	sand.u32 $0x380, s13;
	v30 =	vmul.f32 v30, v24;
	v31 =	vmul.f32 v31, v25  }
0x30e: {  	v27 =	vadd.f32 $6.493225860e+01, v27;
	v32 =	vmul.f32 v32, v22;
	v33 =	vmul.f32 v33, v21  }
0x30f: {  	v29 =	vmul.f32 v29, v23;
	v30 =	vadd.f32 $6.493225860e+01, v30;
	v31 =	vadd.f32 $-1.973911090e+01, v31  }
0x310: {  	v27 =	vmul.f32 v27, v19;
	v32 =	vadd.f32 $6.493225860e+01, v32;
	v33 =	vadd.f32 $-8.530666350e+01, v33  }
0x311: {  	v29 =	vadd.f32 $-1.973911090e+01, v29;
	v30 =	vmul.f32 v30, v24;
	v25 =	vmul.f32 v31, v25  }
0x312: {  	v27 =	vadd.f32 $-1.973911090e+01, v27;
	v31 =	vmul.f32 v32, v22;
	v32 =	vmul.f32 v33, v21  }
0x313: {  	v23 =	vmul.f32 v29, v23;
	v30 =	vadd.f32 $-1.973911090e+01, v30;
	v25 =	vadd.f32 $1.000000000e+00, v25  }
0x314: {  	s25 =	sor.u32 s15, s14;
	v28 =	vmul.f32 v28, v20;
	s14 =	smov.u32 s3;
	s15 =	smov.u32 s24;
	v29 =	vadd.f32 $-1.973911090e+01, v31;
	v31 =	vadd.f32 $6.493225860e+01, v32  }
0x315: {  	v19 =	vmul.f32 v27, v19;
	v23 =	vadd.f32 $1.000000000e+00, v23;
	v24 =	vmul.f32 v30, v24;
	[tilespmem:s25+$0x35D0] =	vst v25  }
0x316: {  	v25 =	vadd.f32 $-1.973911090e+01, v28;
	v22 =	vmul.f32 v29, v22;
	v27 =	vmul.f32 v31, v21  }
0x317: {  	v19 =	vadd.f32 $1.000000000e+00, v19;
	v24 =	vadd.f32 $1.000000000e+00, v24;
	[tilespmem:s25+$0x35E0] =	vst v23  }
0x318: {  	v20 =	vmul.f32 v25, v20;
	v22 =	vadd.f32 $1.000000000e+00, v22;
	v23 =	vadd.f32 $-1.973911090e+01, v27  }
0x319: {  	[tilespmem:s25+$0x3580] =	vst v19;
	v19 =	vadd.f32 $1.000000000e+00, v26  }
0x31a: {  	v25 =	vmov s2;
	v20 =	vadd.f32 $1.000000000e+00, v20;
	[tilespmem:s25+$0x35C0] =	vst v22;
	v21 =	vmul.f32 v23, v21  }
0x31b: {  	[tilespmem:s25+$0x3590] =	vst v24  }
0x31c: {  	[tilespmem:s25+$0x35B0] =	vst v20;
	v20 =	vadd.f32 $1.000000000e+00, v21  }
0x31d: {  	[tilespmem:s25+$0x35A0] =	vst v19  }
0x31e: {  	[tilespmem:s25+$0x35F0] =	vst v20  }
0x31f: {  	v19 =	vld.idx.msk [tilespmem:v25+s30+$0x0], $0xffff;
	_ =	sdelay $0x5  }
0x320: {  	v20 =	vmul.f32 v19, v3;
	v21 =	vmul.f32 v19, v10  }
0x321: {  	v22 =	vmul.f32 v19, v4;
	v23 =	vmul.f32 v19, v5  }
0x322: {  	v24 =	vmul.f32 v19, v9;
	v20 =	vadd.f32 v20, v11;
	v21 =	vadd.f32 v21, v18  }
0x323: {  	v25 =	vmul.f32 v19, v7;
	v22 =	vadd.f32 v22, v12;
	v23 =	vadd.f32 v23, v13  }
0x324: {  	v27 =	vmul.f32 v19, v6;
	v24 =	vadd.f32 v24, v17;
	v26 =	vadd.f32 $1.258291200e+07, v20  }
0x325: {  	v19 =	vmul.f32 v19, v8;
	v25 =	vadd.f32 v25, v15;
	v28 =	vadd.f32 $1.258291200e+07, v23  }
0x326: {  	v27 =	vadd.f32 v27, v14;
	v26 =	vadd.f32 $-1.258291200e+07, v26  }
0x327: {  	v29 =	vadd.f32 v19, v16;
	v28 =	vadd.f32 $-1.258291200e+07, v28  }
0x328: {  	v19 =	vsub.f32 v20, v26;
	v20 =	vadd.f32 $1.258291200e+07, v25  }
0x329: {  	v23 =	vsub.f32 v23, v28;
	v26 =	vadd.f32 $1.258291200e+07, v21  }
0x32a: {  	v30 =	vadd.f32 $1.258291200e+07, v24;
	v28 =	vadd.f32 $1.258291200e+07, v27;
	v19 =	vmul.f32 v19, v19  }
0x32b: {  	v31 =	vadd.f32 $1.258291200e+07, v22;
	v34 =	vmul.f32 v23, v23;
	v23 =	vadd.f32 $1.258291200e+07, v29  }
0x32c: {  	v28 =	vadd.f32 $-1.258291200e+07, v28;
	v26 =	vadd.f32 $-1.258291200e+07, v26;
	v32 =	vmul.f32 $2.126869580e+01, v19  }
0x32d: {  	v30 =	vadd.f32 $-1.258291200e+07, v30;
	v33 =	vmul.f32 $2.126869580e+01, v34;
	v23 =	vadd.f32 $-1.258291200e+07, v23  }
0x32e: {  	v35 =	vadd.f32 $-1.258291200e+07, v20;
	v32 =	vsub.f32 $5.893072890e+01, v32  }
0x32f: {  	v27 =	vsub.f32 v27, v28;
	v20 =	vsub.f32 $5.893072890e+01, v33  }
0x330: {  	v29 =	vsub.f32 v29, v23;
	v23 =	vsub.f32 v24, v30;
	v28 =	vmul.f32 v32, v19  }
0x331: {  	v24 =	vmul.f32 v20, v34;
	v20 =	vmul.f32 v27, v27;
	v27 =	vsub.f32 v25, v35  }
0x332: {  	v30 =	vadd.f32 $-1.258291200e+07, v31;
	v23 =	vmul.f32 v23, v23;
	v28 =	vadd.f32 $-8.530666350e+01, v28  }
0x333: {  	v25 =	vmul.f32 v29, v29;
	v24 =	vadd.f32 $-8.530666350e+01, v24;
	v31 =	vmul.f32 $2.126869580e+01, v20  }
0x334: {  	v21 =	vsub.f32 v21, v26;
	v29 =	vsub.f32 v22, v30;
	v30 =	vmul.f32 $2.126869580e+01, v23  }
0x335: {  	v32 =	vmul.f32 $2.126869580e+01, v25;
	v26 =	vmul.f32 v24, v34;
	v31 =	vsub.f32 $5.893072890e+01, v31  }
0x336: {  	v21 =	vmul.f32 v21, v21;
	v22 =	vmul.f32 v27, v27;
	v30 =	vsub.f32 $5.893072890e+01, v30  }
0x337: {  	v27 =	vmul.f32 v28, v19;
	v24 =	vmul.f32 v29, v29;
	v28 =	vsub.f32 $5.893072890e+01, v32  }
0x338: {  	v29 =	vmul.f32 v31, v20;
	v30 =	vmul.f32 v30, v23  }
0x339: {  	v31 =	vmul.f32 $2.126869580e+01, v24;
	v26 =	vadd.f32 $6.493225860e+01, v26;
	v28 =	vmul.f32 v28, v25  }
0x33a: {  	v32 =	vmul.f32 $2.126869580e+01, v22;
	v29 =	vadd.f32 $-8.530666350e+01, v29;
	v30 =	vadd.f32 $-8.530666350e+01, v30  }
.Ltmp3:
0x33b: {  	v31 =	vsub.f32 $5.893072890e+01, v31;
	v26 =	vmul.f32 v26, v34;
	v28 =	vadd.f32 $-8.530666350e+01, v28;
	(pc) =	sbr.rel @p0 .LBB2_8-.Ltmp3, $4  }
0x33c: {  	v32 =	vsub.f32 $5.893072890e+01, v32;
	v33 =	vmul.f32 v29, v20;
	v29 =	vmul.f32 v30, v23  }
0x33d: {  	v30 =	vmul.f32 v31, v24;
	v26 =	vadd.f32 $-1.973911090e+01, v26;
	v31 =	vmul.f32 v28, v25  }
0x33e: {  	v32 =	vmul.f32 v32, v22;
	v28 =	vadd.f32 $6.493225860e+01, v33;
	v33 =	vmul.f32 $2.126869580e+01, v21  }
0x33f: {  	v30 =	vadd.f32 $-8.530666350e+01, v30;
	v26 =	vmul.f32 v26, v34;
	v31 =	vadd.f32 $6.493225860e+01, v31  }
0x340: {  	v3 =	vadd.f32 $-8.530666350e+01, v32;
	v4 =	vsub.f32 $5.893072890e+01, v33;
	_ =	sdelay $0x1  }
0x341: {  	v7 =	vadd.f32 $6.493225860e+01, v29;
	v3 =	vmul.f32 v3, v22;
	v4 =	vmul.f32 v4, v21  }
0x342: {  	v8 =	vadd.f32 $6.493225860e+01, v27;
	v9 =	vmul.f32 v28, v20;
	v5 =	vmul.f32 v30, v24  }
0x343: {  	v6 =	vmul.f32 v31, v25;
	v3 =	vadd.f32 $6.493225860e+01, v3;
	v4 =	vadd.f32 $-8.530666350e+01, v4  }
0x344: {  	v63 =	vadd.f32 $1.000000000e+00, v26;
	v7 =	vmul.f32 v7, v23;
	v9 =	vadd.f32 $-1.973911090e+01, v9  }
0x345: {  	v5 =	vadd.f32 $6.493225860e+01, v5;
	v3 =	vmul.f32 v3, v22;
	v4 =	vmul.f32 v4, v21  }
0x346: {  	v8 =	vmul.f32 v8, v19;
	v6 =	vadd.f32 $-1.973911090e+01, v6;
	v7 =	vadd.f32 $-1.973911090e+01, v7  }
0x347: {  	v61 =	vmul.f32 v9, v20;
	v3 =	vadd.f32 $-1.973911090e+01, v3;
	v4 =	vadd.f32 $6.493225860e+01, v4  }
0x348: {  	v8 =	vadd.f32 $-1.973911090e+01, v8;
	v5 =	vmul.f32 v5, v24;
	v6 =	vmul.f32 v6, v25  }
0x349: {  	s2 =	sor.u32 s15, s14;
	v62 =	vadd.f32 $1.000000000e+00, v61;
	v3 =	vmul.f32 v3, v22;
	v4 =	vmul.f32 v4, v21  }
0x34a: {  	[tilespmem:s2+$0x35A0] =	vst v63;
	v7 =	vmul.f32 v7, v23;
	v5 =	vadd.f32 $-1.973911090e+01, v5;
	v6 =	vadd.f32 $1.000000000e+00, v6  }
0x34b: {  	v8 =	vmul.f32 v8, v19;
	[tilespmem:s2+$0x35B0] =	vst v62;
	v3 =	vadd.f32 $1.000000000e+00, v3;
	v4 =	vadd.f32 $-1.973911090e+01, v4  }
0x34c: {  	v7 =	vadd.f32 $1.000000000e+00, v7;
	v5 =	vmul.f32 v5, v24;
	[tilespmem:s2+$0x35D0] =	vst v6  }
0x34d: {  	v60 =	vadd.f32 $1.000000000e+00, v8;
	[tilespmem:s2+$0x35C0] =	vst v3;
	v3 =	vmul.f32 v4, v21  }
0x34e: {  	[tilespmem:s2+$0x35E0] =	vst v7;
	v5 =	vadd.f32 $1.000000000e+00, v5  }
0x34f: {  	[tilespmem:s2+$0x3580] =	vst v60;
	v3 =	vadd.f32 $1.000000000e+00, v3  }
0x350: {  	[tilespmem:s2+$0x3590] =	vst v5  }
0x351: {  	[tilespmem:s2+$0x35F0] =	vst v3  }
0x352: {  	_ =	swait.ge [sflag:s31], $0x800  }
0x353: {  	[sflag:s31] =	ssyncset.done $0x0  }
0x354: {  	[sflag:s31] =	ssyncadd.s32 $0xFFFFF800  }
0x355: {  	_ =	swait.ge [sflag:s31], $0x800  }
0x356: {  	[sflag:s31] =	ssyncset.done $0x0  }
0x357: {  	[sflag:s31] =	ssyncadd.s32 $0xFFFFF800  }
0x358: {  	_ =	swait.ge [sflag:s31], $0x800  }
0x359: {  	[sflag:s31] =	ssyncset.done $0x0  }
0x35a: {  	s26 =	simm.s32 $0x5;
	s25 =	rddreg [dreg:$0x12];
	[sflag:s31] =	ssyncadd.s32 $0xFFFFF800  }
0x35b: {  	[hbm4b:s25+s10] =	stream.linear.scatter [tilespmem:s1], [sflag:$0x4], $0x2000, $0x38;
	[tilespmem:$0x1AD80] =	vst v63  }
0x35c: {  	_ =	swait.ge [sflag:s26], $0xC000  }
0x35d: {  	[sflag:s26] =	ssyncset.done $0x0  }
0x35e: {  	[sflag:s26] =	ssyncadd.s32 $0xFFFF4000  }
0x35f: {  	_ =	swait.ge [sflag:s4], $0x2000  }
0x360: {  	s3 =	rddreg [dreg:$0x14]  }
0x361: {  	s28 =	rddreg [dreg:$0x13];
	s3 =	sadd.s32 $0x1, s3  }
0x362: {  	p0 =	sne.s32 s3, s28  }
.Ltmp4:
0x363: {  	_ = 	snop;
	(pc) =	sbr.rel @p0 .LBB2_1-.Ltmp4, $3  }
0x364: {  	_ =	sdelay $0x1  }
0x365: {  	[sflag:s4] =	ssyncset.done $0x0  }
0x366: {  	[sflag:s4] =	ssyncadd.s32 $0xFFFFE000  }
0x367: {  	_ =	sfence.sel $0x180000  }
0x368: {  	[bflag:$0x0] =	sbarrier.arrive $0xFFFF  }
0x369: {  	_ =	strace $0x90000047  }
0x36a: {  	s0 =	stileid.u32;
	[bflag:$0x2] =	sbarrier.arrive $0xFFFF  }
0x36b: {  	p0 =	sne.s32 s0, $0x0;
	s0 =	rddreg [dreg:$0x9]  }
0x36c: {  	s0 =	sadd.s32 @!p0 $0x100000, s0  }
0x36d: {  	[sflag:s0] =	ssyncadd.tile.s32 @!p0 $0x1;
	_ =	shalt  }
.Lfunc_end2:
_tile_overlayer_lowered:
.L_overlay_start_2:
0x36e: {  	(tag) =	ssettag $0x2  }
0x36f: {  	s0 =	rddreg [dreg:$0x0];
	s2 =	stileid.u32  }
0x370: {  	s1 =	rddreg [dreg:$0x1];
	p0 =	sne.s32 s2, $0x0  }
0x371: {  	s3 =	rddreg [dreg:$0x2];
	[bflag:$0x3] =	sbarrier.arrive $0xFFFF;
	s2 =	simm.s32 @!p0 $0x1C06  }
0x372: {  	[timem:s3], [sflag:s2] =	dma.local @!p0 [hbm:s0], s1  }
0x373: {  	s0 =	simm.s32 @!p0 $0x6  }
0x374: {  	_ =	swait.ge @!p0 [sflag:s0], s1  }
0x375: {  	s1 =	ssub.s32 @!p0 $0x0, s1;
	[sflag:s0] =	ssyncset.done @!p0 $0x0  }
0x376: {  	[sflag:s0] =	ssyncadd.s32 @!p0 s1  }
0x377: {  	[bflag:$0x3] =	sbarrier.arrive $0xFFFF  }
0x378: {  	_ =	shalt  }

</sc_bundles>
